<compile_context>
chip_gen: v7x
topology: tpu7x:2x2x1
jax: 0.10.2.dev20260603
libtpu: 0.0.44.dev20260713+nightly
codegen_flags: <defaults>
</compile_context>

<pallas_src>
import functools

import jax
import jax.numpy as jnp
from jax import lax
from jax.experimental import pallas as pl
from jax.experimental.pallas import tpu as pltpu
from jax.experimental.pallas import tpu_sc as plsc

NUM_EMB = 8192
D_EMB = 256
B = 20000
QK = NUM_EMB // 4

NW = 32
CH = 128
NFULL = B // CH
TAIL = B - NFULL * CH
KMAX = 5

BP = 20480
TR = 1024
NT = BP // TR


def _vq_body(lohi_ref, g_ref, rep_ref, w_ref, enc_ref, loss_ref, wsq_ref):
    t = pl.program_id(0)
    lo = lohi_ref[0, t]
    hi = lohi_ref[1, t]
    rep = rep_ref[...]
    gv = g_ref[0, 0, :]
    rsq = jnp.sum(rep * rep, axis=1)
    rep2 = rep + rep
    ids = lax.broadcasted_iota(jnp.int32, (TR, QK), 1)

    @pl.when(t == 0)
    def _():
        for q in range(4):
            wq = w_ref[q]
            wsq_ref[q] = jnp.sum(wq * wq, axis=1)[None, :]

    def qstep(q, carry):
        best, besti = carry
        wq = w_ref[q]
        y2 = lax.dot_general(rep2, wq, (((1,), (1,)), ((), ())),
                             preferred_element_type=jnp.float32)
        wsq = wsq_ref[q]
        d = (rsq[:, None] + wsq) - y2
        minv = jnp.min(d, axis=1)
        mini = jnp.min(jnp.where(d <= minv[:, None], ids, QK), axis=1)
        msk = gv == q
        best = jnp.where(msk, minv, best)
        besti = jnp.where(msk, mini + q * QK, besti)
        return best, besti

    best0 = jnp.full((TR,), jnp.inf, jnp.float32)
    besti0 = jnp.zeros((TR,), jnp.int32)
    best, besti = lax.fori_loop(lo, hi + 1, qstep, (best0, besti0))
    enc_ref[0, 0, :] = besti
    part = jnp.sum(jnp.where(gv >= 0, best, 0.0))

    @pl.when(t == 0)
    def _():
        loss_ref[0, 0] = 0.0

    loss_ref[0, 0] += part


def _encode(lohi, gs3, rep_s, w4):
    enc3, loss = pl.pallas_call(
        _vq_body,
        grid_spec=pltpu.PrefetchScalarGridSpec(
            num_scalar_prefetch=1,
            grid=(NT,),
            in_specs=[
                pl.BlockSpec((1, 1, TR), lambda t, s: (t, 0, 0)),
                pl.BlockSpec((TR, D_EMB), lambda t, s: (t, 0)),
                pl.BlockSpec((4, QK, D_EMB), lambda t, s: (0, 0, 0)),
            ],
            out_specs=[
                pl.BlockSpec((1, 1, TR), lambda t, s: (t, 0, 0)),
                pl.BlockSpec(memory_space=pltpu.SMEM),
            ],
            scratch_shapes=[pltpu.VMEM((4, 1, QK), jnp.float32)],
        ),
        out_shape=[
            jax.ShapeDtypeStruct((NT, 1, TR), jnp.int32),
            jax.ShapeDtypeStruct((1, 1), jnp.float32),
        ],
    )(lohi, gs3, rep_s, w4)
    return enc3.reshape(BP), loss[0, 0]


def _mesh():
    return plsc.VectorSubcoreMesh(core_axis_name="c", subcore_axis_name="s")


_RING_SCRATCH = (
    [pltpu.VMEM((CH,), jnp.int32) for _ in range(KMAX)]
    + [pltpu.VMEM((TAIL,), jnp.int32)]
    + [pltpu.VMEM((CH, D_EMB), jnp.float32) for _ in range(3)]
    + [pltpu.VMEM((TAIL, D_EMB), jnp.float32)]
    + [pltpu.SemaphoreType.DMA] * 9
)

_NLAST = NFULL - (KMAX - 1) * NW


def _ring_pipeline(wid, idx_hbm, idx_refs, it, bufs, bt, isem, rsems, ssems,
                   lit, st, fire_move, fire_out, tail_fn):
    nfix = KMAX - 1
    ixd = [None] * nfix
    for k in range(nfix):
        off = (wid + NW * k) * CH
        ixd[k] = pltpu.async_copy(idx_hbm.at[pl.ds(off, CH)], idx_refs[k],
                                  isem)
    for k in range(nfix):
        ixd[k].wait()

    md, sd = [None] * nfix, [None] * nfix
    for k in range(3):
        md[k] = fire_move(k, k % 3)
    for k in range(nfix):
        md[k].wait()
        sd[k] = fire_out(k, k % 3)
        if k + 3 < nfix:
            sd[k].wait()
            md[k + 3] = fire_move(k + 3, (k + 3) % 3)
    for k in range(max(0, nfix - 3), nfix):
        sd[k].wait()

    @pl.when(wid < _NLAST)
    def _():
        off = (wid + NW * nfix) * CH
        pltpu.sync_copy(idx_hbm.at[pl.ds(off, CH)], idx_refs[nfix])
        md4 = fire_move(nfix, 0)
        md4.wait()
        fire_out(nfix, 0).wait()

    @pl.when(wid == NW - 1)
    def _():
        pltpu.sync_copy(idx_hbm.at[pl.ds(NFULL * CH, TAIL)], it)
        tail_fn()


@functools.lru_cache(maxsize=1)
def _sc_sort_scatter_fn():

    @functools.partial(
        pl.kernel,
        mesh=_mesh(),
        out_type=jax.ShapeDtypeStruct((BP, D_EMB), jnp.float32),
        scratch_types=list(_RING_SCRATCH),
    )
    def _go(rep_hbm, pos_hbm, out_hbm, i0, i1, i2, i3, i4, it, b0, b1, b2,
            bt, isem, r0, r1, r2, s0, s1, s2, lit, st):
        wid = lax.axis_index("s") * 2 + lax.axis_index("c")
        idx_refs, bufs = (i0, i1, i2, i3, i4), (b0, b1, b2)
        rsems, ssems = (r0, r1, r2), (s0, s1, s2)

        def fire_move(k, r):
            off = (wid + NW * k) * CH
            return pltpu.async_copy(rep_hbm.at[pl.ds(off, CH), :], bufs[r],
                                    rsems[r])

        def fire_out(k, r):
            return pltpu.async_copy(bufs[r], out_hbm.at[idx_refs[k]],
                                    ssems[r])

        def tail_fn():
            off = NFULL * CH
            pltpu.async_copy(rep_hbm.at[pl.ds(off, TAIL), :], bt, lit).wait()
            pltpu.async_copy(bt, out_hbm.at[it], st).wait()

        _ring_pipeline(wid, pos_hbm, idx_refs, it, bufs, bt, isem, rsems,
                       ssems, lit, st, fire_move, fire_out, tail_fn)

    return _go


@functools.lru_cache(maxsize=1)
def _sc_lookup_fn():

    @functools.partial(
        pl.kernel,
        mesh=_mesh(),
        out_type=jax.ShapeDtypeStruct((B, D_EMB), jnp.float32),
        scratch_types=list(_RING_SCRATCH),
    )
    def _go(w_hbm, enc_hbm, out_hbm, i0, i1, i2, i3, i4, it, b0, b1, b2,
            bt, isem, r0, r1, r2, s0, s1, s2, lit, st):
        wid = lax.axis_index("s") * 2 + lax.axis_index("c")
        idx_refs, bufs = (i0, i1, i2, i3, i4), (b0, b1, b2)
        rsems, ssems = (r0, r1, r2), (s0, s1, s2)

        def fire_move(k, r):
            return pltpu.async_copy(w_hbm.at[idx_refs[k]], bufs[r], rsems[r])

        def fire_out(k, r):
            off = (wid + NW * k) * CH
            return pltpu.async_copy(bufs[r], out_hbm.at[pl.ds(off, CH), :],
                                    ssems[r])

        def tail_fn():
            off = NFULL * CH
            pltpu.async_copy(w_hbm.at[it], bt, lit).wait()
            pltpu.async_copy(bt, out_hbm.at[pl.ds(off, TAIL), :], st).wait()

        _ring_pipeline(wid, enc_hbm, idx_refs, it, bufs, bt, isem, rsems,
                       ssems, lit, st, fire_move, fire_out, tail_fn)

    return _go


def kernel(node_type, node_representation, W):
    rep = node_representation.astype(jnp.float32)
    w = W.astype(jnp.float32)
    nt = node_type.astype(jnp.int32)
    g = jnp.where(nt == 5, 0, jnp.where(nt == 6, 1, jnp.where(nt == 7, 2, 3)))

    a = jnp.where(g == 0, 1, 0) + jnp.where(g == 1, 1 << 16, 0)
    b = jnp.where(g == 2, 1, 0) + jnp.where(g == 3, 1 << 16, 0)
    ca = jnp.cumsum(a)
    cb = jnp.cumsum(b)
    m16 = jnp.int32(0xFFFF)
    totals = jnp.stack([ca[B - 1] & m16, ca[B - 1] >> 16,
                        cb[B - 1] & m16, cb[B - 1] >> 16])
    offsets = jnp.concatenate(
        [jnp.zeros((1,), jnp.int32), jnp.cumsum(totals)[:3]])
    rank = jnp.where(g == 0, ca & m16,
                     jnp.where(g == 1, ca >> 16,
                               jnp.where(g == 2, cb & m16, cb >> 16))) - 1
    pos = offsets[g] + rank
    co = jnp.cumsum(totals)[:3]
    gs = jnp.sum(
        (jnp.arange(B, dtype=jnp.int32)[:, None] >= co[None, :]),
        axis=1).astype(jnp.int32)

    rep_s = _sc_sort_scatter_fn()(rep, pos)

    pad_g = jnp.full((BP - B,), -1, jnp.int32)
    gs3 = jnp.concatenate([gs, pad_g]).reshape(NT, 1, TR)
    tstart = jnp.arange(NT, dtype=jnp.int32) * TR
    lo = gs[jnp.minimum(tstart, B - 1)]
    hi = gs[jnp.minimum(tstart + TR - 1, B - 1)]
    lohi = jnp.stack([lo, hi])

    w4 = w.reshape(4, QK, D_EMB)
    enc_s, loss_sum = _encode(lohi, gs3, rep_s, w4)
    enc = enc_s[pos]

    quantized = _sc_lookup_fn()(w, enc)
    vq_loss = loss_sum / jnp.float32(B * D_EMB)
    commitment_loss = jnp.float32(0.25) * vq_loss
    return (vq_loss, commitment_loss, enc, quantized)

# --- scband reference (transcript-rebuilt; emitter-appended) ---
"""Pipeline reference for scband-vector-quantizer-53369263620694 (READ-ONLY COPY).

The authoritative reference and input builder live on the scoring server;
editing this copy changes nothing except your own understanding.
"""

import jax, jax.numpy as jnp
import numpy as np

NUM_EMB = 8192
D_EMB = 256
B = 20000
CC = 0.25


def setup_inputs(seed: int = 0) -> dict:
    key = jax.random.key(seed)
    k1, k2, k3 = jax.random.split(key, 3)
    node_type = jax.random.randint(k1, (B,), 0, 10)
    node_representation = jax.random.normal(k2, (B, D_EMB), dtype=jnp.float32)
    W = jax.random.normal(k3, (NUM_EMB, D_EMB), dtype=jnp.float32) * 0.02
    return {"node_type": node_type, "node_representation": node_representation, "W": W}


def _get_code_indices(node_type, rep, W):
    q1 = NUM_EMB // 4
    q2 = NUM_EMB // 2
    q3 = (NUM_EMB * 3) // 4
    c_mask = node_type == 5
    n_mask = node_type == 6
    o_mask = node_type == 7
    others_mask = ~(c_mask | n_mask | o_mask)
    rep_sq = jnp.sum(rep ** 2, axis=1, keepdims=True)
    enc = jnp.ones((rep.shape[0],), dtype=jnp.int32)
    groups = [(c_mask, 0, q1), (n_mask, q1, q2), (o_mask, q2, q3), (others_mask, q3, NUM_EMB)]
    for mask, lo, hi in groups:
        sub = W[lo:hi]
        dist = rep_sq + jnp.sum(sub ** 2, axis=1) - 2.0 * jnp.matmul(rep, sub.T)
        idx = jnp.argmin(dist, axis=1).astype(jnp.int32) + lo
        enc = jnp.where(mask, idx, enc)
    return enc


def reference(node_type, node_representation, W):
    enc = _get_code_indices(node_type, node_representation, W)
    quantized = jnp.take(W, enc, axis=0)
    vq_loss = jnp.mean((quantized - jax.lax.stop_gradient(node_representation)) ** 2)
    commitment_loss = CC * jnp.mean((node_representation - jax.lax.stop_gradient(quantized)) ** 2)
    quantized_out = node_representation + jax.lax.stop_gradient(quantized - node_representation)
    return (vq_loss, commitment_loss, enc, quantized_out)

if __name__ == "__main__":
    import jax
    _d = setup_inputs()
    print(jax.jit(kernel)(*tuple(_d.values())))

</pallas_src>

<mosaic_0001>
#map = affine_map<(d0, d1) -> (0, 0)>
#map1 = affine_map<(d0, d1) -> (0)>
module attributes {stable_mosaic.version = 14 : i64} {
  func.func @_go(%arg0: i32, %arg1: i32, %arg2: memref<8192x256xf32, #tpu.memory_space<hbm>>, %arg3: memref<20000xi32, #tpu.memory_space<hbm>>, %arg4: memref<20000x256xf32, #tpu.memory_space<hbm>>, %arg5: memref<128xi32, #tpu.memory_space<vmem>>, %arg6: memref<128xi32, #tpu.memory_space<vmem>>, %arg7: memref<128xi32, #tpu.memory_space<vmem>>, %arg8: memref<128xi32, #tpu.memory_space<vmem>>, %arg9: memref<128xi32, #tpu.memory_space<vmem>>, %arg10: memref<32xi32, #tpu.memory_space<vmem>>, %arg11: memref<128x256xf32, #tpu.memory_space<vmem>>, %arg12: memref<128x256xf32, #tpu.memory_space<vmem>>, %arg13: memref<128x256xf32, #tpu.memory_space<vmem>>, %arg14: memref<32x256xf32, #tpu.memory_space<vmem>>, %arg15: memref<!tpu.dma_semaphore, #tpu.memory_space<semaphore_mem>>, %arg16: memref<!tpu.dma_semaphore, #tpu.memory_space<semaphore_mem>>, %arg17: memref<!tpu.dma_semaphore, #tpu.memory_space<semaphore_mem>>, %arg18: memref<!tpu.dma_semaphore, #tpu.memory_space<semaphore_mem>>, %arg19: memref<!tpu.dma_semaphore, #tpu.memory_space<semaphore_mem>>, %arg20: memref<!tpu.dma_semaphore, #tpu.memory_space<semaphore_mem>>, %arg21: memref<!tpu.dma_semaphore, #tpu.memory_space<semaphore_mem>>, %arg22: memref<!tpu.dma_semaphore, #tpu.memory_space<semaphore_mem>>, %arg23: memref<!tpu.dma_semaphore, #tpu.memory_space<semaphore_mem>>) attributes {dimension_semantics = [#tpu.dimension_semantics<core_parallel>, #tpu.dimension_semantics<subcore_parallel>], iteration_bounds = array<i64: 2, 16>, scalar_prefetch = 0 : i64, scratch_operands = 19 : i64, tpu.core_type = #tpu.core_type<sc_vector_subcore>, window_params = [{transform_indices = #map}, {transform_indices = #map1}, {transform_indices = #map}]} {
    %mul3A = arith.constant 2 : i32
    %mul3A_0 = arith.muli %arg1, %mul3A : i32
    %add3A = arith.addi %mul3A_0, %arg0 : i32
    %add3A_1 = arith.constant 0 : i32
    %add3A_2 = arith.addi %add3A, %add3A_1 : i32
    %mul3A_3 = arith.constant 128 : i32
    %mul3A_4 = arith.muli %add3A_2, %mul3A_3 : i32
    %dma_start3A = tpu.memref_slice %arg3[%mul3A_4] : memref<20000xi32, #tpu.memory_space<hbm>> -> memref<128xi32, #tpu.memory_space<hbm>>
    %dma_start3A_5 = tpu.memref_slice %arg3[%mul3A_4] : memref<20000xi32, #tpu.memory_space<hbm>> -> memref<128xi32, #tpu.memory_space<hbm>>
    tpu.enqueue_dma source(%dma_start3A_5 : memref<128xi32, #tpu.memory_space<hbm>>) target(%arg5 : memref<128xi32, #tpu.memory_space<vmem>>) target_semaphore(%arg15 : memref<!tpu.dma_semaphore, #tpu.memory_space<semaphore_mem>>)
    %add3A_6 = arith.constant 32 : i32
    %add3A_7 = arith.addi %add3A, %add3A_6 : i32
    %mul3A_8 = arith.constant 128 : i32
    %mul3A_9 = arith.muli %add3A_7, %mul3A_8 : i32
    %dma_start3A_10 = tpu.memref_slice %arg3[%mul3A_9] : memref<20000xi32, #tpu.memory_space<hbm>> -> memref<128xi32, #tpu.memory_space<hbm>>
    %dma_start3A_11 = tpu.memref_slice %arg3[%mul3A_9] : memref<20000xi32, #tpu.memory_space<hbm>> -> memref<128xi32, #tpu.memory_space<hbm>>
    tpu.enqueue_dma source(%dma_start3A_11 : memref<128xi32, #tpu.memory_space<hbm>>) target(%arg6 : memref<128xi32, #tpu.memory_space<vmem>>) target_semaphore(%arg15 : memref<!tpu.dma_semaphore, #tpu.memory_space<semaphore_mem>>)
    %add3A_12 = arith.constant 64 : i32
    %add3A_13 = arith.addi %add3A, %add3A_12 : i32
    %mul3A_14 = arith.constant 128 : i32
    %mul3A_15 = arith.muli %add3A_13, %mul3A_14 : i32
    %dma_start3A_16 = tpu.memref_slice %arg3[%mul3A_15] : memref<20000xi32, #tpu.memory_space<hbm>> -> memref<128xi32, #tpu.memory_space<hbm>>
    %dma_start3A_17 = tpu.memref_slice %arg3[%mul3A_15] : memref<20000xi32, #tpu.memory_space<hbm>> -> memref<128xi32, #tpu.memory_space<hbm>>
    tpu.enqueue_dma source(%dma_start3A_17 : memref<128xi32, #tpu.memory_space<hbm>>) target(%arg7 : memref<128xi32, #tpu.memory_space<vmem>>) target_semaphore(%arg15 : memref<!tpu.dma_semaphore, #tpu.memory_space<semaphore_mem>>)
    %add3A_18 = arith.constant 96 : i32
    %add3A_19 = arith.addi %add3A, %add3A_18 : i32
    %mul3A_20 = arith.constant 128 : i32
    %mul3A_21 = arith.muli %add3A_19, %mul3A_20 : i32
    %dma_start3A_22 = tpu.memref_slice %arg3[%mul3A_21] : memref<20000xi32, #tpu.memory_space<hbm>> -> memref<128xi32, #tpu.memory_space<hbm>>
    %dma_start3A_23 = tpu.memref_slice %arg3[%mul3A_21] : memref<20000xi32, #tpu.memory_space<hbm>> -> memref<128xi32, #tpu.memory_space<hbm>>
    tpu.enqueue_dma source(%dma_start3A_23 : memref<128xi32, #tpu.memory_space<hbm>>) target(%arg8 : memref<128xi32, #tpu.memory_space<vmem>>) target_semaphore(%arg15 : memref<!tpu.dma_semaphore, #tpu.memory_space<semaphore_mem>>)
    %dma_wait3A = tpu.memref_slice %arg3[%mul3A_4] : memref<20000xi32, #tpu.memory_space<hbm>> -> memref<128xi32, #tpu.memory_space<hbm>>
    %dma_wait3A_24 = tpu.memref_slice %arg3[%mul3A_4] : memref<20000xi32, #tpu.memory_space<hbm>> -> memref<128xi32, #tpu.memory_space<hbm>>
    tpu.wait_dma2 semaphore(%arg15 : memref<!tpu.dma_semaphore, #tpu.memory_space<semaphore_mem>>) src(%dma_wait3A_24 : memref<128xi32, #tpu.memory_space<hbm>>) dst(%arg5 : memref<128xi32, #tpu.memory_space<vmem>>)
    %dma_wait3A_25 = tpu.memref_slice %arg3[%mul3A_9] : memref<20000xi32, #tpu.memory_space<hbm>> -> memref<128xi32, #tpu.memory_space<hbm>>
    %dma_wait3A_26 = tpu.memref_slice %arg3[%mul3A_9] : memref<20000xi32, #tpu.memory_space<hbm>> -> memref<128xi32, #tpu.memory_space<hbm>>
    tpu.wait_dma2 semaphore(%arg15 : memref<!tpu.dma_semaphore, #tpu.memory_space<semaphore_mem>>) src(%dma_wait3A_26 : memref<128xi32, #tpu.memory_space<hbm>>) dst(%arg6 : memref<128xi32, #tpu.memory_space<vmem>>)
    %dma_wait3A_27 = tpu.memref_slice %arg3[%mul3A_15] : memref<20000xi32, #tpu.memory_space<hbm>> -> memref<128xi32, #tpu.memory_space<hbm>>
    %dma_wait3A_28 = tpu.memref_slice %arg3[%mul3A_15] : memref<20000xi32, #tpu.memory_space<hbm>> -> memref<128xi32, #tpu.memory_space<hbm>>
    tpu.wait_dma2 semaphore(%arg15 : memref<!tpu.dma_semaphore, #tpu.memory_space<semaphore_mem>>) src(%dma_wait3A_28 : memref<128xi32, #tpu.memory_space<hbm>>) dst(%arg7 : memref<128xi32, #tpu.memory_space<vmem>>)
    %dma_wait3A_29 = tpu.memref_slice %arg3[%mul3A_21] : memref<20000xi32, #tpu.memory_space<hbm>> -> memref<128xi32, #tpu.memory_space<hbm>>
    %dma_wait3A_30 = tpu.memref_slice %arg3[%mul3A_21] : memref<20000xi32, #tpu.memory_space<hbm>> -> memref<128xi32, #tpu.memory_space<hbm>>
    tpu.wait_dma2 semaphore(%arg15 : memref<!tpu.dma_semaphore, #tpu.memory_space<semaphore_mem>>) src(%dma_wait3A_30 : memref<128xi32, #tpu.memory_space<hbm>>) dst(%arg8 : memref<128xi32, #tpu.memory_space<vmem>>)
    %dma_start3A_31 = arith.constant 0 : i32
    %dma_start3A_32 = arith.constant 0 : i32
    %dma_start3A_33 = tpu.memref_slice %arg2[%dma_start3A_31, %dma_start3A_32] : memref<8192x256xf32, #tpu.memory_space<hbm>> -> memref<8192x256xf32, #tpu.memory_space<hbm>>
    tpu.enqueue_indirect_dma source(%dma_start3A_33 : memref<8192x256xf32, #tpu.memory_space<hbm>>) target(%arg11 : memref<128x256xf32, #tpu.memory_space<vmem>>) offsets(%arg5 : memref<128xi32, #tpu.memory_space<vmem>>) semaphore(%arg16 : memref<!tpu.dma_semaphore, #tpu.memory_space<semaphore_mem>>)
    %dma_start3A_34 = arith.constant 0 : i32
    %dma_start3A_35 = arith.constant 0 : i32
    %dma_start3A_36 = tpu.memref_slice %arg2[%dma_start3A_34, %dma_start3A_35] : memref<8192x256xf32, #tpu.memory_space<hbm>> -> memref<8192x256xf32, #tpu.memory_space<hbm>>
    tpu.enqueue_indirect_dma source(%dma_start3A_36 : memref<8192x256xf32, #tpu.memory_space<hbm>>) target(%arg12 : memref<128x256xf32, #tpu.memory_space<vmem>>) offsets(%arg6 : memref<128xi32, #tpu.memory_space<vmem>>) semaphore(%arg17 : memref<!tpu.dma_semaphore, #tpu.memory_space<semaphore_mem>>)
    %dma_start3A_37 = arith.constant 0 : i32
    %dma_start3A_38 = arith.constant 0 : i32
    %dma_start3A_39 = tpu.memref_slice %arg2[%dma_start3A_37, %dma_start3A_38] : memref<8192x256xf32, #tpu.memory_space<hbm>> -> memref<8192x256xf32, #tpu.memory_space<hbm>>
    tpu.enqueue_indirect_dma source(%dma_start3A_39 : memref<8192x256xf32, #tpu.memory_space<hbm>>) target(%arg13 : memref<128x256xf32, #tpu.memory_space<vmem>>) offsets(%arg7 : memref<128xi32, #tpu.memory_space<vmem>>) semaphore(%arg18 : memref<!tpu.dma_semaphore, #tpu.memory_space<semaphore_mem>>)
    %dma_wait3A_40 = arith.constant 0 : i32
    %dma_wait3A_41 = arith.constant 0 : i32
    %dma_wait3A_42 = tpu.memref_slice %arg2[%dma_wait3A_40, %dma_wait3A_41] : memref<8192x256xf32, #tpu.memory_space<hbm>> -> memref<8192x256xf32, #tpu.memory_space<hbm>>
    tpu.wait_indirect_dma semaphore(%arg16 : memref<!tpu.dma_semaphore, #tpu.memory_space<semaphore_mem>>) src(%dma_wait3A_42 : memref<8192x256xf32, #tpu.memory_space<hbm>>) dst(%arg11 : memref<128x256xf32, #tpu.memory_space<vmem>>)
    %add3A_43 = arith.constant 0 : i32
    %add3A_44 = arith.addi %add3A, %add3A_43 : i32
    %mul3A_45 = arith.constant 128 : i32
    %mul3A_46 = arith.muli %add3A_44, %mul3A_45 : i32
    %dma_start3A_47 = arith.constant 0 : i32
    %dma_start3A_48 = tpu.memref_slice %arg4[%mul3A_46, %dma_start3A_47] : memref<20000x256xf32, #tpu.memory_space<hbm>> -> memref<128x256xf32, #tpu.memory_space<hbm>>
    %dma_start3A_49 = arith.constant 0 : i32
    %dma_start3A_50 = tpu.memref_slice %arg4[%mul3A_46, %dma_start3A_49] : memref<20000x256xf32, #tpu.memory_space<hbm>> -> memref<128x256xf32, #tpu.memory_space<hbm>>
    tpu.enqueue_dma source(%arg11 : memref<128x256xf32, #tpu.memory_space<vmem>>) target(%dma_start3A_50 : memref<128x256xf32, #tpu.memory_space<hbm>>) target_semaphore(%arg19 : memref<!tpu.dma_semaphore, #tpu.memory_space<semaphore_mem>>)
    %dma_wait3A_51 = arith.constant 0 : i32
    %dma_wait3A_52 = tpu.memref_slice %arg4[%mul3A_46, %dma_wait3A_51] : memref<20000x256xf32, #tpu.memory_space<hbm>> -> memref<128x256xf32, #tpu.memory_space<hbm>>
    %dma_wait3A_53 = arith.constant 0 : i32
    %dma_wait3A_54 = tpu.memref_slice %arg4[%mul3A_46, %dma_wait3A_53] : memref<20000x256xf32, #tpu.memory_space<hbm>> -> memref<128x256xf32, #tpu.memory_space<hbm>>
    tpu.wait_dma2 semaphore(%arg19 : memref<!tpu.dma_semaphore, #tpu.memory_space<semaphore_mem>>) src(%arg11 : memref<128x256xf32, #tpu.memory_space<vmem>>) dst(%dma_wait3A_54 : memref<128x256xf32, #tpu.memory_space<hbm>>)
    %dma_start3A_55 = arith.constant 0 : i32
    %dma_start3A_56 = arith.constant 0 : i32
    %dma_start3A_57 = tpu.memref_slice %arg2[%dma_start3A_55, %dma_start3A_56] : memref<8192x256xf32, #tpu.memory_space<hbm>> -> memref<8192x256xf32, #tpu.memory_space<hbm>>
    tpu.enqueue_indirect_dma source(%dma_start3A_57 : memref<8192x256xf32, #tpu.memory_space<hbm>>) target(%arg11 : memref<128x256xf32, #tpu.memory_space<vmem>>) offsets(%arg8 : memref<128xi32, #tpu.memory_space<vmem>>) semaphore(%arg16 : memref<!tpu.dma_semaphore, #tpu.memory_space<semaphore_mem>>)
    %dma_wait3A_58 = arith.constant 0 : i32
    %dma_wait3A_59 = arith.constant 0 : i32
    %dma_wait3A_60 = tpu.memref_slice %arg2[%dma_wait3A_58, %dma_wait3A_59] : memref<8192x256xf32, #tpu.memory_space<hbm>> -> memref<8192x256xf32, #tpu.memory_space<hbm>>
    tpu.wait_indirect_dma semaphore(%arg17 : memref<!tpu.dma_semaphore, #tpu.memory_space<semaphore_mem>>) src(%dma_wait3A_60 : memref<8192x256xf32, #tpu.memory_space<hbm>>) dst(%arg12 : memref<128x256xf32, #tpu.memory_space<vmem>>)
    %add3A_61 = arith.constant 32 : i32
    %add3A_62 = arith.addi %add3A, %add3A_61 : i32
    %mul3A_63 = arith.constant 128 : i32
    %mul3A_64 = arith.muli %add3A_62, %mul3A_63 : i32
    %dma_start3A_65 = arith.constant 0 : i32
    %dma_start3A_66 = tpu.memref_slice %arg4[%mul3A_64, %dma_start3A_65] : memref<20000x256xf32, #tpu.memory_space<hbm>> -> memref<128x256xf32, #tpu.memory_space<hbm>>
    %dma_start3A_67 = arith.constant 0 : i32
    %dma_start3A_68 = tpu.memref_slice %arg4[%mul3A_64, %dma_start3A_67] : memref<20000x256xf32, #tpu.memory_space<hbm>> -> memref<128x256xf32, #tpu.memory_space<hbm>>
    tpu.enqueue_dma source(%arg12 : memref<128x256xf32, #tpu.memory_space<vmem>>) target(%dma_start3A_68 : memref<128x256xf32, #tpu.memory_space<hbm>>) target_semaphore(%arg20 : memref<!tpu.dma_semaphore, #tpu.memory_space<semaphore_mem>>)
    %dma_wait3A_69 = arith.constant 0 : i32
    %dma_wait3A_70 = arith.constant 0 : i32
    %dma_wait3A_71 = tpu.memref_slice %arg2[%dma_wait3A_69, %dma_wait3A_70] : memref<8192x256xf32, #tpu.memory_space<hbm>> -> memref<8192x256xf32, #tpu.memory_space<hbm>>
    tpu.wait_indirect_dma semaphore(%arg18 : memref<!tpu.dma_semaphore, #tpu.memory_space<semaphore_mem>>) src(%dma_wait3A_71 : memref<8192x256xf32, #tpu.memory_space<hbm>>) dst(%arg13 : memref<128x256xf32, #tpu.memory_space<vmem>>)
    %add3A_72 = arith.constant 64 : i32
    %add3A_73 = arith.addi %add3A, %add3A_72 : i32
    %mul3A_74 = arith.constant 128 : i32
    %mul3A_75 = arith.muli %add3A_73, %mul3A_74 : i32
    %dma_start3A_76 = arith.constant 0 : i32
    %dma_start3A_77 = tpu.memref_slice %arg4[%mul3A_75, %dma_start3A_76] : memref<20000x256xf32, #tpu.memory_space<hbm>> -> memref<128x256xf32, #tpu.memory_space<hbm>>
    %dma_start3A_78 = arith.constant 0 : i32
    %dma_start3A_79 = tpu.memref_slice %arg4[%mul3A_75, %dma_start3A_78] : memref<20000x256xf32, #tpu.memory_space<hbm>> -> memref<128x256xf32, #tpu.memory_space<hbm>>
    tpu.enqueue_dma source(%arg13 : memref<128x256xf32, #tpu.memory_space<vmem>>) target(%dma_start3A_79 : memref<128x256xf32, #tpu.memory_space<hbm>>) target_semaphore(%arg21 : memref<!tpu.dma_semaphore, #tpu.memory_space<semaphore_mem>>)
    %dma_wait3A_80 = arith.constant 0 : i32
    %dma_wait3A_81 = arith.constant 0 : i32
    %dma_wait3A_82 = tpu.memref_slice %arg2[%dma_wait3A_80, %dma_wait3A_81] : memref<8192x256xf32, #tpu.memory_space<hbm>> -> memref<8192x256xf32, #tpu.memory_space<hbm>>
    tpu.wait_indirect_dma semaphore(%arg16 : memref<!tpu.dma_semaphore, #tpu.memory_space<semaphore_mem>>) src(%dma_wait3A_82 : memref<8192x256xf32, #tpu.memory_space<hbm>>) dst(%arg11 : memref<128x256xf32, #tpu.memory_space<vmem>>)
    %add3A_83 = arith.constant 96 : i32
    %add3A_84 = arith.addi %add3A, %add3A_83 : i32
    %mul3A_85 = arith.constant 128 : i32
    %mul3A_86 = arith.muli %add3A_84, %mul3A_85 : i32
    %dma_start3A_87 = arith.constant 0 : i32
    %dma_start3A_88 = tpu.memref_slice %arg4[%mul3A_86, %dma_start3A_87] : memref<20000x256xf32, #tpu.memory_space<hbm>> -> memref<128x256xf32, #tpu.memory_space<hbm>>
    %dma_start3A_89 = arith.constant 0 : i32
    %dma_start3A_90 = tpu.memref_slice %arg4[%mul3A_86, %dma_start3A_89] : memref<20000x256xf32, #tpu.memory_space<hbm>> -> memref<128x256xf32, #tpu.memory_space<hbm>>
    tpu.enqueue_dma source(%arg11 : memref<128x256xf32, #tpu.memory_space<vmem>>) target(%dma_start3A_90 : memref<128x256xf32, #tpu.memory_space<hbm>>) target_semaphore(%arg19 : memref<!tpu.dma_semaphore, #tpu.memory_space<semaphore_mem>>)
    %dma_wait3A_91 = arith.constant 0 : i32
    %dma_wait3A_92 = tpu.memref_slice %arg4[%mul3A_64, %dma_wait3A_91] : memref<20000x256xf32, #tpu.memory_space<hbm>> -> memref<128x256xf32, #tpu.memory_space<hbm>>
    %dma_wait3A_93 = arith.constant 0 : i32
    %dma_wait3A_94 = tpu.memref_slice %arg4[%mul3A_64, %dma_wait3A_93] : memref<20000x256xf32, #tpu.memory_space<hbm>> -> memref<128x256xf32, #tpu.memory_space<hbm>>
    tpu.wait_dma2 semaphore(%arg20 : memref<!tpu.dma_semaphore, #tpu.memory_space<semaphore_mem>>) src(%arg12 : memref<128x256xf32, #tpu.memory_space<vmem>>) dst(%dma_wait3A_94 : memref<128x256xf32, #tpu.memory_space<hbm>>)
    %dma_wait3A_95 = arith.constant 0 : i32
    %dma_wait3A_96 = tpu.memref_slice %arg4[%mul3A_75, %dma_wait3A_95] : memref<20000x256xf32, #tpu.memory_space<hbm>> -> memref<128x256xf32, #tpu.memory_space<hbm>>
    %dma_wait3A_97 = arith.constant 0 : i32
    %dma_wait3A_98 = tpu.memref_slice %arg4[%mul3A_75, %dma_wait3A_97] : memref<20000x256xf32, #tpu.memory_space<hbm>> -> memref<128x256xf32, #tpu.memory_space<hbm>>
    tpu.wait_dma2 semaphore(%arg21 : memref<!tpu.dma_semaphore, #tpu.memory_space<semaphore_mem>>) src(%arg13 : memref<128x256xf32, #tpu.memory_space<vmem>>) dst(%dma_wait3A_98 : memref<128x256xf32, #tpu.memory_space<hbm>>)
    %dma_wait3A_99 = arith.constant 0 : i32
    %dma_wait3A_100 = tpu.memref_slice %arg4[%mul3A_86, %dma_wait3A_99] : memref<20000x256xf32, #tpu.memory_space<hbm>> -> memref<128x256xf32, #tpu.memory_space<hbm>>
    %dma_wait3A_101 = arith.constant 0 : i32
    %dma_wait3A_102 = tpu.memref_slice %arg4[%mul3A_86, %dma_wait3A_101] : memref<20000x256xf32, #tpu.memory_space<hbm>> -> memref<128x256xf32, #tpu.memory_space<hbm>>
    tpu.wait_dma2 semaphore(%arg19 : memref<!tpu.dma_semaphore, #tpu.memory_space<semaphore_mem>>) src(%arg11 : memref<128x256xf32, #tpu.memory_space<vmem>>) dst(%dma_wait3A_102 : memref<128x256xf32, #tpu.memory_space<hbm>>)
    %lt3A = arith.constant 28 : i32
    %lt3A_103 = arith.cmpi slt, %add3A, %lt3A : i32
    %convert_element_type3A = arith.extui %lt3A_103 : i1 to i32
    %cond3A = arith.constant 0 : i32
    %cond3A_104 = arith.cmpi ne, %convert_element_type3A, %cond3A : i32
    scf.if %cond3A_104 {
      %add3A_109 = arith.constant 128 : i32
      %add3A_110 = arith.addi %add3A, %add3A_109 : i32
      %mul3A_111 = arith.constant 128 : i32
      %mul3A_112 = arith.muli %add3A_110, %mul3A_111 : i32
      "tpu.region"() ({
        %run_scoped3A = tpu.sem_alloc : memref<!tpu.dma_semaphore, #tpu.memory_space<semaphore_mem>>
        %dma_start3A_131 = tpu.memref_slice %arg3[%mul3A_112] : memref<20000xi32, #tpu.memory_space<hbm>> -> memref<128xi32, #tpu.memory_space<hbm>>
        %dma_start3A_132 = tpu.memref_slice %arg3[%mul3A_112] : memref<20000xi32, #tpu.memory_space<hbm>> -> memref<128xi32, #tpu.memory_space<hbm>>
        tpu.enqueue_dma source(%dma_start3A_132 : memref<128xi32, #tpu.memory_space<hbm>>) target(%arg9 : memref<128xi32, #tpu.memory_space<vmem>>) target_semaphore(%run_scoped3A : memref<!tpu.dma_semaphore, #tpu.memory_space<semaphore_mem>>)
        %dma_wait3A_133 = tpu.memref_slice %arg3[%mul3A_112] : memref<20000xi32, #tpu.memory_space<hbm>> -> memref<128xi32, #tpu.memory_space<hbm>>
        %dma_wait3A_134 = tpu.memref_slice %arg3[%mul3A_112] : memref<20000xi32, #tpu.memory_space<hbm>> -> memref<128xi32, #tpu.memory_space<hbm>>
        tpu.wait_dma2 semaphore(%run_scoped3A : memref<!tpu.dma_semaphore, #tpu.memory_space<semaphore_mem>>) src(%dma_wait3A_134 : memref<128xi32, #tpu.memory_space<hbm>>) dst(%arg9 : memref<128xi32, #tpu.memory_space<vmem>>)
        tpu.yield
      }) : () -> ()
      %dma_start3A_113 = arith.constant 0 : i32
      %dma_start3A_114 = arith.constant 0 : i32
      %dma_start3A_115 = tpu.memref_slice %arg2[%dma_start3A_113, %dma_start3A_114] : memref<8192x256xf32, #tpu.memory_space<hbm>> -> memref<8192x256xf32, #tpu.memory_space<hbm>>
      tpu.enqueue_indirect_dma source(%dma_start3A_115 : memref<8192x256xf32, #tpu.memory_space<hbm>>) target(%arg11 : memref<128x256xf32, #tpu.memory_space<vmem>>) offsets(%arg9 : memref<128xi32, #tpu.memory_space<vmem>>) semaphore(%arg16 : memref<!tpu.dma_semaphore, #tpu.memory_space<semaphore_mem>>)
      %dma_wait3A_116 = arith.constant 0 : i32
      %dma_wait3A_117 = arith.constant 0 : i32
      %dma_wait3A_118 = tpu.memref_slice %arg2[%dma_wait3A_116, %dma_wait3A_117] : memref<8192x256xf32, #tpu.memory_space<hbm>> -> memref<8192x256xf32, #tpu.memory_space<hbm>>
      tpu.wait_indirect_dma semaphore(%arg16 : memref<!tpu.dma_semaphore, #tpu.memory_space<semaphore_mem>>) src(%dma_wait3A_118 : memref<8192x256xf32, #tpu.memory_space<hbm>>) dst(%arg11 : memref<128x256xf32, #tpu.memory_space<vmem>>)
      %add3A_119 = arith.constant 128 : i32
      %add3A_120 = arith.addi %add3A, %add3A_119 : i32
      %mul3A_121 = arith.constant 128 : i32
      %mul3A_122 = arith.muli %add3A_120, %mul3A_121 : i32
      %dma_start3A_123 = arith.constant 0 : i32
      %dma_start3A_124 = tpu.memref_slice %arg4[%mul3A_122, %dma_start3A_123] : memref<20000x256xf32, #tpu.memory_space<hbm>> -> memref<128x256xf32, #tpu.memory_space<hbm>>
      %dma_start3A_125 = arith.constant 0 : i32
      %dma_start3A_126 = tpu.memref_slice %arg4[%mul3A_122, %dma_start3A_125] : memref<20000x256xf32, #tpu.memory_space<hbm>> -> memref<128x256xf32, #tpu.memory_space<hbm>>
      tpu.enqueue_dma source(%arg11 : memref<128x256xf32, #tpu.memory_space<vmem>>) target(%dma_start3A_126 : memref<128x256xf32, #tpu.memory_space<hbm>>) target_semaphore(%arg19 : memref<!tpu.dma_semaphore, #tpu.memory_space<semaphore_mem>>)
      %dma_wait3A_127 = arith.constant 0 : i32
      %dma_wait3A_128 = tpu.memref_slice %arg4[%mul3A_122, %dma_wait3A_127] : memref<20000x256xf32, #tpu.memory_space<hbm>> -> memref<128x256xf32, #tpu.memory_space<hbm>>
      %dma_wait3A_129 = arith.constant 0 : i32
      %dma_wait3A_130 = tpu.memref_slice %arg4[%mul3A_122, %dma_wait3A_129] : memref<20000x256xf32, #tpu.memory_space<hbm>> -> memref<128x256xf32, #tpu.memory_space<hbm>>
      tpu.wait_dma2 semaphore(%arg19 : memref<!tpu.dma_semaphore, #tpu.memory_space<semaphore_mem>>) src(%arg11 : memref<128x256xf32, #tpu.memory_space<vmem>>) dst(%dma_wait3A_130 : memref<128x256xf32, #tpu.memory_space<hbm>>)
    } else {
    }
    %eq3A = arith.constant 31 : i32
    %eq3A_105 = arith.cmpi eq, %add3A, %eq3A : i32
    %convert_element_type3A_106 = arith.extui %eq3A_105 : i1 to i32
    %cond3A_107 = arith.constant 0 : i32
    %cond3A_108 = arith.cmpi ne, %convert_element_type3A_106, %cond3A_107 : i32
    scf.if %cond3A_108 {
      "tpu.region"() ({
        %run_scoped3A = tpu.sem_alloc : memref<!tpu.dma_semaphore, #tpu.memory_space<semaphore_mem>>
        %dma_start3A_127 = arith.constant 19968 : i32
        %dma_start3A_128 = tpu.memref_slice %arg3[%dma_start3A_127] : memref<20000xi32, #tpu.memory_space<hbm>> -> memref<32xi32, #tpu.memory_space<hbm>>
        %dma_start3A_129 = arith.constant 19968 : i32
        %dma_start3A_130 = tpu.memref_slice %arg3[%dma_start3A_129] : memref<20000xi32, #tpu.memory_space<hbm>> -> memref<32xi32, #tpu.memory_space<hbm>>
        tpu.enqueue_dma source(%dma_start3A_130 : memref<32xi32, #tpu.memory_space<hbm>>) target(%arg10 : memref<32xi32, #tpu.memory_space<vmem>>) target_semaphore(%run_scoped3A : memref<!tpu.dma_semaphore, #tpu.memory_space<semaphore_mem>>)
        %dma_wait3A_131 = arith.constant 19968 : i32
        %dma_wait3A_132 = tpu.memref_slice %arg3[%dma_wait3A_131] : memref<20000xi32, #tpu.memory_space<hbm>> -> memref<32xi32, #tpu.memory_space<hbm>>
        %dma_wait3A_133 = arith.constant 19968 : i32
        %dma_wait3A_134 = tpu.memref_slice %arg3[%dma_wait3A_133] : memref<20000xi32, #tpu.memory_space<hbm>> -> memref<32xi32, #tpu.memory_space<hbm>>
        tpu.wait_dma2 semaphore(%run_scoped3A : memref<!tpu.dma_semaphore, #tpu.memory_space<semaphore_mem>>) src(%dma_wait3A_134 : memref<32xi32, #tpu.memory_space<hbm>>) dst(%arg10 : memref<32xi32, #tpu.memory_space<vmem>>)
        tpu.yield
      }) : () -> ()
      %dma_start3A_109 = arith.constant 0 : i32
      %dma_start3A_110 = arith.constant 0 : i32
      %dma_start3A_111 = tpu.memref_slice %arg2[%dma_start3A_109, %dma_start3A_110] : memref<8192x256xf32, #tpu.memory_space<hbm>> -> memref<8192x256xf32, #tpu.memory_space<hbm>>
      tpu.enqueue_indirect_dma source(%dma_start3A_111 : memref<8192x256xf32, #tpu.memory_space<hbm>>) target(%arg14 : memref<32x256xf32, #tpu.memory_space<vmem>>) offsets(%arg10 : memref<32xi32, #tpu.memory_space<vmem>>) semaphore(%arg22 : memref<!tpu.dma_semaphore, #tpu.memory_space<semaphore_mem>>)
      %dma_wait3A_112 = arith.constant 0 : i32
      %dma_wait3A_113 = arith.constant 0 : i32
      %dma_wait3A_114 = tpu.memref_slice %arg2[%dma_wait3A_112, %dma_wait3A_113] : memref<8192x256xf32, #tpu.memory_space<hbm>> -> memref<8192x256xf32, #tpu.memory_space<hbm>>
      tpu.wait_indirect_dma semaphore(%arg22 : memref<!tpu.dma_semaphore, #tpu.memory_space<semaphore_mem>>) src(%dma_wait3A_114 : memref<8192x256xf32, #tpu.memory_space<hbm>>) dst(%arg14 : memref<32x256xf32, #tpu.memory_space<vmem>>)
      %dma_start3A_115 = arith.constant 19968 : i32
      %dma_start3A_116 = arith.constant 0 : i32
      %dma_start3A_117 = tpu.memref_slice %arg4[%dma_start3A_115, %dma_start3A_116] : memref<20000x256xf32, #tpu.memory_space<hbm>> -> memref<32x256xf32, #tpu.memory_space<hbm>>
      %dma_start3A_118 = arith.constant 19968 : i32
      %dma_start3A_119 = arith.constant 0 : i32
      %dma_start3A_120 = tpu.memref_slice %arg4[%dma_start3A_118, %dma_start3A_119] : memref<20000x256xf32, #tpu.memory_space<hbm>> -> memref<32x256xf32, #tpu.memory_space<hbm>>
      tpu.enqueue_dma source(%arg14 : memref<32x256xf32, #tpu.memory_space<vmem>>) target(%dma_start3A_120 : memref<32x256xf32, #tpu.memory_space<hbm>>) target_semaphore(%arg23 : memref<!tpu.dma_semaphore, #tpu.memory_space<semaphore_mem>>)
      %dma_wait3A_121 = arith.constant 19968 : i32
      %dma_wait3A_122 = arith.constant 0 : i32
      %dma_wait3A_123 = tpu.memref_slice %arg4[%dma_wait3A_121, %dma_wait3A_122] : memref<20000x256xf32, #tpu.memory_space<hbm>> -> memref<32x256xf32, #tpu.memory_space<hbm>>
      %dma_wait3A_124 = arith.constant 19968 : i32
      %dma_wait3A_125 = arith.constant 0 : i32
      %dma_wait3A_126 = tpu.memref_slice %arg4[%dma_wait3A_124, %dma_wait3A_125] : memref<20000x256xf32, #tpu.memory_space<hbm>> -> memref<32x256xf32, #tpu.memory_space<hbm>>
      tpu.wait_dma2 semaphore(%arg23 : memref<!tpu.dma_semaphore, #tpu.memory_space<semaphore_mem>>) src(%arg14 : memref<32x256xf32, #tpu.memory_space<vmem>>) dst(%dma_wait3A_126 : memref<32x256xf32, #tpu.memory_space<hbm>>)
    } else {
    }
    return
  }
}

#map = affine_map<(d0, d1) -> (0, 0)>
#map1 = affine_map<(d0, d1) -> (0)>
module attributes {stable_mosaic.version = 14 : i64} {
  func.func @_go(%arg0: i32, %arg1: i32, %arg2: memref<20000x256xf32, #tpu.memory_space<hbm>>, %arg3: memref<20000xi32, #tpu.memory_space<hbm>>, %arg4: memref<20480x256xf32, #tpu.memory_space<hbm>>, %arg5: memref<128xi32, #tpu.memory_space<vmem>>, %arg6: memref<128xi32, #tpu.memory_space<vmem>>, %arg7: memref<128xi32, #tpu.memory_space<vmem>>, %arg8: memref<128xi32, #tpu.memory_space<vmem>>, %arg9: memref<128xi32, #tpu.memory_space<vmem>>, %arg10: memref<32xi32, #tpu.memory_space<vmem>>, %arg11: memref<128x256xf32, #tpu.memory_space<vmem>>, %arg12: memref<128x256xf32, #tpu.memory_space<vmem>>, %arg13: memref<128x256xf32, #tpu.memory_space<vmem>>, %arg14: memref<32x256xf32, #tpu.memory_space<vmem>>, %arg15: memref<!tpu.dma_semaphore, #tpu.memory_space<semaphore_mem>>, %arg16: memref<!tpu.dma_semaphore, #tpu.memory_space<semaphore_mem>>, %arg17: memref<!tpu.dma_semaphore, #tpu.memory_space<semaphore_mem>>, %arg18: memref<!tpu.dma_semaphore, #tpu.memory_space<semaphore_mem>>, %arg19: memref<!tpu.dma_semaphore, #tpu.memory_space<semaphore_mem>>, %arg20: memref<!tpu.dma_semaphore, #tpu.memory_space<semaphore_mem>>, %arg21: memref<!tpu.dma_semaphore, #tpu.memory_space<semaphore_mem>>, %arg22: memref<!tpu.dma_semaphore, #tpu.memory_space<semaphore_mem>>, %arg23: memref<!tpu.dma_semaphore, #tpu.memory_space<semaphore_mem>>) attributes {dimension_semantics = [#tpu.dimension_semantics<core_parallel>, #tpu.dimension_semantics<subcore_parallel>], iteration_bounds = array<i64: 2, 16>, scalar_prefetch = 0 : i64, scratch_operands = 19 : i64, tpu.core_type = #tpu.core_type<sc_vector_subcore>, window_params = [{transform_indices = #map}, {transform_indices = #map1}, {transform_indices = #map}]} {
    %mul3A = arith.constant 2 : i32
    %mul3A_0 = arith.muli %arg1, %mul3A : i32
    %add3A = arith.addi %mul3A_0, %arg0 : i32
    %add3A_1 = arith.constant 0 : i32
    %add3A_2 = arith.addi %add3A, %add3A_1 : i32
    %mul3A_3 = arith.constant 128 : i32
    %mul3A_4 = arith.muli %add3A_2, %mul3A_3 : i32
    %dma_start3A = tpu.memref_slice %arg3[%mul3A_4] : memref<20000xi32, #tpu.memory_space<hbm>> -> memref<128xi32, #tpu.memory_space<hbm>>
    %dma_start3A_5 = tpu.memref_slice %arg3[%mul3A_4] : memref<20000xi32, #tpu.memory_space<hbm>> -> memref<128xi32, #tpu.memory_space<hbm>>
    tpu.enqueue_dma source(%dma_start3A_5 : memref<128xi32, #tpu.memory_space<hbm>>) target(%arg5 : memref<128xi32, #tpu.memory_space<vmem>>) target_semaphore(%arg15 : memref<!tpu.dma_semaphore, #tpu.memory_space<semaphore_mem>>)
    %add3A_6 = arith.constant 32 : i32
    %add3A_7 = arith.addi %add3A, %add3A_6 : i32
    %mul3A_8 = arith.constant 128 : i32
    %mul3A_9 = arith.muli %add3A_7, %mul3A_8 : i32
    %dma_start3A_10 = tpu.memref_slice %arg3[%mul3A_9] : memref<20000xi32, #tpu.memory_space<hbm>> -> memref<128xi32, #tpu.memory_space<hbm>>
    %dma_start3A_11 = tpu.memref_slice %arg3[%mul3A_9] : memref<20000xi32, #tpu.memory_space<hbm>> -> memref<128xi32, #tpu.memory_space<hbm>>
    tpu.enqueue_dma source(%dma_start3A_11 : memref<128xi32, #tpu.memory_space<hbm>>) target(%arg6 : memref<128xi32, #tpu.memory_space<vmem>>) target_semaphore(%arg15 : memref<!tpu.dma_semaphore, #tpu.memory_space<semaphore_mem>>)
    %add3A_12 = arith.constant 64 : i32
    %add3A_13 = arith.addi %add3A, %add3A_12 : i32
    %mul3A_14 = arith.constant 128 : i32
    %mul3A_15 = arith.muli %add3A_13, %mul3A_14 : i32
    %dma_start3A_16 = tpu.memref_slice %arg3[%mul3A_15] : memref<20000xi32, #tpu.memory_space<hbm>> -> memref<128xi32, #tpu.memory_space<hbm>>
    %dma_start3A_17 = tpu.memref_slice %arg3[%mul3A_15] : memref<20000xi32, #tpu.memory_space<hbm>> -> memref<128xi32, #tpu.memory_space<hbm>>
    tpu.enqueue_dma source(%dma_start3A_17 : memref<128xi32, #tpu.memory_space<hbm>>) target(%arg7 : memref<128xi32, #tpu.memory_space<vmem>>) target_semaphore(%arg15 : memref<!tpu.dma_semaphore, #tpu.memory_space<semaphore_mem>>)
    %add3A_18 = arith.constant 96 : i32
    %add3A_19 = arith.addi %add3A, %add3A_18 : i32
    %mul3A_20 = arith.constant 128 : i32
    %mul3A_21 = arith.muli %add3A_19, %mul3A_20 : i32
    %dma_start3A_22 = tpu.memref_slice %arg3[%mul3A_21] : memref<20000xi32, #tpu.memory_space<hbm>> -> memref<128xi32, #tpu.memory_space<hbm>>
    %dma_start3A_23 = tpu.memref_slice %arg3[%mul3A_21] : memref<20000xi32, #tpu.memory_space<hbm>> -> memref<128xi32, #tpu.memory_space<hbm>>
    tpu.enqueue_dma source(%dma_start3A_23 : memref<128xi32, #tpu.memory_space<hbm>>) target(%arg8 : memref<128xi32, #tpu.memory_space<vmem>>) target_semaphore(%arg15 : memref<!tpu.dma_semaphore, #tpu.memory_space<semaphore_mem>>)
    %dma_wait3A = tpu.memref_slice %arg3[%mul3A_4] : memref<20000xi32, #tpu.memory_space<hbm>> -> memref<128xi32, #tpu.memory_space<hbm>>
    %dma_wait3A_24 = tpu.memref_slice %arg3[%mul3A_4] : memref<20000xi32, #tpu.memory_space<hbm>> -> memref<128xi32, #tpu.memory_space<hbm>>
    tpu.wait_dma2 semaphore(%arg15 : memref<!tpu.dma_semaphore, #tpu.memory_space<semaphore_mem>>) src(%dma_wait3A_24 : memref<128xi32, #tpu.memory_space<hbm>>) dst(%arg5 : memref<128xi32, #tpu.memory_space<vmem>>)
    %dma_wait3A_25 = tpu.memref_slice %arg3[%mul3A_9] : memref<20000xi32, #tpu.memory_space<hbm>> -> memref<128xi32, #tpu.memory_space<hbm>>
    %dma_wait3A_26 = tpu.memref_slice %arg3[%mul3A_9] : memref<20000xi32, #tpu.memory_space<hbm>> -> memref<128xi32, #tpu.memory_space<hbm>>
    tpu.wait_dma2 semaphore(%arg15 : memref<!tpu.dma_semaphore, #tpu.memory_space<semaphore_mem>>) src(%dma_wait3A_26 : memref<128xi32, #tpu.memory_space<hbm>>) dst(%arg6 : memref<128xi32, #tpu.memory_space<vmem>>)
    %dma_wait3A_27 = tpu.memref_slice %arg3[%mul3A_15] : memref<20000xi32, #tpu.memory_space<hbm>> -> memref<128xi32, #tpu.memory_space<hbm>>
    %dma_wait3A_28 = tpu.memref_slice %arg3[%mul3A_15] : memref<20000xi32, #tpu.memory_space<hbm>> -> memref<128xi32, #tpu.memory_space<hbm>>
    tpu.wait_dma2 semaphore(%arg15 : memref<!tpu.dma_semaphore, #tpu.memory_space<semaphore_mem>>) src(%dma_wait3A_28 : memref<128xi32, #tpu.memory_space<hbm>>) dst(%arg7 : memref<128xi32, #tpu.memory_space<vmem>>)
    %dma_wait3A_29 = tpu.memref_slice %arg3[%mul3A_21] : memref<20000xi32, #tpu.memory_space<hbm>> -> memref<128xi32, #tpu.memory_space<hbm>>
    %dma_wait3A_30 = tpu.memref_slice %arg3[%mul3A_21] : memref<20000xi32, #tpu.memory_space<hbm>> -> memref<128xi32, #tpu.memory_space<hbm>>
    tpu.wait_dma2 semaphore(%arg15 : memref<!tpu.dma_semaphore, #tpu.memory_space<semaphore_mem>>) src(%dma_wait3A_30 : memref<128xi32, #tpu.memory_space<hbm>>) dst(%arg8 : memref<128xi32, #tpu.memory_space<vmem>>)
    %add3A_31 = arith.constant 0 : i32
    %add3A_32 = arith.addi %add3A, %add3A_31 : i32
    %mul3A_33 = arith.constant 128 : i32
    %mul3A_34 = arith.muli %add3A_32, %mul3A_33 : i32
    %dma_start3A_35 = arith.constant 0 : i32
    %dma_start3A_36 = tpu.memref_slice %arg2[%mul3A_34, %dma_start3A_35] : memref<20000x256xf32, #tpu.memory_space<hbm>> -> memref<128x256xf32, #tpu.memory_space<hbm>>
    %dma_start3A_37 = arith.constant 0 : i32
    %dma_start3A_38 = tpu.memref_slice %arg2[%mul3A_34, %dma_start3A_37] : memref<20000x256xf32, #tpu.memory_space<hbm>> -> memref<128x256xf32, #tpu.memory_space<hbm>>
    tpu.enqueue_dma source(%dma_start3A_38 : memref<128x256xf32, #tpu.memory_space<hbm>>) target(%arg11 : memref<128x256xf32, #tpu.memory_space<vmem>>) target_semaphore(%arg16 : memref<!tpu.dma_semaphore, #tpu.memory_space<semaphore_mem>>)
    %add3A_39 = arith.constant 32 : i32
    %add3A_40 = arith.addi %add3A, %add3A_39 : i32
    %mul3A_41 = arith.constant 128 : i32
    %mul3A_42 = arith.muli %add3A_40, %mul3A_41 : i32
    %dma_start3A_43 = arith.constant 0 : i32
    %dma_start3A_44 = tpu.memref_slice %arg2[%mul3A_42, %dma_start3A_43] : memref<20000x256xf32, #tpu.memory_space<hbm>> -> memref<128x256xf32, #tpu.memory_space<hbm>>
    %dma_start3A_45 = arith.constant 0 : i32
    %dma_start3A_46 = tpu.memref_slice %arg2[%mul3A_42, %dma_start3A_45] : memref<20000x256xf32, #tpu.memory_space<hbm>> -> memref<128x256xf32, #tpu.memory_space<hbm>>
    tpu.enqueue_dma source(%dma_start3A_46 : memref<128x256xf32, #tpu.memory_space<hbm>>) target(%arg12 : memref<128x256xf32, #tpu.memory_space<vmem>>) target_semaphore(%arg17 : memref<!tpu.dma_semaphore, #tpu.memory_space<semaphore_mem>>)
    %add3A_47 = arith.constant 64 : i32
    %add3A_48 = arith.addi %add3A, %add3A_47 : i32
    %mul3A_49 = arith.constant 128 : i32
    %mul3A_50 = arith.muli %add3A_48, %mul3A_49 : i32
    %dma_start3A_51 = arith.constant 0 : i32
    %dma_start3A_52 = tpu.memref_slice %arg2[%mul3A_50, %dma_start3A_51] : memref<20000x256xf32, #tpu.memory_space<hbm>> -> memref<128x256xf32, #tpu.memory_space<hbm>>
    %dma_start3A_53 = arith.constant 0 : i32
    %dma_start3A_54 = tpu.memref_slice %arg2[%mul3A_50, %dma_start3A_53] : memref<20000x256xf32, #tpu.memory_space<hbm>> -> memref<128x256xf32, #tpu.memory_space<hbm>>
    tpu.enqueue_dma source(%dma_start3A_54 : memref<128x256xf32, #tpu.memory_space<hbm>>) target(%arg13 : memref<128x256xf32, #tpu.memory_space<vmem>>) target_semaphore(%arg18 : memref<!tpu.dma_semaphore, #tpu.memory_space<semaphore_mem>>)
    %dma_wait3A_55 = arith.constant 0 : i32
    %dma_wait3A_56 = tpu.memref_slice %arg2[%mul3A_34, %dma_wait3A_55] : memref<20000x256xf32, #tpu.memory_space<hbm>> -> memref<128x256xf32, #tpu.memory_space<hbm>>
    %dma_wait3A_57 = arith.constant 0 : i32
    %dma_wait3A_58 = tpu.memref_slice %arg2[%mul3A_34, %dma_wait3A_57] : memref<20000x256xf32, #tpu.memory_space<hbm>> -> memref<128x256xf32, #tpu.memory_space<hbm>>
    tpu.wait_dma2 semaphore(%arg16 : memref<!tpu.dma_semaphore, #tpu.memory_space<semaphore_mem>>) src(%dma_wait3A_58 : memref<128x256xf32, #tpu.memory_space<hbm>>) dst(%arg11 : memref<128x256xf32, #tpu.memory_space<vmem>>)
    %dma_start3A_59 = arith.constant 0 : i32
    %dma_start3A_60 = arith.constant 0 : i32
    %dma_start3A_61 = tpu.memref_slice %arg4[%dma_start3A_59, %dma_start3A_60] : memref<20480x256xf32, #tpu.memory_space<hbm>> -> memref<20480x256xf32, #tpu.memory_space<hbm>>
    tpu.enqueue_indirect_dma source(%arg11 : memref<128x256xf32, #tpu.memory_space<vmem>>) target(%dma_start3A_61 : memref<20480x256xf32, #tpu.memory_space<hbm>>) offsets(%arg5 : memref<128xi32, #tpu.memory_space<vmem>>) semaphore(%arg19 : memref<!tpu.dma_semaphore, #tpu.memory_space<semaphore_mem>>)
    %dma_wait3A_62 = arith.constant 0 : i32
    %dma_wait3A_63 = arith.constant 0 : i32
    %dma_wait3A_64 = tpu.memref_slice %arg4[%dma_wait3A_62, %dma_wait3A_63] : memref<20480x256xf32, #tpu.memory_space<hbm>> -> memref<20480x256xf32, #tpu.memory_space<hbm>>
    tpu.wait_indirect_dma semaphore(%arg19 : memref<!tpu.dma_semaphore, #tpu.memory_space<semaphore_mem>>) src(%arg11 : memref<128x256xf32, #tpu.memory_space<vmem>>) dst(%dma_wait3A_64 : memref<20480x256xf32, #tpu.memory_space<hbm>>)
    %add3A_65 = arith.constant 96 : i32
    %add3A_66 = arith.addi %add3A, %add3A_65 : i32
    %mul3A_67 = arith.constant 128 : i32
    %mul3A_68 = arith.muli %add3A_66, %mul3A_67 : i32
    %dma_start3A_69 = arith.constant 0 : i32
    %dma_start3A_70 = tpu.memref_slice %arg2[%mul3A_68, %dma_start3A_69] : memref<20000x256xf32, #tpu.memory_space<hbm>> -> memref<128x256xf32, #tpu.memory_space<hbm>>
    %dma_start3A_71 = arith.constant 0 : i32
    %dma_start3A_72 = tpu.memref_slice %arg2[%mul3A_68, %dma_start3A_71] : memref<20000x256xf32, #tpu.memory_space<hbm>> -> memref<128x256xf32, #tpu.memory_space<hbm>>
    tpu.enqueue_dma source(%dma_start3A_72 : memref<128x256xf32, #tpu.memory_space<hbm>>) target(%arg11 : memref<128x256xf32, #tpu.memory_space<vmem>>) target_semaphore(%arg16 : memref<!tpu.dma_semaphore, #tpu.memory_space<semaphore_mem>>)
    %dma_wait3A_73 = arith.constant 0 : i32
    %dma_wait3A_74 = tpu.memref_slice %arg2[%mul3A_42, %dma_wait3A_73] : memref<20000x256xf32, #tpu.memory_space<hbm>> -> memref<128x256xf32, #tpu.memory_space<hbm>>
    %dma_wait3A_75 = arith.constant 0 : i32
    %dma_wait3A_76 = tpu.memref_slice %arg2[%mul3A_42, %dma_wait3A_75] : memref<20000x256xf32, #tpu.memory_space<hbm>> -> memref<128x256xf32, #tpu.memory_space<hbm>>
    tpu.wait_dma2 semaphore(%arg17 : memref<!tpu.dma_semaphore, #tpu.memory_space<semaphore_mem>>) src(%dma_wait3A_76 : memref<128x256xf32, #tpu.memory_space<hbm>>) dst(%arg12 : memref<128x256xf32, #tpu.memory_space<vmem>>)
    %dma_start3A_77 = arith.constant 0 : i32
    %dma_start3A_78 = arith.constant 0 : i32
    %dma_start3A_79 = tpu.memref_slice %arg4[%dma_start3A_77, %dma_start3A_78] : memref<20480x256xf32, #tpu.memory_space<hbm>> -> memref<20480x256xf32, #tpu.memory_space<hbm>>
    tpu.enqueue_indirect_dma source(%arg12 : memref<128x256xf32, #tpu.memory_space<vmem>>) target(%dma_start3A_79 : memref<20480x256xf32, #tpu.memory_space<hbm>>) offsets(%arg6 : memref<128xi32, #tpu.memory_space<vmem>>) semaphore(%arg20 : memref<!tpu.dma_semaphore, #tpu.memory_space<semaphore_mem>>)
    %dma_wait3A_80 = arith.constant 0 : i32
    %dma_wait3A_81 = tpu.memref_slice %arg2[%mul3A_50, %dma_wait3A_80] : memref<20000x256xf32, #tpu.memory_space<hbm>> -> memref<128x256xf32, #tpu.memory_space<hbm>>
    %dma_wait3A_82 = arith.constant 0 : i32
    %dma_wait3A_83 = tpu.memref_slice %arg2[%mul3A_50, %dma_wait3A_82] : memref<20000x256xf32, #tpu.memory_space<hbm>> -> memref<128x256xf32, #tpu.memory_space<hbm>>
    tpu.wait_dma2 semaphore(%arg18 : memref<!tpu.dma_semaphore, #tpu.memory_space<semaphore_mem>>) src(%dma_wait3A_83 : memref<128x256xf32, #tpu.memory_space<hbm>>) dst(%arg13 : memref<128x256xf32, #tpu.memory_space<vmem>>)
    %dma_start3A_84 = arith.constant 0 : i32
    %dma_start3A_85 = arith.constant 0 : i32
    %dma_start3A_86 = tpu.memref_slice %arg4[%dma_start3A_84, %dma_start3A_85] : memref<20480x256xf32, #tpu.memory_space<hbm>> -> memref<20480x256xf32, #tpu.memory_space<hbm>>
    tpu.enqueue_indirect_dma source(%arg13 : memref<128x256xf32, #tpu.memory_space<vmem>>) target(%dma_start3A_86 : memref<20480x256xf32, #tpu.memory_space<hbm>>) offsets(%arg7 : memref<128xi32, #tpu.memory_space<vmem>>) semaphore(%arg21 : memref<!tpu.dma_semaphore, #tpu.memory_space<semaphore_mem>>)
    %dma_wait3A_87 = arith.constant 0 : i32
    %dma_wait3A_88 = tpu.memref_slice %arg2[%mul3A_68, %dma_wait3A_87] : memref<20000x256xf32, #tpu.memory_space<hbm>> -> memref<128x256xf32, #tpu.memory_space<hbm>>
    %dma_wait3A_89 = arith.constant 0 : i32
    %dma_wait3A_90 = tpu.memref_slice %arg2[%mul3A_68, %dma_wait3A_89] : memref<20000x256xf32, #tpu.memory_space<hbm>> -> memref<128x256xf32, #tpu.memory_space<hbm>>
    tpu.wait_dma2 semaphore(%arg16 : memref<!tpu.dma_semaphore, #tpu.memory_space<semaphore_mem>>) src(%dma_wait3A_90 : memref<128x256xf32, #tpu.memory_space<hbm>>) dst(%arg11 : memref<128x256xf32, #tpu.memory_space<vmem>>)
    %dma_start3A_91 = arith.constant 0 : i32
    %dma_start3A_92 = arith.constant 0 : i32
    %dma_start3A_93 = tpu.memref_slice %arg4[%dma_start3A_91, %dma_start3A_92] : memref<20480x256xf32, #tpu.memory_space<hbm>> -> memref<20480x256xf32, #tpu.memory_space<hbm>>
    tpu.enqueue_indirect_dma source(%arg11 : memref<128x256xf32, #tpu.memory_space<vmem>>) target(%dma_start3A_93 : memref<20480x256xf32, #tpu.memory_space<hbm>>) offsets(%arg8 : memref<128xi32, #tpu.memory_space<vmem>>) semaphore(%arg19 : memref<!tpu.dma_semaphore, #tpu.memory_space<semaphore_mem>>)
    %dma_wait3A_94 = arith.constant 0 : i32
    %dma_wait3A_95 = arith.constant 0 : i32
    %dma_wait3A_96 = tpu.memref_slice %arg4[%dma_wait3A_94, %dma_wait3A_95] : memref<20480x256xf32, #tpu.memory_space<hbm>> -> memref<20480x256xf32, #tpu.memory_space<hbm>>
    tpu.wait_indirect_dma semaphore(%arg20 : memref<!tpu.dma_semaphore, #tpu.memory_space<semaphore_mem>>) src(%arg12 : memref<128x256xf32, #tpu.memory_space<vmem>>) dst(%dma_wait3A_96 : memref<20480x256xf32, #tpu.memory_space<hbm>>)
    %dma_wait3A_97 = arith.constant 0 : i32
    %dma_wait3A_98 = arith.constant 0 : i32
    %dma_wait3A_99 = tpu.memref_slice %arg4[%dma_wait3A_97, %dma_wait3A_98] : memref<20480x256xf32, #tpu.memory_space<hbm>> -> memref<20480x256xf32, #tpu.memory_space<hbm>>
    tpu.wait_indirect_dma semaphore(%arg21 : memref<!tpu.dma_semaphore, #tpu.memory_space<semaphore_mem>>) src(%arg13 : memref<128x256xf32, #tpu.memory_space<vmem>>) dst(%dma_wait3A_99 : memref<20480x256xf32, #tpu.memory_space<hbm>>)
    %dma_wait3A_100 = arith.constant 0 : i32
    %dma_wait3A_101 = arith.constant 0 : i32
    %dma_wait3A_102 = tpu.memref_slice %arg4[%dma_wait3A_100, %dma_wait3A_101] : memref<20480x256xf32, #tpu.memory_space<hbm>> -> memref<20480x256xf32, #tpu.memory_space<hbm>>
    tpu.wait_indirect_dma semaphore(%arg19 : memref<!tpu.dma_semaphore, #tpu.memory_space<semaphore_mem>>) src(%arg11 : memref<128x256xf32, #tpu.memory_space<vmem>>) dst(%dma_wait3A_102 : memref<20480x256xf32, #tpu.memory_space<hbm>>)
    %lt3A = arith.constant 28 : i32
    %lt3A_103 = arith.cmpi slt, %add3A, %lt3A : i32
    %convert_element_type3A = arith.extui %lt3A_103 : i1 to i32
    %cond3A = arith.constant 0 : i32
    %cond3A_104 = arith.cmpi ne, %convert_element_type3A, %cond3A : i32
    scf.if %cond3A_104 {
      %add3A_109 = arith.constant 128 : i32
      %add3A_110 = arith.addi %add3A, %add3A_109 : i32
      %mul3A_111 = arith.constant 128 : i32
      %mul3A_112 = arith.muli %add3A_110, %mul3A_111 : i32
      "tpu.region"() ({
        %run_scoped3A = tpu.sem_alloc : memref<!tpu.dma_semaphore, #tpu.memory_space<semaphore_mem>>
        %dma_start3A_131 = tpu.memref_slice %arg3[%mul3A_112] : memref<20000xi32, #tpu.memory_space<hbm>> -> memref<128xi32, #tpu.memory_space<hbm>>
        %dma_start3A_132 = tpu.memref_slice %arg3[%mul3A_112] : memref<20000xi32, #tpu.memory_space<hbm>> -> memref<128xi32, #tpu.memory_space<hbm>>
        tpu.enqueue_dma source(%dma_start3A_132 : memref<128xi32, #tpu.memory_space<hbm>>) target(%arg9 : memref<128xi32, #tpu.memory_space<vmem>>) target_semaphore(%run_scoped3A : memref<!tpu.dma_semaphore, #tpu.memory_space<semaphore_mem>>)
        %dma_wait3A_133 = tpu.memref_slice %arg3[%mul3A_112] : memref<20000xi32, #tpu.memory_space<hbm>> -> memref<128xi32, #tpu.memory_space<hbm>>
        %dma_wait3A_134 = tpu.memref_slice %arg3[%mul3A_112] : memref<20000xi32, #tpu.memory_space<hbm>> -> memref<128xi32, #tpu.memory_space<hbm>>
        tpu.wait_dma2 semaphore(%run_scoped3A : memref<!tpu.dma_semaphore, #tpu.memory_space<semaphore_mem>>) src(%dma_wait3A_134 : memref<128xi32, #tpu.memory_space<hbm>>) dst(%arg9 : memref<128xi32, #tpu.memory_space<vmem>>)
        tpu.yield
      }) : () -> ()
      %add3A_113 = arith.constant 128 : i32
      %add3A_114 = arith.addi %add3A, %add3A_113 : i32
      %mul3A_115 = arith.constant 128 : i32
      %mul3A_116 = arith.muli %add3A_114, %mul3A_115 : i32
      %dma_start3A_117 = arith.constant 0 : i32
      %dma_start3A_118 = tpu.memref_slice %arg2[%mul3A_116, %dma_start3A_117] : memref<20000x256xf32, #tpu.memory_space<hbm>> -> memref<128x256xf32, #tpu.memory_space<hbm>>
      %dma_start3A_119 = arith.constant 0 : i32
      %dma_start3A_120 = tpu.memref_slice %arg2[%mul3A_116, %dma_start3A_119] : memref<20000x256xf32, #tpu.memory_space<hbm>> -> memref<128x256xf32, #tpu.memory_space<hbm>>
      tpu.enqueue_dma source(%dma_start3A_120 : memref<128x256xf32, #tpu.memory_space<hbm>>) target(%arg11 : memref<128x256xf32, #tpu.memory_space<vmem>>) target_semaphore(%arg16 : memref<!tpu.dma_semaphore, #tpu.memory_space<semaphore_mem>>)
      %dma_wait3A_121 = arith.constant 0 : i32
      %dma_wait3A_122 = tpu.memref_slice %arg2[%mul3A_116, %dma_wait3A_121] : memref<20000x256xf32, #tpu.memory_space<hbm>> -> memref<128x256xf32, #tpu.memory_space<hbm>>
      %dma_wait3A_123 = arith.constant 0 : i32
      %dma_wait3A_124 = tpu.memref_slice %arg2[%mul3A_116, %dma_wait3A_123] : memref<20000x256xf32, #tpu.memory_space<hbm>> -> memref<128x256xf32, #tpu.memory_space<hbm>>
      tpu.wait_dma2 semaphore(%arg16 : memref<!tpu.dma_semaphore, #tpu.memory_space<semaphore_mem>>) src(%dma_wait3A_124 : memref<128x256xf32, #tpu.memory_space<hbm>>) dst(%arg11 : memref<128x256xf32, #tpu.memory_space<vmem>>)
      %dma_start3A_125 = arith.constant 0 : i32
      %dma_start3A_126 = arith.constant 0 : i32
      %dma_start3A_127 = tpu.memref_slice %arg4[%dma_start3A_125, %dma_start3A_126] : memref<20480x256xf32, #tpu.memory_space<hbm>> -> memref<20480x256xf32, #tpu.memory_space<hbm>>
      tpu.enqueue_indirect_dma source(%arg11 : memref<128x256xf32, #tpu.memory_space<vmem>>) target(%dma_start3A_127 : memref<20480x256xf32, #tpu.memory_space<hbm>>) offsets(%arg9 : memref<128xi32, #tpu.memory_space<vmem>>) semaphore(%arg19 : memref<!tpu.dma_semaphore, #tpu.memory_space<semaphore_mem>>)
      %dma_wait3A_128 = arith.constant 0 : i32
      %dma_wait3A_129 = arith.constant 0 : i32
      %dma_wait3A_130 = tpu.memref_slice %arg4[%dma_wait3A_128, %dma_wait3A_129] : memref<20480x256xf32, #tpu.memory_space<hbm>> -> memref<20480x256xf32, #tpu.memory_space<hbm>>
      tpu.wait_indirect_dma semaphore(%arg19 : memref<!tpu.dma_semaphore, #tpu.memory_space<semaphore_mem>>) src(%arg11 : memref<128x256xf32, #tpu.memory_space<vmem>>) dst(%dma_wait3A_130 : memref<20480x256xf32, #tpu.memory_space<hbm>>)
    } else {
    }
    %eq3A = arith.constant 31 : i32
    %eq3A_105 = arith.cmpi eq, %add3A, %eq3A : i32
    %convert_element_type3A_106 = arith.extui %eq3A_105 : i1 to i32
    %cond3A_107 = arith.constant 0 : i32
    %cond3A_108 = arith.cmpi ne, %convert_element_type3A_106, %cond3A_107 : i32
    scf.if %cond3A_108 {
      "tpu.region"() ({
        %run_scoped3A = tpu.sem_alloc : memref<!tpu.dma_semaphore, #tpu.memory_space<semaphore_mem>>
        %dma_start3A_127 = arith.constant 19968 : i32
        %dma_start3A_128 = tpu.memref_slice %arg3[%dma_start3A_127] : memref<20000xi32, #tpu.memory_space<hbm>> -> memref<32xi32, #tpu.memory_space<hbm>>
        %dma_start3A_129 = arith.constant 19968 : i32
        %dma_start3A_130 = tpu.memref_slice %arg3[%dma_start3A_129] : memref<20000xi32, #tpu.memory_space<hbm>> -> memref<32xi32, #tpu.memory_space<hbm>>
        tpu.enqueue_dma source(%dma_start3A_130 : memref<32xi32, #tpu.memory_space<hbm>>) target(%arg10 : memref<32xi32, #tpu.memory_space<vmem>>) target_semaphore(%run_scoped3A : memref<!tpu.dma_semaphore, #tpu.memory_space<semaphore_mem>>)
        %dma_wait3A_131 = arith.constant 19968 : i32
        %dma_wait3A_132 = tpu.memref_slice %arg3[%dma_wait3A_131] : memref<20000xi32, #tpu.memory_space<hbm>> -> memref<32xi32, #tpu.memory_space<hbm>>
        %dma_wait3A_133 = arith.constant 19968 : i32
        %dma_wait3A_134 = tpu.memref_slice %arg3[%dma_wait3A_133] : memref<20000xi32, #tpu.memory_space<hbm>> -> memref<32xi32, #tpu.memory_space<hbm>>
        tpu.wait_dma2 semaphore(%run_scoped3A : memref<!tpu.dma_semaphore, #tpu.memory_space<semaphore_mem>>) src(%dma_wait3A_134 : memref<32xi32, #tpu.memory_space<hbm>>) dst(%arg10 : memref<32xi32, #tpu.memory_space<vmem>>)
        tpu.yield
      }) : () -> ()
      %dma_start3A_109 = arith.constant 19968 : i32
      %dma_start3A_110 = arith.constant 0 : i32
      %dma_start3A_111 = tpu.memref_slice %arg2[%dma_start3A_109, %dma_start3A_110] : memref<20000x256xf32, #tpu.memory_space<hbm>> -> memref<32x256xf32, #tpu.memory_space<hbm>>
      %dma_start3A_112 = arith.constant 19968 : i32
      %dma_start3A_113 = arith.constant 0 : i32
      %dma_start3A_114 = tpu.memref_slice %arg2[%dma_start3A_112, %dma_start3A_113] : memref<20000x256xf32, #tpu.memory_space<hbm>> -> memref<32x256xf32, #tpu.memory_space<hbm>>
      tpu.enqueue_dma source(%dma_start3A_114 : memref<32x256xf32, #tpu.memory_space<hbm>>) target(%arg14 : memref<32x256xf32, #tpu.memory_space<vmem>>) target_semaphore(%arg22 : memref<!tpu.dma_semaphore, #tpu.memory_space<semaphore_mem>>)
      %dma_wait3A_115 = arith.constant 19968 : i32
      %dma_wait3A_116 = arith.constant 0 : i32
      %dma_wait3A_117 = tpu.memref_slice %arg2[%dma_wait3A_115, %dma_wait3A_116] : memref<20000x256xf32, #tpu.memory_space<hbm>> -> memref<32x256xf32, #tpu.memory_space<hbm>>
      %dma_wait3A_118 = arith.constant 19968 : i32
      %dma_wait3A_119 = arith.constant 0 : i32
      %dma_wait3A_120 = tpu.memref_slice %arg2[%dma_wait3A_118, %dma_wait3A_119] : memref<20000x256xf32, #tpu.memory_space<hbm>> -> memref<32x256xf32, #tpu.memory_space<hbm>>
      tpu.wait_dma2 semaphore(%arg22 : memref<!tpu.dma_semaphore, #tpu.memory_space<semaphore_mem>>) src(%dma_wait3A_120 : memref<32x256xf32, #tpu.memory_space<hbm>>) dst(%arg14 : memref<32x256xf32, #tpu.memory_space<vmem>>)
      %dma_start3A_121 = arith.constant 0 : i32
      %dma_start3A_122 = arith.constant 0 : i32
      %dma_start3A_123 = tpu.memref_slice %arg4[%dma_start3A_121, %dma_start3A_122] : memref<20480x256xf32, #tpu.memory_space<hbm>> -> memref<20480x256xf32, #tpu.memory_space<hbm>>
      tpu.enqueue_indirect_dma source(%arg14 : memref<32x256xf32, #tpu.memory_space<vmem>>) target(%dma_start3A_123 : memref<20480x256xf32, #tpu.memory_space<hbm>>) offsets(%arg10 : memref<32xi32, #tpu.memory_space<vmem>>) semaphore(%arg23 : memref<!tpu.dma_semaphore, #tpu.memory_space<semaphore_mem>>)
      %dma_wait3A_124 = arith.constant 0 : i32
      %dma_wait3A_125 = arith.constant 0 : i32
      %dma_wait3A_126 = tpu.memref_slice %arg4[%dma_wait3A_124, %dma_wait3A_125] : memref<20480x256xf32, #tpu.memory_space<hbm>> -> memref<20480x256xf32, #tpu.memory_space<hbm>>
      tpu.wait_indirect_dma semaphore(%arg23 : memref<!tpu.dma_semaphore, #tpu.memory_space<semaphore_mem>>) src(%arg14 : memref<32x256xf32, #tpu.memory_space<vmem>>) dst(%dma_wait3A_126 : memref<20480x256xf32, #tpu.memory_space<hbm>>)
    } else {
    }
    return
  }
}

module attributes {stable_mosaic.version = 14 : i64} {
  func.func @_vq_body(%arg0: i32, %arg1: memref<2x20xi32, #tpu.memory_space<smem>>, %arg2: memref<1x1x1024xi32, #tpu.memory_space<vmem>>, %arg3: memref<1024x256xf32, #tpu.memory_space<vmem>>, %arg4: memref<4x2048x256xf32, #tpu.memory_space<vmem>>, %arg5: memref<1x1x1024xi32, #tpu.memory_space<vmem>>, %arg6: memref<1x1xf32, #tpu.memory_space<smem>>, %arg7: memref<4x1x2048xf32, #tpu.memory_space<vmem>>) attributes {dimension_semantics = [#tpu.dimension_semantics<arbitrary>], iteration_bounds = array<i64: 20>, scalar_prefetch = 1 : i64, scratch_operands = 1 : i64, tpu.core_type = #tpu.core_type<tc>, window_params = [{transform_indices = @transform_0, window_bounds = array<i64: 1, 1, 1024>}, {transform_indices = @transform_1, window_bounds = array<i64: 1024, 256>}, {pipeline_mode = #tpu.pipeline_mode<synchronous>, transform_indices = @transform_2, window_bounds = array<i64: 4, 2048, 256>}, {transform_indices = @transform_3, window_bounds = array<i64: 1, 1, 1024>}, {transform_indices = @transform_4, window_bounds = array<i64: 1, 1>}]} {
    %get3A = arith.constant 0 : index
    %get3A_0 = arith.index_cast %arg0 : i32 to index
    %get3A_1 = memref.load %arg1[%get3A, %get3A_0] : memref<2x20xi32, #tpu.memory_space<smem>>
    %get3A_2 = arith.constant 1 : index
    %get3A_3 = arith.index_cast %arg0 : i32 to index
    %get3A_4 = memref.load %arg1[%get3A_2, %get3A_3] : memref<2x20xi32, #tpu.memory_space<smem>>
    %get3A_5 = arith.constant 0 : index
    %get3A_6 = arith.constant 0 : index
    %get3A_7 = vector.load %arg3[%get3A_5, %get3A_6] : memref<1024x256xf32, #tpu.memory_space<vmem>>, vector<1024x256xf32>
    %get3A_8 = arith.constant 0 : index
    %get3A_9 = arith.constant 0 : index
    %get3A_10 = arith.constant 0 : index
    %get3A_11 = vector.load %arg2[%get3A_8, %get3A_9, %get3A_10] : memref<1x1x1024xi32, #tpu.memory_space<vmem>>, vector<1x1x1024xi32>
    %get3A_12 = vector.shape_cast %get3A_11 : vector<1x1x1024xi32> to vector<1024xi32>
    %mul3A = arith.mulf %get3A_7, %get3A_7 : vector<1024x256xf32>
    %reduce_sum3A = arith.constant dense<0.000000e+00> : vector<1024xf32>
    %reduce_sum3A_13 = vector.multi_reduction <add>, %mul3A, %reduce_sum3A [1] : vector<1024x256xf32> to vector<1024xf32>
    %add3A = arith.addf %get3A_7, %get3A_7 : vector<1024x256xf32>
    %iota3A = tpu.iota {dimensions = array<i32: 1>} : vector<1024x2048xi32>
    %eq3A = arith.constant 0 : i32
    %eq3A_14 = arith.cmpi eq, %arg0, %eq3A : i32
    %convert_element_type3A = arith.extui %eq3A_14 : i1 to i32
    %cond3A = arith.constant 0 : i32
    %cond3A_15 = arith.cmpi ne, %convert_element_type3A, %cond3A : i32
    scf.if %cond3A_15 {
      %get3A_55 = arith.constant 0 : index
      %get3A_56 = arith.constant 0 : index
      %get3A_57 = arith.constant 0 : index
      %get3A_58 = vector.load %arg4[%get3A_55, %get3A_56, %get3A_57] : memref<4x2048x256xf32, #tpu.memory_space<vmem>>, vector<1x2048x256xf32>
      %get3A_59 = vector.shape_cast %get3A_58 : vector<1x2048x256xf32> to vector<2048x256xf32>
      %mul3A_60 = arith.mulf %get3A_59, %get3A_59 : vector<2048x256xf32>
      %reduce_sum3A_61 = arith.constant dense<0.000000e+00> : vector<2048xf32>
      %reduce_sum3A_62 = vector.multi_reduction <add>, %mul3A_60, %reduce_sum3A_61 [1] : vector<2048x256xf32> to vector<2048xf32>
      %broadcast_in_dim3A_63 = vector.shape_cast %reduce_sum3A_62 : vector<2048xf32> to vector<1x2048xf32>
      %swap3A_64 = arith.constant 0 : index
      %swap3A_65 = arith.constant 0 : index
      %swap3A_66 = arith.constant 0 : index
      %swap3A_67 = vector.load %arg7[%swap3A_64, %swap3A_65, %swap3A_66] : memref<4x1x2048xf32, #tpu.memory_space<vmem>>, vector<1x1x2048xf32>
      %swap3A_68 = vector.shape_cast %swap3A_67 : vector<1x1x2048xf32> to vector<1x2048xf32>
      %swap3A_69 = vector.shape_cast %broadcast_in_dim3A_63 : vector<1x2048xf32> to vector<1x1x2048xf32>
      tpu.vector_store %arg7[%swap3A_64, %swap3A_65, %swap3A_66], %swap3A_69 {strides = array<i32>} : memref<4x1x2048xf32, #tpu.memory_space<vmem>>, vector<1x1x2048xf32>,
      %get3A_70 = arith.constant 1 : index
      %get3A_71 = arith.constant 0 : index
      %get3A_72 = arith.constant 0 : index
      %get3A_73 = vector.load %arg4[%get3A_70, %get3A_71, %get3A_72] : memref<4x2048x256xf32, #tpu.memory_space<vmem>>, vector<1x2048x256xf32>
      %get3A_74 = vector.shape_cast %get3A_73 : vector<1x2048x256xf32> to vector<2048x256xf32>
      %mul3A_75 = arith.mulf %get3A_74, %get3A_74 : vector<2048x256xf32>
      %reduce_sum3A_76 = arith.constant dense<0.000000e+00> : vector<2048xf32>
      %reduce_sum3A_77 = vector.multi_reduction <add>, %mul3A_75, %reduce_sum3A_76 [1] : vector<2048x256xf32> to vector<2048xf32>
      %broadcast_in_dim3A_78 = vector.shape_cast %reduce_sum3A_77 : vector<2048xf32> to vector<1x2048xf32>
      %swap3A_79 = arith.constant 1 : index
      %swap3A_80 = arith.constant 0 : index
      %swap3A_81 = arith.constant 0 : index
      %swap3A_82 = vector.load %arg7[%swap3A_79, %swap3A_80, %swap3A_81] : memref<4x1x2048xf32, #tpu.memory_space<vmem>>, vector<1x1x2048xf32>
      %swap3A_83 = vector.shape_cast %swap3A_82 : vector<1x1x2048xf32> to vector<1x2048xf32>
      %swap3A_84 = vector.shape_cast %broadcast_in_dim3A_78 : vector<1x2048xf32> to vector<1x1x2048xf32>
      tpu.vector_store %arg7[%swap3A_79, %swap3A_80, %swap3A_81], %swap3A_84 {strides = array<i32>} : memref<4x1x2048xf32, #tpu.memory_space<vmem>>, vector<1x1x2048xf32>,
      %get3A_85 = arith.constant 2 : index
      %get3A_86 = arith.constant 0 : index
      %get3A_87 = arith.constant 0 : index
      %get3A_88 = vector.load %arg4[%get3A_85, %get3A_86, %get3A_87] : memref<4x2048x256xf32, #tpu.memory_space<vmem>>, vector<1x2048x256xf32>
      %get3A_89 = vector.shape_cast %get3A_88 : vector<1x2048x256xf32> to vector<2048x256xf32>
      %mul3A_90 = arith.mulf %get3A_89, %get3A_89 : vector<2048x256xf32>
      %reduce_sum3A_91 = arith.constant dense<0.000000e+00> : vector<2048xf32>
      %reduce_sum3A_92 = vector.multi_reduction <add>, %mul3A_90, %reduce_sum3A_91 [1] : vector<2048x256xf32> to vector<2048xf32>
      %broadcast_in_dim3A_93 = vector.shape_cast %reduce_sum3A_92 : vector<2048xf32> to vector<1x2048xf32>
      %swap3A_94 = arith.constant 2 : index
      %swap3A_95 = arith.constant 0 : index
      %swap3A_96 = arith.constant 0 : index
      %swap3A_97 = vector.load %arg7[%swap3A_94, %swap3A_95, %swap3A_96] : memref<4x1x2048xf32, #tpu.memory_space<vmem>>, vector<1x1x2048xf32>
      %swap3A_98 = vector.shape_cast %swap3A_97 : vector<1x1x2048xf32> to vector<1x2048xf32>
      %swap3A_99 = vector.shape_cast %broadcast_in_dim3A_93 : vector<1x2048xf32> to vector<1x1x2048xf32>
      tpu.vector_store %arg7[%swap3A_94, %swap3A_95, %swap3A_96], %swap3A_99 {strides = array<i32>} : memref<4x1x2048xf32, #tpu.memory_space<vmem>>, vector<1x1x2048xf32>,
      %get3A_100 = arith.constant 3 : index
      %get3A_101 = arith.constant 0 : index
      %get3A_102 = arith.constant 0 : index
      %get3A_103 = vector.load %arg4[%get3A_100, %get3A_101, %get3A_102] : memref<4x2048x256xf32, #tpu.memory_space<vmem>>, vector<1x2048x256xf32>
      %get3A_104 = vector.shape_cast %get3A_103 : vector<1x2048x256xf32> to vector<2048x256xf32>
      %mul3A_105 = arith.mulf %get3A_104, %get3A_104 : vector<2048x256xf32>
      %reduce_sum3A_106 = arith.constant dense<0.000000e+00> : vector<2048xf32>
      %reduce_sum3A_107 = vector.multi_reduction <add>, %mul3A_105, %reduce_sum3A_106 [1] : vector<2048x256xf32> to vector<2048xf32>
      %broadcast_in_dim3A_108 = vector.shape_cast %reduce_sum3A_107 : vector<2048xf32> to vector<1x2048xf32>
      %swap3A_109 = arith.constant 3 : index
      %swap3A_110 = arith.constant 0 : index
      %swap3A_111 = arith.constant 0 : index
      %swap3A_112 = vector.load %arg7[%swap3A_109, %swap3A_110, %swap3A_111] : memref<4x1x2048xf32, #tpu.memory_space<vmem>>, vector<1x1x2048xf32>
      %swap3A_113 = vector.shape_cast %swap3A_112 : vector<1x1x2048xf32> to vector<1x2048xf32>
      %swap3A_114 = vector.shape_cast %broadcast_in_dim3A_108 : vector<1x2048xf32> to vector<1x1x2048xf32>
      tpu.vector_store %arg7[%swap3A_109, %swap3A_110, %swap3A_111], %swap3A_114 {strides = array<i32>} : memref<4x1x2048xf32, #tpu.memory_space<vmem>>, vector<1x1x2048xf32>,
    } else {
    }
    %broadcast_in_dim3A = arith.constant 0x7F800000 : f32
    %broadcast_in_dim3A_16 = vector.broadcast %broadcast_in_dim3A : f32 to vector<1024xf32>
    %broadcast_in_dim3A_17 = arith.constant 0 : i32
    %broadcast_in_dim3A_18 = vector.broadcast %broadcast_in_dim3A_17 : i32 to vector<1024xi32>
    %add3A_19 = arith.constant 1 : i32
    %add3A_20 = arith.addi %get3A_4, %add3A_19 : i32
    %while3A = arith.subi %add3A_20, %get3A_1 : i32
    %while3A_21 = arith.addi %get3A_1, %while3A : i32
    %while3A_22 = arith.constant 1 : i32
    %while3A_23 = arith.divsi %while3A, %while3A_22 : i32
    %while3A_24 = arith.muli %while3A_23, %while3A_22 : i32
    %while3A_25 = arith.addi %get3A_1, %while3A_24 : i32
    %while3A_26 = arith.constant 1 : i32
    %while3A_27:2 = scf.for %while3A_55 = %get3A_1 to %while3A_25 step %while3A_26 iter_args(%while3A_56 = %broadcast_in_dim3A_16, %while3A_57 = %broadcast_in_dim3A_18) -> (vector<1024xf32>, vector<1024xi32>)  : i32 {
      %get3A_58 = arith.index_cast %while3A_55 : i32 to index
      %get3A_59 = arith.constant 0 : index
      %get3A_60 = arith.constant 0 : index
      %get3A_61 = vector.load %arg4[%get3A_58, %get3A_59, %get3A_60] : memref<4x2048x256xf32, #tpu.memory_space<vmem>>, vector<1x2048x256xf32>
      %get3A_62 = vector.shape_cast %get3A_61 : vector<1x2048x256xf32> to vector<2048x256xf32>
      %dot_general3A = arith.constant dense<0.000000e+00> : vector<1024x2048xf32>
      %dot_general3A_63 = tpu.matmul %add3A, %get3A_62, %dot_general3A {dimension_numbers = #tpu.dot_dimension_numbers<[1], [1], [0], [0], [0, 0, 1, 0], [], []>, transpose_lhs_hint = false} : vector<1024x256xf32>, vector<2048x256xf32>, vector<1024x2048xf32> -> vector<1024x2048xf32>
      %get3A_64 = arith.index_cast %while3A_55 : i32 to index
      %get3A_65 = arith.constant 0 : index
      %get3A_66 = arith.constant 0 : index
      %get3A_67 = vector.load %arg7[%get3A_64, %get3A_65, %get3A_66] : memref<4x1x2048xf32, #tpu.memory_space<vmem>>, vector<1x1x2048xf32>
      %get3A_68 = vector.shape_cast %get3A_67 : vector<1x1x2048xf32> to vector<1x2048xf32>
      %broadcast_in_dim3A_69 = vector.shape_cast %reduce_sum3A_13 : vector<1024xf32> to vector<1024x1xf32>
      %add3A_70 = vector.broadcast %broadcast_in_dim3A_69 : vector<1024x1xf32> to vector<1024x2048xf32>
      %add3A_71 = vector.broadcast %get3A_68 : vector<1x2048xf32> to vector<1024x2048xf32>
      %add3A_72 = arith.addf %add3A_70, %add3A_71 : vector<1024x2048xf32>
      %sub3A = arith.subf %add3A_72, %dot_general3A_63 : vector<1024x2048xf32>
      %reduce_min3A = arith.constant dense<0x7F800000> : vector<1024xf32>
      %reduce_min3A_73 = vector.multi_reduction <minimumf>, %sub3A, %reduce_min3A [1] : vector<1024x2048xf32> to vector<1024xf32>
      %broadcast_in_dim3A_74 = vector.shape_cast %reduce_min3A_73 : vector<1024xf32> to vector<1024x1xf32>
      %le3A = vector.broadcast %broadcast_in_dim3A_74 : vector<1024x1xf32> to vector<1024x2048xf32>
      %le3A_75 = arith.cmpf ole, %sub3A, %le3A : vector<1024x2048xf32>
      %jit3A_76 = arith.constant 2048 : i32
      %broadcast_in_dim3A_77 = vector.broadcast %jit3A_76 : i32 to vector<1024x2048xi32>
      %select_n3A_78 = arith.select %le3A_75, %iota3A, %broadcast_in_dim3A_77 : vector<1024x2048xi1>, vector<1024x2048xi32>
      %reduce_min3A_79 = arith.constant dense<2147483647> : vector<1024xi32>
      %reduce_min3A_80 = vector.multi_reduction <minsi>, %select_n3A_78, %reduce_min3A_79 [1] : vector<1024x2048xi32> to vector<1024xi32>
      %eq3A_81 = vector.broadcast %while3A_55 : i32 to vector<1024xi32>
      %eq3A_82 = arith.cmpi eq, %get3A_12, %eq3A_81 : vector<1024xi32>
      %select_n3A_83 = arith.select %eq3A_82, %reduce_min3A_73, %while3A_56 : vector<1024xi1>, vector<1024xf32>
      %mul3A_84 = arith.constant 2048 : i32
      %mul3A_85 = arith.muli %while3A_55, %mul3A_84 : i32
      %add3A_86 = vector.broadcast %mul3A_85 : i32 to vector<1024xi32>
      %add3A_87 = arith.addi %reduce_min3A_80, %add3A_86 : vector<1024xi32>
      %select_n3A_88 = arith.select %eq3A_82, %add3A_87, %while3A_57 : vector<1024xi1>, vector<1024xi32>
      scf.yield %select_n3A_83, %select_n3A_88 : vector<1024xf32>, vector<1024xi32>
    }
    %while3A_28 = arith.constant 1 : i32
    %while3A_29:2 = scf.for %while3A_55 = %while3A_25 to %while3A_21 step %while3A_28 iter_args(%while3A_56 = %while3A_27#0, %while3A_57 = %while3A_27#1) -> (vector<1024xf32>, vector<1024xi32>)  : i32 {
      %get3A_58 = arith.index_cast %while3A_55 : i32 to index
      %get3A_59 = arith.constant 0 : index
      %get3A_60 = arith.constant 0 : index
      %get3A_61 = vector.load %arg4[%get3A_58, %get3A_59, %get3A_60] : memref<4x2048x256xf32, #tpu.memory_space<vmem>>, vector<1x2048x256xf32>
      %get3A_62 = vector.shape_cast %get3A_61 : vector<1x2048x256xf32> to vector<2048x256xf32>
      %dot_general3A = arith.constant dense<0.000000e+00> : vector<1024x2048xf32>
      %dot_general3A_63 = tpu.matmul %add3A, %get3A_62, %dot_general3A {dimension_numbers = #tpu.dot_dimension_numbers<[1], [1], [0], [0], [0, 0, 1, 0], [], []>, transpose_lhs_hint = false} : vector<1024x256xf32>, vector<2048x256xf32>, vector<1024x2048xf32> -> vector<1024x2048xf32>
      %get3A_64 = arith.index_cast %while3A_55 : i32 to index
      %get3A_65 = arith.constant 0 : index
      %get3A_66 = arith.constant 0 : index
      %get3A_67 = vector.load %arg7[%get3A_64, %get3A_65, %get3A_66] : memref<4x1x2048xf32, #tpu.memory_space<vmem>>, vector<1x1x2048xf32>
      %get3A_68 = vector.shape_cast %get3A_67 : vector<1x1x2048xf32> to vector<1x2048xf32>
      %broadcast_in_dim3A_69 = vector.shape_cast %reduce_sum3A_13 : vector<1024xf32> to vector<1024x1xf32>
      %add3A_70 = vector.broadcast %broadcast_in_dim3A_69 : vector<1024x1xf32> to vector<1024x2048xf32>
      %add3A_71 = vector.broadcast %get3A_68 : vector<1x2048xf32> to vector<1024x2048xf32>
      %add3A_72 = arith.addf %add3A_70, %add3A_71 : vector<1024x2048xf32>
      %sub3A = arith.subf %add3A_72, %dot_general3A_63 : vector<1024x2048xf32>
      %reduce_min3A = arith.constant dense<0x7F800000> : vector<1024xf32>
      %reduce_min3A_73 = vector.multi_reduction <minimumf>, %sub3A, %reduce_min3A [1] : vector<1024x2048xf32> to vector<1024xf32>
      %broadcast_in_dim3A_74 = vector.shape_cast %reduce_min3A_73 : vector<1024xf32> to vector<1024x1xf32>
      %le3A = vector.broadcast %broadcast_in_dim3A_74 : vector<1024x1xf32> to vector<1024x2048xf32>
      %le3A_75 = arith.cmpf ole, %sub3A, %le3A : vector<1024x2048xf32>
      %jit3A_76 = arith.constant 2048 : i32
      %broadcast_in_dim3A_77 = vector.broadcast %jit3A_76 : i32 to vector<1024x2048xi32>
      %select_n3A_78 = arith.select %le3A_75, %iota3A, %broadcast_in_dim3A_77 : vector<1024x2048xi1>, vector<1024x2048xi32>
      %reduce_min3A_79 = arith.constant dense<2147483647> : vector<1024xi32>
      %reduce_min3A_80 = vector.multi_reduction <minsi>, %select_n3A_78, %reduce_min3A_79 [1] : vector<1024x2048xi32> to vector<1024xi32>
      %eq3A_81 = vector.broadcast %while3A_55 : i32 to vector<1024xi32>
      %eq3A_82 = arith.cmpi eq, %get3A_12, %eq3A_81 : vector<1024xi32>
      %select_n3A_83 = arith.select %eq3A_82, %reduce_min3A_73, %while3A_56 : vector<1024xi1>, vector<1024xf32>
      %mul3A_84 = arith.constant 2048 : i32
      %mul3A_85 = arith.muli %while3A_55, %mul3A_84 : i32
      %add3A_86 = vector.broadcast %mul3A_85 : i32 to vector<1024xi32>
      %add3A_87 = arith.addi %reduce_min3A_80, %add3A_86 : vector<1024xi32>
      %select_n3A_88 = arith.select %eq3A_82, %add3A_87, %while3A_57 : vector<1024xi1>, vector<1024xi32>
      scf.yield %select_n3A_83, %select_n3A_88 : vector<1024xf32>, vector<1024xi32>
    }
    %swap3A = arith.constant 0 : index
    %swap3A_30 = arith.constant 0 : index
    %swap3A_31 = arith.constant 0 : index
    %swap3A_32 = vector.load %arg5[%swap3A, %swap3A_30, %swap3A_31] : memref<1x1x1024xi32, #tpu.memory_space<vmem>>, vector<1x1x1024xi32>
    %swap3A_33 = vector.shape_cast %swap3A_32 : vector<1x1x1024xi32> to vector<1024xi32>
    %swap3A_34 = vector.shape_cast %while3A_29#1 : vector<1024xi32> to vector<1x1x1024xi32>
    tpu.vector_store %arg5[%swap3A, %swap3A_30, %swap3A_31], %swap3A_34 {strides = array<i32>} : memref<1x1x1024xi32, #tpu.memory_space<vmem>>, vector<1x1x1024xi32>,
    %ge3A = arith.constant 0 : i32
    %ge3A_35 = vector.broadcast %ge3A : i32 to vector<1024xi32>
    %ge3A_36 = arith.cmpi sge, %get3A_12, %ge3A_35 : vector<1024xi32>
    %jit3A = arith.constant 0.000000e+00 : f32
    %broadcast_in_dim3A_37 = vector.broadcast %jit3A : f32 to vector<1024xf32>
    %select_n3A = arith.select %ge3A_36, %while3A_29#0, %broadcast_in_dim3A_37 : vector<1024xi1>, vector<1024xf32>
    %reduce_sum3A_38 = vector.shape_cast %select_n3A : vector<1024xf32> to vector<1x1024xf32>
    %reduce_sum3A_39 = arith.constant dense<0.000000e+00> : vector<1xf32>
    %reduce_sum3A_40 = vector.multi_reduction <add>, %reduce_sum3A_38, %reduce_sum3A_39 [1] : vector<1x1024xf32> to vector<1xf32>
    %reduce_sum3A_41 = vector.shape_cast %reduce_sum3A_40 : vector<1xf32> to vector<1x1xf32>
    %reduce_sum3A_42 = vector.extract %reduce_sum3A_41[0, 0] : f32 from vector<1x1xf32>
    %eq3A_43 = arith.constant 0 : i32
    %eq3A_44 = arith.cmpi eq, %arg0, %eq3A_43 : i32
    %convert_element_type3A_45 = arith.extui %eq3A_44 : i1 to i32
    %cond3A_46 = arith.constant 0 : i32
    %cond3A_47 = arith.cmpi ne, %convert_element_type3A_45, %cond3A_46 : i32
    scf.if %cond3A_47 {
      %swap3A_55 = arith.constant 0.000000e+00 : f32
      %swap3A_56 = arith.constant 0 : index
      %swap3A_57 = arith.constant 0 : index
      %swap3A_58 = memref.load %arg6[%swap3A_56, %swap3A_57] : memref<1x1xf32, #tpu.memory_space<smem>>
      memref.store %swap3A_55, %arg6[%swap3A_56, %swap3A_57] : memref<1x1xf32, #tpu.memory_space<smem>>
    } else {
    }
    %get3A_48 = arith.constant 0 : index
    %get3A_49 = arith.constant 0 : index
    %get3A_50 = memref.load %arg6[%get3A_48, %get3A_49] : memref<1x1xf32, #tpu.memory_space<smem>>
    %add3A_51 = arith.addf %get3A_50, %reduce_sum3A_42 : f32
    %swap3A_52 = arith.constant 0 : index
    %swap3A_53 = arith.constant 0 : index
    %swap3A_54 = memref.load %arg6[%swap3A_52, %swap3A_53] : memref<1x1xf32, #tpu.memory_space<smem>>
    memref.store %add3A_51, %arg6[%swap3A_52, %swap3A_53] : memref<1x1xf32, #tpu.memory_space<smem>>
    return
  }
  func.func @transform_0(%arg0: i32, %arg1: memref<2x20xi32, #tpu.memory_space<smem>>) -> (i32, i32, i32) {
    %c0_i32 = arith.constant 0 : i32
    %c0_i32_0 = arith.constant 0 : i32
    %c0_i32_1 = arith.constant 0 : i32
    return %arg0, %c0_i32, %c0_i32_0 : i32, i32, i32
  }
  func.func @transform_1(%arg0: i32, %arg1: memref<2x20xi32, #tpu.memory_space<smem>>) -> (i32, i32) {
    %c0_i32 = arith.constant 0 : i32
    %c0_i32_0 = arith.constant 0 : i32
    return %arg0, %c0_i32 : i32, i32
  }
  func.func @transform_2(%arg0: i32, %arg1: memref<2x20xi32, #tpu.memory_space<smem>>) -> (i32, i32, i32) {
    %c0_i32 = arith.constant 0 : i32
    %c0_i32_0 = arith.constant 0 : i32
    %c0_i32_1 = arith.constant 0 : i32
    %c0_i32_2 = arith.constant 0 : i32
    return %c0_i32, %c0_i32_0, %c0_i32_1 : i32, i32, i32
  }
  func.func @transform_3(%arg0: i32, %arg1: memref<2x20xi32, #tpu.memory_space<smem>>) -> (i32, i32, i32) {
    %c0_i32 = arith.constant 0 : i32
    %c0_i32_0 = arith.constant 0 : i32
    %c0_i32_1 = arith.constant 0 : i32
    return %arg0, %c0_i32, %c0_i32_0 : i32, i32, i32
  }
  func.func @transform_4(%arg0: i32, %arg1: memref<2x20xi32, #tpu.memory_space<smem>>) -> (i32, i32) {
    %c0_i32 = arith.constant 0 : i32
    %c0_i32_0 = arith.constant 0 : i32
    %c0_i32_1 = arith.constant 0 : i32
    return %c0_i32, %c0_i32_0 : i32, i32
  }
}

</mosaic_0001>

<sc_bundles>
// kernel: gather_offload_async_start
scs
__scs_entry_jumppad:
0x0: {  	(pc) =	sbr.rel $0x88, $3  }
0x1: {  	(tag) =	ssettag $0x0;
	lr =	simm.s32 $0x1  }
0x2: {  	[smem:$0x3F9E] =	sst lr;
	_ =	strace $0xD0000000  }
0x3: {  	_ = 	snop  }
0x4: {  	_ = 	snop  }
0x5: {  	_ = 	snop  }
0x6: {  	_ = 	snop  }
0x7: {  	_ = 	snop  }
__scs_overlays_trampoline_lowered:
0x8: {  	[smem:$0x3FAD] =	sst s0  }
0x9: {  	[smem:$0x3FAE] =	sst s1  }
0xa: {  	[smem:$0x3FAF] =	sst s2  }
0xb: {  	[smem:$0x3FB0] =	sst s3  }
0xc: {  	[smem:$0x3FB1] =	sst s4  }
0xd: {  	[smem:$0x3FB2] =	sst s5  }
0xe: {  	[smem:$0x3FB3] =	sst s6  }
0xf: {  	[smem:$0x3FB4] =	sst s7  }
0x10: {  	[smem:$0x3FB5] =	sst s8  }
0x11: {  	[smem:$0x3FB6] =	sst s9;
	s0 =	simm.s32 @!p0 $0x0  }
0x12: {  	s1 =	sld [smem:$0x3F9C];
	s0 =	simm.s32 @p0 $0x1  }
0x13: {  	[smem:$0x3FB7] =	sst s0;
	s0 =	simm.s32 @!p1 $0x0  }
0x14: {  	s2 =	sld [smem:$0x3F9B];
	s0 =	simm.s32 @p1 $0x1  }
0x15: {  	[smem:$0x3FB8] =	sst s0;
	s0 =	simm.s32 @!p2 $0x0  }
0x16: {  	s3 =	sld [smem:$0x3FDB];
	s0 =	simm.s32 @p2 $0x1  }
0x17: {  	s4 =	simm.s32 $0x1BF5;
	[smem:$0x3FBA] =	sst s0  }
0x18: {  	s0 =	sld [smem:$0x3F9D];
	_ =	swait.ge [sflag:s4], $0x0  }
0x19: {  	s7 =	sld [smem:$0x3F9E]  }
0x1a: {  	s8 =	sadd.s32 $0xFFFFE003, lr  }
0x1b: {  	s9 =	sadd.s32 $0xFFFFFEF7, lr;
	s5 =	simm.s32 $0xFFFFFFFF;
	p2 =	slt.u32 s8, $0xFFFFF086  }
0x1c: {  	p1 =	slt.u32 s9, $0xF7A;
	s5 =	simm.s32 @!p2 $0x0  }
0x1d: {  	s5 =	simm.s32 @p1 $0x1;
	p0 =	seq.s32 s7, s2  }
0x1e: {  	s7 =	smul.u32 @!p0 $0xF7A, s2;
	p2 =	seq.s32 @!p0 s5, $0x0  }
0x1f: {  	s9 =	smul.u32 $0xF7A, s1;
	s8 =	simm.s32 @!p0 $0x1BF5;
	p2 =	por !p2, p0  }
0x20: {  	[sflag:s8] =	ssyncset.s32 @!p0 $0xFFFFF086;
	s6 =	sadd.s32 @!p0 s3, s7;
	s7 =	simm.s32 @!p0 $0x108  }
0x21: {  	s3 =	sadd.s32 s3, s9;
	s6 =	sadd.s32 @!p0 $0x88, s6;
	s7 =	simm.s32 @p2 $0x1082  }
0x22: {  	[simem:s7], [sflag:s8] =	dma.local @!p0 [hbm:s6], $0xF7A  }
0x23: {  	s9 =	sor.u32 $0xD0000000, s2;
	s6 =	simm.s32 $0x108;
	_ =	swait.ge @!p0 [sflag:s8], $0x0  }
0x24: {  	s3 =	sadd.s32 $0x88, s3;
	s6 =	simm.s32 @!p1 $0x1082;
	[sflag:s4] =	ssyncset.s32 $0xFFFFF086  }
0x25: {  	[simem:s6], [sflag:s4] =	dma.local [hbm:s3], $0xF7A  }
0x26: {  	[smem:$0x3F9E] =	sst s1;
	(tag) =	ssettag s2;
	_ =	strace s9  }
0x27: {  	s1 =	sld [smem:$0x3FAE]  }
0x28: {  	s2 =	sld [smem:$0x3FAF]  }
0x29: {  	s4 =	sld [smem:$0x3FB1]  }
0x2a: {  	p0 =	seq.s32 s5, $0x0;
	s5 =	sld [smem:$0x3FB2]  }
0x2b: {  	s6 =	sld [smem:$0x3FB3]  }
0x2c: {  	s7 =	sld [smem:$0x3FB4]  }
0x2d: {  	s3 =	simm.s32 $0x108;
	s8 =	sld [smem:$0x3FB5]  }
0x2e: {  	s3 =	simm.s32 @!p0 $0x1082;
	s9 =	sld [smem:$0x3FB6]  }
0x2f: {  	lr =	sadd.s32 s0, s3;
	s0 =	sld [smem:$0x3FAD]  }
0x30: {  	s3 =	sld [smem:$0x3FB0]  }
0x31: {  	[smem:$0x3FB9] =	sst s10  }
0x32: {  	s10 =	sld [smem:$0x3FB7];
	_ =	sdelay $0x3  }
0x33: {  	p0 =	seq.s32 s10, $0x1;
	s10 =	sld [smem:$0x3FB9];
	_ =	sdelay $0x3  }
0x34: {  	[smem:$0x3FB9] =	sst s10  }
0x35: {  	s10 =	sld [smem:$0x3FB8];
	_ =	sdelay $0x3  }
0x36: {  	p1 =	seq.s32 s10, $0x1;
	s10 =	sld [smem:$0x3FB9];
	_ =	sdelay $0x3  }
0x37: {  	[smem:$0x3FB9] =	sst s10  }
0x38: {  	s10 =	sld [smem:$0x3FBA]  }
0x39: {  	_ = 	snop;
	(pc) =	sbr.ind lr, $3  }
0x3a: {  	_ = 	snop  }
0x3b: {  	_ = 	snop  }
0x3c: {  	p2 =	seq.s32 s10, $0x1;
	s10 =	sld [smem:$0x3FB9]  }
0x3d: {  	_ =	shalt  }
0x3e: {  	_ =	shalt  }
0x3f: {  	_ =	shalt  }
0x40: {  	_ =	shalt  }
0x41: {  	_ =	shalt  }
0x42: {  	_ =	shalt  }
0x43: {  	_ =	shalt  }
0x44: {  	_ =	shalt  }
0x45: {  	_ =	shalt  }
0x46: {  	_ =	shalt  }
0x47: {  	_ =	shalt  }
0x48: {  	_ =	shalt  }
0x49: {  	_ =	shalt  }
0x4a: {  	_ =	shalt  }
0x4b: {  	_ =	shalt  }
0x4c: {  	_ =	shalt  }
0x4d: {  	_ =	shalt  }
0x4e: {  	_ =	shalt  }
0x4f: {  	_ =	shalt  }
0x50: {  	_ =	shalt  }
0x51: {  	_ =	shalt  }
0x52: {  	_ =	shalt  }
0x53: {  	_ =	shalt  }
0x54: {  	_ =	shalt  }
0x55: {  	_ =	shalt  }
0x56: {  	_ =	shalt  }
0x57: {  	_ =	shalt  }
0x58: {  	_ =	shalt  }
0x59: {  	_ =	shalt  }
0x5a: {  	_ =	shalt  }
0x5b: {  	_ =	shalt  }
0x5c: {  	_ =	shalt  }
0x5d: {  	_ =	shalt  }
0x5e: {  	_ =	shalt  }
0x5f: {  	_ =	shalt  }
0x60: {  	_ =	shalt  }
0x61: {  	_ =	shalt  }
0x62: {  	_ =	shalt  }
0x63: {  	_ =	shalt  }
0x64: {  	_ =	shalt  }
0x65: {  	_ =	shalt  }
0x66: {  	_ =	shalt  }
0x67: {  	_ =	shalt  }
0x68: {  	_ =	shalt  }
0x69: {  	_ =	shalt  }
0x6a: {  	_ =	shalt  }
0x6b: {  	_ =	shalt  }
0x6c: {  	_ =	shalt  }
0x6d: {  	_ =	shalt  }
0x6e: {  	_ =	shalt  }
0x6f: {  	_ =	shalt  }
0x70: {  	_ =	shalt  }
0x71: {  	_ =	shalt  }
0x72: {  	_ =	shalt  }
0x73: {  	_ =	shalt  }
0x74: {  	_ =	shalt  }
0x75: {  	_ =	shalt  }
0x76: {  	_ =	shalt  }
0x77: {  	_ =	shalt  }
0x78: {  	_ =	shalt  }
0x79: {  	_ =	shalt  }
0x7a: {  	_ =	shalt  }
0x7b: {  	_ =	shalt  }
0x7c: {  	_ =	shalt  }
0x7d: {  	_ =	shalt  }
0x7e: {  	_ =	shalt  }
0x7f: {  	_ =	shalt  }
0x80: {  	_ =	shalt  }
0x81: {  	_ =	shalt  }
0x82: {  	_ =	shalt  }
0x83: {  	_ =	shalt  }
0x84: {  	_ =	shalt  }
0x85: {  	_ =	shalt  }
0x86: {  	_ =	shalt  }
0x87: {  	_ =	shalt  }
.Lfunc_end0:
.L_simem_size_0:
called_computation_lowered:
.L_overlay_start_0:
0x88: {  	s2 =	sld [smem:$0x3FD9]  }
0x89: {  	s3 =	sld [smem:$0x3FFE];
	_ =	sdelay $0x1  }
0x8a: {  	s1 =	srdreg.scid  }
0x8b: {  	s0 =	sand.u32 $0x1, s1  }
0x8c: {  	s14 =	sshll.u32 s0, $0xA;
	s2 =	sadd.s32 s3, s2  }
0x8d: {  	s2 =	sadd.s32 s2, s14  }
0x8e: {  	[smem:$0x3FC5] =	sst s2  }
0x8f: {  	_ = 	snop  }
0x90: {  	s2 =	sld [smem:$0x3FD0];
	_ =	sdelay $0x2  }
0x91: {  	s15 =	simm.s32 $0xA;
	s4 =	simm.s32 $0x10  }
0x92: {  	[smem:s4], [sflag:s15] =	dma.local [hbm:s2], $0x1  }
0x93: {  	_ =	swait.eq [sflag:s15], $0x1  }
0x94: {  	[sflag:s15] =	ssyncset.done $0x0  }
0x95: {  	s16 =	sld [smem:$0x12];
	[sflag:s15] =	ssyncadd.s32 $0xFFFFFFFF  }
0x96: {  	s17 =	sld [smem:$0x13];
	(tm) =	ssettm $0x1  }
0x97: {  	s18 =	sld [smem:$0x3FFB];
	_ =	sdelay $0x3  }
0x98: {  	_ =	strace s18  }
0x99: {  	s4 =	sld [smem:$0x3FFC];
	_ =	sdelay $0x3  }
0x9a: {  	_ =	strace s4  }
0x9b: {  	s4 =	sld [smem:$0x3FFD];
	_ =	sdelay $0x3  }
0x9c: {  	_ =	strace s4  }
0x9d: {  	_ =	strace $0x8FFFFFFF  }
0x9e: {  	s19 =	sld [smem:$0x3FDB];
	_ =	sdelay $0x1  }
0x9f: {  	s5 =	simm.s32 $_scs_section_size  }
0xa0: {  	s6 =	simm.s32 $_size__tile_overlayer_lowered;
	s7 =	simm.s32 $_tile_overlayer_lowered  }
0xa1: {  	s22 =	simm.s32 $0x1BFF;
	s21 =	sshll.u32 s7, $0x1;
	s4 =	sadd.s32 s5, s19  }
0xa2: {  	s8 =	simm.s32 $0x0;
	s20 =	sshll.u32 s6, $0x1;
	s6 =	sadd.s32 s21, s4  }
0xa3: {  	[timem:s8], [sflag:s22] =	dma.local [hbm:s6], s20  }
0xa4: {  	_ =	swait.ge [sflag:s22], s20  }
0xa5: {  	s5 =	ssub.s32 $0x0, s20;
	[sflag:s22] =	ssyncset.done $0x0  }
0xa6: {  	[sflag:s22] =	ssyncadd.s32 s5;
	_ =	sdelay $0x1  }
0xa7: {  	s23 =	simm.s32 $0x1B8B  }
0xa8: {  	_ =	swait.ge [sflag:s23], $0x1  }
0xa9: {  	[sflag:s23] =	ssyncset.done $0x0  }
0xaa: {  	s25 =	simm.s32 $0x1B8E;
	s24 =	sld [smem:$0x3FFE];
	[sflag:s23] =	ssyncadd.s32 $0xFFFFFFFF  }
0xab: {  	s26 =	simm.s32 $execute0_lowered;
	[smem:$0x3FD2] =	sst s25  }
0xac: {  	s6 =	sshll.u32 s26, $0x1;
	_ =	strace $0x80000049;
	[dreg:$0x1] =	wrdreg $0xFFFFFFFF  }
0xad: {  	s28 =	simm.s32 $_size_execute0_lowered;
	s4 =	sadd.s32 s4, s6;
	[dreg:$0x0] =	wrdreg $0x0  }
0xae: {  	s6 =	sshll.u32 s28, $0x1;
	[dreg:$0x2] =	wrdreg s4  }
0xaf: {  	[dreg:$0x3] =	wrdreg s6  }
0xb0: {  	[dreg:$0x4] =	wrdreg $0xC0  }
0xb1: {  	_ =	task [dreg:s8], $0x5FFFF  }
0xb2: {  	[dreg:$0x1] =	wrdreg $0xFFFFFFFF  }
0xb3: {  	[dreg:$0x0] =	wrdreg $0x60  }
0xb4: {  	[dreg:$0x2] =	wrdreg s17  }
0xb5: {  	[dreg:$0x3] =	wrdreg s24  }
0xb6: {  	[dreg:$0x4] =	wrdreg s16  }
0xb7: {  	[dreg:$0x5] =	wrdreg $0x9  }
0xb8: {  	_ =	task.clear_ibuf [dreg:s8], $0x6FFFF;
	_ =	strace $0x90000049  }
0xb9: {  	s29 =	simm.s32 $0x9;
	_ =	strace $0x8000004B  }
0xba: {  	_ =	swait.ge [sflag:s29], $0x1  }
0xbb: {  	[sflag:s29] =	ssyncadd.s32 $0xFFFFFFFF  }
0xbc: {  	_ =	strace $0x9000004B  }
0xbd: {  	_ =	sfence  }
0xbe: {  	s30 =	sld [smem:$0x0];
	_ =	sdelay $0x2  }
0xbf: {  	s31 =	sshll.u32 s1, $0xD;
	s1 =	sshrl.u32 s1, $0x2  }
0xc0: {  	s3 =	sand.u32 $0x4000, s31;
	s1 =	sadd.s32 s1, s30  }
0xc1: {  	s0 =	sor.u32 s3, s0;
	s1 =	sshll.u32 s1, $0x11  }
0xc2: {  	s0 =	sor.u32 s1, s0  }
0xc3: {  	s0 =	sadd.s32 $0x8F2B, s0  }
0xc4: {  	[sflag:s0] =	ssyncadd.remote.s32 $0x1  }
0xc5: {  	_ =	sfence.sel $0xFFFF  }
0xc6: {  	[dreg:$0x0] =	wrdreg $0xFFFFFFFF;
	(pc) =	sbr.abs _section_cstart, $3  }
0xc7: {  	[dreg:$0x1] =	wrdreg $0xFFFFFFFF  }
0xc8: {  	_ =	task.clear_ibuf [dreg:s8], $0x2FFFF;
	_ =	strace $0x9FFFFFFF  }
0xc9: {  	(tm) =	ssettm $0x7FFFFFFF  }
tec
execute0_lowered:
.L_overlay_start_1:
0x0: {  	(tag) =	ssettag $0x1  }
0x1: {  	s2 =	rddreg [dreg:$0x0]  }
0x2: {  	s8 =	rddreg [dreg:$0x1]  }
0x3: {  	s3 =	rddreg [dreg:$0x2];
	s1 =	stileid.u32  }
0x4: {  	s4 =	srdreg.scid;
	s0 =	rddreg [dreg:$0x3];
	_ =	strace $0x8000004A  }
0x5: {  	s7 =	simm.s32 $0x1;
	s9 =	simm.s32 $0x1;
	s10 =	simm.s32 $0x3  }
0x6: {  	s13 =	simm.s32 $0x0;
	s5 =	sand.u32 $0x1, s4;
	s6 =	sshll.u32 s1, $0x1  }
0x7: {  	s12 =	simm.s32 $0x0;
	s4 =	simm.s32 $0x1;
	s5 =	sor.u32 s6, s5  }
.Ltmp0:
0x8: {  	[sflag:s4] =	ssyncpa.u1 $0x0;
	p0 =	slt.u32 s5, $0x13;
	(pc) =	sbr.rel .LBB2_1-.Ltmp0, $4  }
0x9: {  	s6 =	simm.s32 $0x2;
	s7 =	simm.s32 @!p0 $0x0;
	p0 =	sne.s32 s5, $0x12  }
0xa: {  	[sflag:s6] =	ssyncpa.u1 $0x0;
	s5 =	smul.u32 $0x190, s5;
	s9 =	simm.s32 @!p0 $0x0  }
0xb: {  	s8 =	sadd.s32 $0xA0000, s8;
	[sflag:s10] =	ssyncpa.u1 $0x0;
	s7 =	sadd.s32 s9, s7  }
0xc: {  	vm0 =	vmmov $0xffff;
	s10 =	simm.s32 $0x0;
	s11 =	smov.u32 s5;
	s9 =	sadd.s32 $0x1, s7  }
.LBB2_4:
0xd: {  	v2 =	vnsel vm1, $0x0, v2  }
0xe: {  	vm1 =	vgt.s32 v0, $0x0;
	v2 =	vmin.u32 v2, $0x4FFF  }
0xf: {  	v0 =	vnsel vm1, $0x0, v0  }
0x10: {  	v0 =	vmin.u32 v0, $0x4FFF  }
0x11: {  	[tilespmem:s18], [sflag:$0x1] =	stream.indirect_vreg.gather [hbm4b:s2+s10], $0x1, v1, vm0, $0x4038;
	[tilespmem:$0x640] =	vst v63  }
0x12: {  	(ifvalue) =	ssetifvalue $0x7FFFFFFF  }
0x13: {  	[tilespmem:s15], [sflag:$0x1] =	stream.indirect_vreg.gather [hbm4b:s2+s10], $0x1, v2, vm0, $0x4038;
	[tilespmem:$0x640] =	vst v63  }
0x14: {  	s29 =	sadd.s32 $0x10, s15;
	(ifvalue) =	ssetifvalue $0x7FFFFFFF  }
0x15: {  	[tilespmem:s29], [sflag:$0x1] =	stream.indirect_vreg.gather [hbm4b:s2+s10], $0x1, v0, vm0, $0x4038;
	[tilespmem:$0x640] =	vst v63  }
0x16: {  	_ =	swait.ge [sflag:s4], $0x190  }
0x17: {  	s30 =	sshrl.u32 s13, $0x3;
	[sflag:s4] =	ssyncset.done $0x0  }
0x18: {  	s31 =	sand.u32 $0x7, s13;
	s15 =	sadd.s32 s3, s30;
	[sflag:s4] =	ssyncadd.s32 $0xFFFFFE70  }
0x19: {  	[hbm4b:s15+s31] =	stream.linear.scatter [tilespmem:s14], [sflag:$0x3], $0x190, $0x38;
	[tilespmem:$0x640] =	vst v63  }
.LBB2_5:
0x1a: {  	s15 =	sadd.s32 $0x3200, s11  }
0x1b: {  	p1 =	sgt.s32 s15, $0x4E1F  }
0x1c: {  	s15 =	smov.u32 @p1 s5;
	p1 =	sne.s32 s12, s9  }
.Ltmp1:
0x1d: {  	p0 =	slt.u32 s12, $0x2;
	(pc) =	sbr.rel @!p1 .LBB2_6-.Ltmp1, $4  }
0x1e: {  	s14 =	simm.s32 @!p0 $0x3  }
0x1f: {  	_ =	swait.ge @!p0 [sflag:s14], $0x190  }
0x20: {  	s16 =	sadd.s32 $0x1, s12;
	s13 =	smov.u32 s11;
	[sflag:s14] =	ssyncset.done @!p0 $0x0  }
0x21: {  	s12 =	smov.u32 s16;
	s11 =	smov.u32 s15;
	[sflag:s14] =	ssyncadd.s32 @!p0 $0xFFFFFE70  }
.LBB2_1:
0x22: {  	p0 =	sge.u32 s12, s7  }
0x23: {  	s14 =	sxor.u32 @!p0 $0x1, s12  }
0x24: {  	s14 =	smul.u32 @!p0 $0x640, s14  }
0x25: {  	s31 =	sadd.s32 $0xFFFFFFFF, s12;
	s15 =	sshrl.u32 @!p0 s11, $0x3  }
0x26: {  	s16 =	sand.u32 @!p0 $0x7, s11;
	s15 =	sadd.s32 @!p0 s8, s15;
	s14 =	sshra.s32 @!p0 s14, $0x2  }
0x27: {  	[tilespmem:s14], [sflag:$0x2] =	stream.linear.gather @!p0 [hbm4b:s15+s16], $0x190, $0x38;
	[tilespmem:$0x640] =	vst v63  }
0x28: {  	p0 =	sge.u32 s31, s7  }
.Ltmp2:
0x29: {  	_ = 	snop;
	(pc) =	sbr.rel @p0 .LBB2_5-.Ltmp2, $1  }
0x2a: {  	_ =	sdelay $0x3  }
0x2b: {  	s14 =	sand.u32 $0x1, s12  }
0x2c: {  	_ =	swait.ge [sflag:s6], $0x190;
	p0 =	seq.s32 s14, $0x1;
	s14 =	simm.s32 $0x190  }
0x2d: {  	[sflag:s6] =	ssyncset.done $0x0;
	s14 =	simm.s32 @!p0 $0x0  }
0x2e: {  	[sflag:s6] =	ssyncadd.s32 $0xFFFFFE70;
	(ifvalue) =	ssetifvalue $0x7FFFFFFF;
	v0 =	vld.msk [tilespmem:s14+$0x0 ss:$0x1], $0xffff;
	_ =	sdelay $0x4  }
0x2f: {  	s15 =	sadd.s32 $0x10, s14;
	vm1 =	vgt.s32 v0, $0x0  }
0x30: {  	v2 =	vld.msk [tilespmem:s15+$0x0 ss:$0x1], $0xffff;
	v1 =	vnsel vm1, $0x0, v0  }
0x31: {  	v1 =	vmin.u32 v1, $0x4FFF;
	_ =	sdelay $0x2  }
0x32: {  	s17 =	simm.s32 $0x20;
	s14 =	sadd.s32 $0x320, s14;
	s16 =	sadd.s32 $0x10, s15  }
0x33: {  	s15 =	sadd.s32 $0x10, s14;
	s18 =	smov.u32 s14;
	v0 =	vld.msk [tilespmem:s16+$0x0 ss:$0x1], $0xffff;
	vm1 =	vgt.s32 v2, $0x0;
	(ifvalue) =	ssetifvalue $0x7FFFFFFF  }
.LBB2_3:
0x34: {  	[tilespmem:s18], [sflag:$0x1] =	stream.indirect_vreg.gather [hbm4b:s2+s10], $0x1, v1, vm0, $0x4038;
	[tilespmem:$0x640] =	vst v63  }
0x35: {  	s17 =	sadd.s32 $0x10, s17  }
0x36: {  	v2 =	vnsel vm1, $0x0, v2;
	p0 =	slt.u32 s17, $0x180  }
.Ltmp3:
0x37: {  	s18 =	smov.u32 s15;
	v1 =	vmin.u32 v2, $0x4FFF;
	(pc) =	sbr.rel @p0 .LBB2_3-.Ltmp3, $3  }
0x38: {  	_ =	sdelay $0x1  }
0x39: {  	s16 =	sadd.s32 $0x10, s16  }
0x3a: {  	vm1 =	vgt.s32 v0, $0x0;
	s15 =	sadd.s32 $0x10, s15;
	v2 =	vmov v0;
	(ifvalue) =	ssetifvalue $0x7FFFFFFF;
	v0 =	vld.msk [tilespmem:s16+$0x0 ss:$0x1], $0xffff  }
.Ltmp4:
0x3b: {  	_ = 	snop;
	(pc) =	sbr.rel .LBB2_4-.Ltmp4, $1  }
0x3c: {  	_ =	sdelay $0x3  }
.LBB2_6:
0x3d: {  	_ =	sfence.sel $0x180000  }
0x3e: {  	s2 =	simm.s32 $0x2;
	[bflag:$0x0] =	sbarrier.arrive $0xFFFF  }
0x3f: {  	s30 =	simm.s32 $0x3;
	[sflag:s2] =	ssyncpa.u1 $0x1  }
0x40: {  	s31 =	simm.s32 $0x1;
	[sflag:s30] =	ssyncpa.u1 $0x1  }
0x41: {  	[sflag:s31] =	ssyncpa.u1 $0x1  }
0x42: {  	p0 =	sne.s32 s1, $0x0;
	_ =	strace $0x9000004A  }
0x43: {  	s0 =	sadd.s32 @!p0 $0x100000, s0;
	[bflag:$0x2] =	sbarrier.arrive $0xFFFF  }
0x44: {  	[sflag:s0] =	ssyncadd.tile.s32 @!p0 $0x1;
	_ =	shalt  }
.Lfunc_end2:
_tile_overlayer_lowered:
.L_overlay_start_2:
0x45: {  	(tag) =	ssettag $0x2  }
0x46: {  	s0 =	rddreg [dreg:$0x0];
	s2 =	stileid.u32  }
0x47: {  	s1 =	rddreg [dreg:$0x1];
	p0 =	sne.s32 s2, $0x0  }
0x48: {  	s3 =	rddreg [dreg:$0x2];
	[bflag:$0x3] =	sbarrier.arrive $0xFFFF;
	s2 =	simm.s32 @!p0 $0x1C01  }
0x49: {  	[timem:s3], [sflag:s2] =	dma.local @!p0 [hbm:s0], s1  }
0x4a: {  	s0 =	simm.s32 @!p0 $0x1  }
0x4b: {  	_ =	swait.ge @!p0 [sflag:s0], s1  }
0x4c: {  	s1 =	ssub.s32 @!p0 $0x0, s1;
	[sflag:s0] =	ssyncset.done @!p0 $0x0  }
0x4d: {  	[sflag:s0] =	ssyncadd.s32 @!p0 s1  }
0x4e: {  	[bflag:$0x3] =	sbarrier.arrive $0xFFFF  }
0x4f: {  	_ =	shalt  }

// kernel: kernel.5.cloned.1.call-start
scs
__scs_entry_jumppad:
0x0: {  	(pc) =	sbr.rel $0x88, $3  }
0x1: {  	(tag) =	ssettag $0x0;
	lr =	simm.s32 $0x1  }
0x2: {  	[smem:$0x3F9E] =	sst lr;
	_ =	strace $0xD0000000  }
0x3: {  	_ = 	snop  }
0x4: {  	_ = 	snop  }
0x5: {  	_ = 	snop  }
0x6: {  	_ = 	snop  }
0x7: {  	_ = 	snop  }
__scs_overlays_trampoline_lowered:
0x8: {  	[smem:$0x3FAD] =	sst s0  }
0x9: {  	[smem:$0x3FAE] =	sst s1  }
0xa: {  	[smem:$0x3FAF] =	sst s2  }
0xb: {  	[smem:$0x3FB0] =	sst s3  }
0xc: {  	[smem:$0x3FB1] =	sst s4  }
0xd: {  	[smem:$0x3FB2] =	sst s5  }
0xe: {  	[smem:$0x3FB3] =	sst s6  }
0xf: {  	[smem:$0x3FB4] =	sst s7  }
0x10: {  	[smem:$0x3FB5] =	sst s8  }
0x11: {  	[smem:$0x3FB6] =	sst s9;
	s0 =	simm.s32 @!p0 $0x0  }
0x12: {  	s1 =	sld [smem:$0x3F9C];
	s0 =	simm.s32 @p0 $0x1  }
0x13: {  	[smem:$0x3FB7] =	sst s0;
	s0 =	simm.s32 @!p1 $0x0  }
0x14: {  	s2 =	sld [smem:$0x3F9B];
	s0 =	simm.s32 @p1 $0x1  }
0x15: {  	[smem:$0x3FB8] =	sst s0;
	s0 =	simm.s32 @!p2 $0x0  }
0x16: {  	s3 =	sld [smem:$0x3FDB];
	s0 =	simm.s32 @p2 $0x1  }
0x17: {  	s4 =	simm.s32 $0x1BF5;
	[smem:$0x3FBA] =	sst s0  }
0x18: {  	s0 =	sld [smem:$0x3F9D];
	_ =	swait.ge [sflag:s4], $0x0  }
0x19: {  	s7 =	sld [smem:$0x3F9E]  }
0x1a: {  	s8 =	sadd.s32 $0xFFFFE003, lr  }
0x1b: {  	s9 =	sadd.s32 $0xFFFFFEF7, lr;
	s5 =	simm.s32 $0xFFFFFFFF;
	p2 =	slt.u32 s8, $0xFFFFF086  }
0x1c: {  	p1 =	slt.u32 s9, $0xF7A;
	s5 =	simm.s32 @!p2 $0x0  }
0x1d: {  	s5 =	simm.s32 @p1 $0x1;
	p0 =	seq.s32 s7, s2  }
0x1e: {  	s7 =	smul.u32 @!p0 $0xF7A, s2;
	p2 =	seq.s32 @!p0 s5, $0x0  }
0x1f: {  	s9 =	smul.u32 $0xF7A, s1;
	s8 =	simm.s32 @!p0 $0x1BF5;
	p2 =	por !p2, p0  }
0x20: {  	[sflag:s8] =	ssyncset.s32 @!p0 $0xFFFFF086;
	s6 =	sadd.s32 @!p0 s3, s7;
	s7 =	simm.s32 @!p0 $0x108  }
0x21: {  	s3 =	sadd.s32 s3, s9;
	s6 =	sadd.s32 @!p0 $0x88, s6;
	s7 =	simm.s32 @p2 $0x1082  }
0x22: {  	[simem:s7], [sflag:s8] =	dma.local @!p0 [hbm:s6], $0xF7A  }
0x23: {  	s9 =	sor.u32 $0xD0000000, s2;
	s6 =	simm.s32 $0x108;
	_ =	swait.ge @!p0 [sflag:s8], $0x0  }
0x24: {  	s3 =	sadd.s32 $0x88, s3;
	s6 =	simm.s32 @!p1 $0x1082;
	[sflag:s4] =	ssyncset.s32 $0xFFFFF086  }
0x25: {  	[simem:s6], [sflag:s4] =	dma.local [hbm:s3], $0xF7A  }
0x26: {  	[smem:$0x3F9E] =	sst s1;
	(tag) =	ssettag s2;
	_ =	strace s9  }
0x27: {  	s1 =	sld [smem:$0x3FAE]  }
0x28: {  	s2 =	sld [smem:$0x3FAF]  }
0x29: {  	s4 =	sld [smem:$0x3FB1]  }
0x2a: {  	p0 =	seq.s32 s5, $0x0;
	s5 =	sld [smem:$0x3FB2]  }
0x2b: {  	s6 =	sld [smem:$0x3FB3]  }
0x2c: {  	s7 =	sld [smem:$0x3FB4]  }
0x2d: {  	s3 =	simm.s32 $0x108;
	s8 =	sld [smem:$0x3FB5]  }
0x2e: {  	s3 =	simm.s32 @!p0 $0x1082;
	s9 =	sld [smem:$0x3FB6]  }
0x2f: {  	lr =	sadd.s32 s0, s3;
	s0 =	sld [smem:$0x3FAD]  }
0x30: {  	s3 =	sld [smem:$0x3FB0]  }
0x31: {  	[smem:$0x3FB9] =	sst s10  }
0x32: {  	s10 =	sld [smem:$0x3FB7];
	_ =	sdelay $0x3  }
0x33: {  	p0 =	seq.s32 s10, $0x1;
	s10 =	sld [smem:$0x3FB9];
	_ =	sdelay $0x3  }
0x34: {  	[smem:$0x3FB9] =	sst s10  }
0x35: {  	s10 =	sld [smem:$0x3FB8];
	_ =	sdelay $0x3  }
0x36: {  	p1 =	seq.s32 s10, $0x1;
	s10 =	sld [smem:$0x3FB9];
	_ =	sdelay $0x3  }
0x37: {  	[smem:$0x3FB9] =	sst s10  }
0x38: {  	s10 =	sld [smem:$0x3FBA]  }
0x39: {  	_ = 	snop;
	(pc) =	sbr.ind lr, $3  }
0x3a: {  	_ = 	snop  }
0x3b: {  	_ = 	snop  }
0x3c: {  	p2 =	seq.s32 s10, $0x1;
	s10 =	sld [smem:$0x3FB9]  }
0x3d: {  	_ =	shalt  }
0x3e: {  	_ =	shalt  }
0x3f: {  	_ =	shalt  }
0x40: {  	_ =	shalt  }
0x41: {  	_ =	shalt  }
0x42: {  	_ =	shalt  }
0x43: {  	_ =	shalt  }
0x44: {  	_ =	shalt  }
0x45: {  	_ =	shalt  }
0x46: {  	_ =	shalt  }
0x47: {  	_ =	shalt  }
0x48: {  	_ =	shalt  }
0x49: {  	_ =	shalt  }
0x4a: {  	_ =	shalt  }
0x4b: {  	_ =	shalt  }
0x4c: {  	_ =	shalt  }
0x4d: {  	_ =	shalt  }
0x4e: {  	_ =	shalt  }
0x4f: {  	_ =	shalt  }
0x50: {  	_ =	shalt  }
0x51: {  	_ =	shalt  }
0x52: {  	_ =	shalt  }
0x53: {  	_ =	shalt  }
0x54: {  	_ =	shalt  }
0x55: {  	_ =	shalt  }
0x56: {  	_ =	shalt  }
0x57: {  	_ =	shalt  }
0x58: {  	_ =	shalt  }
0x59: {  	_ =	shalt  }
0x5a: {  	_ =	shalt  }
0x5b: {  	_ =	shalt  }
0x5c: {  	_ =	shalt  }
0x5d: {  	_ =	shalt  }
0x5e: {  	_ =	shalt  }
0x5f: {  	_ =	shalt  }
0x60: {  	_ =	shalt  }
0x61: {  	_ =	shalt  }
0x62: {  	_ =	shalt  }
0x63: {  	_ =	shalt  }
0x64: {  	_ =	shalt  }
0x65: {  	_ =	shalt  }
0x66: {  	_ =	shalt  }
0x67: {  	_ =	shalt  }
0x68: {  	_ =	shalt  }
0x69: {  	_ =	shalt  }
0x6a: {  	_ =	shalt  }
0x6b: {  	_ =	shalt  }
0x6c: {  	_ =	shalt  }
0x6d: {  	_ =	shalt  }
0x6e: {  	_ =	shalt  }
0x6f: {  	_ =	shalt  }
0x70: {  	_ =	shalt  }
0x71: {  	_ =	shalt  }
0x72: {  	_ =	shalt  }
0x73: {  	_ =	shalt  }
0x74: {  	_ =	shalt  }
0x75: {  	_ =	shalt  }
0x76: {  	_ =	shalt  }
0x77: {  	_ =	shalt  }
0x78: {  	_ =	shalt  }
0x79: {  	_ =	shalt  }
0x7a: {  	_ =	shalt  }
0x7b: {  	_ =	shalt  }
0x7c: {  	_ =	shalt  }
0x7d: {  	_ =	shalt  }
0x7e: {  	_ =	shalt  }
0x7f: {  	_ =	shalt  }
0x80: {  	_ =	shalt  }
0x81: {  	_ =	shalt  }
0x82: {  	_ =	shalt  }
0x83: {  	_ =	shalt  }
0x84: {  	_ =	shalt  }
0x85: {  	_ =	shalt  }
0x86: {  	_ =	shalt  }
0x87: {  	_ =	shalt  }
.Lfunc_end0:
.L_simem_size_0:
called_computation.1_lowered:
.L_overlay_start_0:
0x88: {  	s2 =	sld [smem:$0x3FD9]  }
0x89: {  	s3 =	sld [smem:$0x3FFE];
	_ =	sdelay $0x1  }
0x8a: {  	s1 =	srdreg.scid  }
0x8b: {  	s0 =	sand.u32 $0x1, s1  }
0x8c: {  	s14 =	sshll.u32 s0, $0xA;
	s2 =	sadd.s32 s3, s2  }
0x8d: {  	s2 =	sadd.s32 s2, s14  }
0x8e: {  	[smem:$0x3FC5] =	sst s2  }
0x8f: {  	_ = 	snop  }
0x90: {  	s2 =	sld [smem:$0x3FD0];
	_ =	sdelay $0x2  }
0x91: {  	s4 =	simm.s32 $0xA;
	s5 =	simm.s32 $0x10;
	s15 =	sld [smem:$0x3FC8]  }
0x92: {  	[smem:s5], [sflag:s4] =	dma.local [hbm:s2], $0x1  }
0x93: {  	_ =	swait.eq [sflag:s4], $0x1  }
0x94: {  	[sflag:s4] =	ssyncset.done $0x0  }
0x95: {  	[sflag:s4] =	ssyncadd.s32 $0xFFFFFFFF  }
0x96: {  	s16 =	sld [smem:$0x12];
	(tm) =	ssettm $0x1  }
0x97: {  	s17 =	sld [smem:$0x3FFB];
	_ =	sdelay $0x3  }
0x98: {  	_ =	strace s17  }
0x99: {  	s4 =	sld [smem:$0x3FFC];
	_ =	sdelay $0x3  }
0x9a: {  	_ =	strace s4  }
0x9b: {  	s4 =	sld [smem:$0x3FFD];
	_ =	sdelay $0x3  }
0x9c: {  	_ =	strace s4  }
0x9d: {  	_ =	strace $0x8FFFFFFF  }
0x9e: {  	s18 =	sld [smem:$0x3FDB];
	_ =	sdelay $0x1  }
0x9f: {  	s19 =	simm.s32 $_scs_section_size  }
0xa0: {  	s6 =	simm.s32 $_size__tile_overlayer_lowered;
	s7 =	simm.s32 $_tile_overlayer_lowered  }
0xa1: {  	s22 =	simm.s32 $0x1BFF;
	s21 =	sshll.u32 s7, $0x1;
	s4 =	sadd.s32 s19, s18  }
0xa2: {  	s8 =	simm.s32 $0x0;
	s20 =	sshll.u32 s6, $0x1;
	s6 =	sadd.s32 s21, s4  }
0xa3: {  	[timem:s8], [sflag:s22] =	dma.local [hbm:s6], s20  }
0xa4: {  	_ =	swait.ge [sflag:s22], s20  }
0xa5: {  	s5 =	ssub.s32 $0x0, s20;
	[sflag:s22] =	ssyncset.done $0x0  }
0xa6: {  	[sflag:s22] =	ssyncadd.s32 s5;
	_ =	sdelay $0x1  }
0xa7: {  	s23 =	simm.s32 $0x1B8B  }
0xa8: {  	_ =	swait.ge [sflag:s23], $0x1  }
0xa9: {  	[sflag:s23] =	ssyncset.done $0x0  }
0xaa: {  	s25 =	simm.s32 $0x1B8E;
	s24 =	sld [smem:$0x3FFE];
	[sflag:s23] =	ssyncadd.s32 $0xFFFFFFFF  }
0xab: {  	s26 =	simm.s32 $execute0_lowered;
	[smem:$0x3FD2] =	sst s25  }
0xac: {  	s6 =	sshll.u32 s26, $0x1;
	_ =	strace $0x80000046;
	[dreg:$0x1] =	wrdreg $0xFFFFFFFF  }
0xad: {  	s28 =	simm.s32 $_size_execute0_lowered;
	s4 =	sadd.s32 s4, s6;
	[dreg:$0x0] =	wrdreg $0x0  }
0xae: {  	s6 =	sshll.u32 s28, $0x1;
	[dreg:$0x2] =	wrdreg s4  }
0xaf: {  	[dreg:$0x3] =	wrdreg s6  }
0xb0: {  	[dreg:$0x4] =	wrdreg $0xC0  }
0xb1: {  	_ =	task [dreg:s8], $0x5FFFF  }
0xb2: {  	[dreg:$0x1] =	wrdreg $0xFFFFFFFF  }
0xb3: {  	[dreg:$0x0] =	wrdreg $0x60  }
0xb4: {  	[dreg:$0x2] =	wrdreg s15  }
0xb5: {  	[dreg:$0x3] =	wrdreg s16  }
0xb6: {  	[dreg:$0x4] =	wrdreg s24  }
0xb7: {  	[dreg:$0x5] =	wrdreg $0x9  }
0xb8: {  	_ =	task.clear_ibuf [dreg:s8], $0x6FFFF;
	_ =	strace $0x90000046  }
0xb9: {  	s29 =	simm.s32 $0x9;
	_ =	strace $0x80000048  }
0xba: {  	_ =	swait.ge [sflag:s29], $0x1  }
0xbb: {  	[sflag:s29] =	ssyncadd.s32 $0xFFFFFFFF  }
0xbc: {  	_ =	strace $0x90000048  }
0xbd: {  	_ =	sfence  }
0xbe: {  	s30 =	sld [smem:$0x0];
	_ =	sdelay $0x2  }
0xbf: {  	s31 =	sshll.u32 s1, $0xD;
	s1 =	sshrl.u32 s1, $0x2  }
0xc0: {  	s3 =	sand.u32 $0x4000, s31;
	s1 =	sadd.s32 s1, s30  }
0xc1: {  	s0 =	sor.u32 s3, s0;
	s1 =	sshll.u32 s1, $0x11  }
0xc2: {  	s0 =	sor.u32 s1, s0  }
0xc3: {  	s0 =	sadd.s32 $0x8F2B, s0  }
0xc4: {  	[sflag:s0] =	ssyncadd.remote.s32 $0x1  }
0xc5: {  	_ =	sfence.sel $0xFFFF  }
0xc6: {  	[dreg:$0x0] =	wrdreg $0xFFFFFFFF;
	(pc) =	sbr.abs _section_cstart, $3  }
0xc7: {  	[dreg:$0x1] =	wrdreg $0xFFFFFFFF  }
0xc8: {  	_ =	task.clear_ibuf [dreg:s8], $0x2FFFF;
	_ =	strace $0x9FFFFFFF  }
0xc9: {  	(tm) =	ssettm $0x7FFFFFFF  }
tec
execute0_lowered:
.L_overlay_start_1:
0x0: {  	(tag) =	ssettag $0x1  }
0x1: {  	s0 =	rddreg [dreg:$0x0]  }
0x2: {  	s1 =	rddreg [dreg:$0x1]  }
0x3: {  	s2 =	rddreg [dreg:$0x2]  }
0x4: {  	s4 =	srdreg.scid;
	s12 =	stileid.u32  }
0x5: {  	s3 =	simm.s32 $0x0;
	s28 =	simm.s32 $0x1B00;
	s29 =	simm.s32 $0x2300  }
0x6: {  	s30 =	simm.s32 $0x2B00;
	s31 =	simm.s32 $0x3300;
	s13 =	simm.s32 $0x6B00  }
0x7: {  	s4 =	sand.u32 $0x1, s4;
	s5 =	sshll.u32 s12, $0x1;
	[smem:$0x7FF] =	sst s3  }
0x8: {  	p0 =	sgt.u32 s12, $0xD;
	s12 =	simm.s32 $0x6300;
	s6 =	ssub.s32 $0x2, s4  }
0x9: {  	s4 =	sor.u32 s4, s5;
	_ =	strace $0x80000047;
	s15 =	sshrl.u32 s6, $0x1  }
0xa: {  	s7 =	sshll.u32 s4, $0x7;
	s16 =	sshll.u32 s4, $0x4;
	s11 =	sshll.u32 s4, $0xC  }
0xb: {  	p1 =	sne.s32 s4, $0x1F;
	s4 =	simm.s32 $0x7300;
	s5 =	ssub.s32 s6, s15  }
0xc: {  	s8 =	sor.u32 $0x1000, s7;
	s6 =	sadd.s32 s1, s16;
	s9 =	sor.u32 $0x2000, s7  }
0xd: {  	s10 =	sor.u32 $0x3000, s7;
	s20 =	sadd.s32 s0, s11;
	s7 =	sor.u32 $0x4000, s7  }
0xe: {  	s15 =	sadd.s32 $0x9C000, s0;
	[dreg:$0x4] =	wrdreg s6;
	s17 =	sshrl.u32 s8, $0x3  }
0xf: {  	s18 =	sshrl.u32 s9, $0x3;
	s19 =	sshrl.u32 s10, $0x3;
	[dreg:$0x8] =	wrdreg s20  }
0x10: {  	s21 =	sshll.u32 s8, $0x5;
	s22 =	sshll.u32 s9, $0x5;
	s23 =	sshll.u32 s10, $0x5  }
0x11: {  	s24 =	sshrl.u32 s7, $0x3;
	s26 =	sshll.u32 s7, $0x5;
	s16 =	smax.u32 s5, $0x1  }
0x12: {  	s20 =	simm.s32 $0x1;
	s5 =	simm.s32 $0x7B00;
	s7 =	simm.s32 $0x3  }
0x13: {  	s8 =	simm.s32 $0x4;
	s9 =	simm.s32 $0x6;
	s10 =	simm.s32 $0x7  }
0x14: {  	s6 =	sadd.s32 s1, s17;
	s25 =	sadd.s32 s1, s24;
	s24 =	simm.s32 $0x2  }
0x15: {  	s17 =	simm.s32 $0x4B00;
	[dreg:$0x5] =	wrdreg s6;
	s6 =	sadd.s32 s1, s18  }
0x16: {  	[dreg:$0xc] =	wrdreg s25;
	s25 =	simm.s32 $0xB00;
	s18 =	simm.s32 $0x5300  }
0x17: {  	[dreg:$0x6] =	wrdreg s6;
	s6 =	sadd.s32 s1, s19;
	s1 =	sadd.s32 $0x9C0, s1  }
0x18: {  	s19 =	simm.s32 $0x5B00;
	[dreg:$0x7] =	wrdreg s6;
	s6 =	sadd.s32 s0, s21  }
.Ltmp0:
0x19: {  	[dreg:$0xe] =	wrdreg s1;
	s21 =	simm.s32 $0x300;
	(pc) =	sbr.rel .LBB2_1-.Ltmp0, $4  }
0x1a: {  	s1 =	simm.s32 $0x4300;
	[dreg:$0x9] =	wrdreg s6;
	s6 =	sadd.s32 s0, s22  }
0x1b: {  	v2 =	vlaneseq.u32;
	[dreg:$0xa] =	wrdreg s6;
	s6 =	sadd.s32 s0, s23;
	s23 =	simm.s32 $0x10300  }
0x1c: {  	vm0 =	vmmov $0xffff;
	v1 =	vshrl.u32 v2, $0x3;
	v0 =	vand.u32 $0x7, v2;
	[dreg:$0xb] =	wrdreg s6;
	s6 =	sadd.s32 s0, s26;
	s26 =	simm.s32 $0x1300  }
0x1d: {  	v2 =	vor.u32 $0x8, v2;
	v1 =	vmul.u32 $0x8, v1;
	vm1 =	vmmov @!p1 $0xffff;
	s0 =	simm.s32 $0x3B00;
	[dreg:$0xd] =	wrdreg s6;
	s6 =	simm.s32 $0x5  }
.LBB2_3:
0x1e: {  	s11 =	simm.s32 @!p1 $0x0;
	s22 =	simm.s32 @!p1 $0x280;
	s14 =	rddreg [dreg:$0xe]  }
0x1f: {  	[tilespmem:s22], [sflag:$0xA] =	stream.linear.gather @!p1 [hbm4b:s14+s11], $0x20, $0x38;
	[tilespmem:$0x1A300] =	vst v63  }
0x20: {  	s22 =	simm.s32 @!p1 $0xA  }
0x21: {  	_ =	swait.ge @!p1 [sflag:s22], $0x20  }
0x22: {  	[sflag:s22] =	ssyncset.done @!p1 $0x0  }
0x23: {  	s14 =	simm.s32 @!p1 $0x8;
	[sflag:s22] =	ssyncadd.s32 @!p1 $0xFFFFFFE0;
	s22 =	simm.s32 @!p1 $0x18300  }
0x24: {  	[tilespmem:s22], [sflag:$0x8] =	stream.linear.gather @!p1 [hbm4b:s15+s11], $0x2000, $0x38;
	[tilespmem:$0x1A300] =	vst v63  }
0x25: {  	_ =	swait.ge @!p1 [sflag:s14], $0x2000  }
0x26: {  	[sflag:s14] =	ssyncset.done @!p1 $0x0  }
0x27: {  	[sflag:s14] =	ssyncadd.s32 @!p1 $0xFFFFE000  }
0x28: {  	v3 =	vld @!p1 [tilespmem:$0x280];
	_ =	sdelay $0x4  }
0x29: {  	v4 =	vshll.u32 @!p1 v3, $0x1  }
0x2a: {  	v5 =	vlaneseq.u32 @!p1;
	v3 =	vand.u32 @!p1 $0x7, v3;
	v4 =	vand.u32 @!p1 $0xFFFFFFF0, v4  }
0x2b: {  	v6 =	vshrl.u32 @!p1 v5, $0x3;
	v3 =	vor.u32 @!p1 v3, v4;
	v4 =	vand.u32 @!p1 $0x7, v5  }
0x2c: {  	v6 =	vmul.u32 @!p1 $0x8, v6;
	v7 =	vperm.xlane @!p1 v3, v4  }
0x2d: {  	v5 =	vor.u32 @!p1 $0x8, v5  }
0x2e: {  	v3 =	vperm.xlane @!p1 v3, v5;
	v7 =	vadd.s32 @!p1 v6, v7;
	_ =	sdelay $0x1  }
0x2f: {  	v3 =	vadd.s32 @!p1 v6, v3;
	_ =	sdelay $0x2  }
0x30: {  	[hbm4b:s2+s11] =	stream.indirect_vreg.scatter @!p1 [tilespmem:s22], [sflag:$0x9], $0x80, v7, vm1, $0xb8;
	[tilespmem:$0x1A300] =	vst v63  }
0x31: {  	s14 =	simm.s32 @!p1 $0x18B00  }
0x32: {  	[hbm4b:s2+s11] =	stream.indirect_vreg.scatter @!p1 [tilespmem:s14], [sflag:$0x9], $0x80, v3, vm1, $0xb8;
	[tilespmem:$0x1A300] =	vst v63  }
0x33: {  	v3 =	vld @!p1 [tilespmem:$0x290];
	_ =	sdelay $0x4  }
0x34: {  	v7 =	vshll.u32 @!p1 v3, $0x1  }
0x35: {  	v3 =	vand.u32 @!p1 $0x7, v3;
	v7 =	vand.u32 @!p1 $0xFFFFFFF0, v7  }
0x36: {  	v3 =	vor.u32 @!p1 v3, v7  }
0x37: {  	v4 =	vperm.xlane @!p1 v3, v4;
	_ =	sdelay $0x1  }
0x38: {  	v3 =	vperm.xlane @!p1 v3, v5;
	v4 =	vadd.s32 @!p1 v6, v4;
	_ =	sdelay $0x1  }
0x39: {  	v3 =	vadd.s32 @!p1 v6, v3;
	_ =	sdelay $0x1  }
0x3a: {  	s16 =	sadd.s32 $0xFFFFFFFF, s16;
	s14 =	simm.s32 @!p1 $0x19300  }
0x3b: {  	[hbm4b:s2+s11] =	stream.indirect_vreg.scatter @!p1 [tilespmem:s14], [sflag:$0x9], $0x80, v4, vm1, $0xb8;
	[tilespmem:$0x1A300] =	vst v63  }
0x3c: {  	p2 =	sne.s32 s16, $0x0;
	s14 =	simm.s32 @!p1 $0x19B00  }
0x3d: {  	[hbm4b:s2+s11] =	stream.indirect_vreg.scatter @!p1 [tilespmem:s14], [sflag:$0x9], $0x80, v3, vm1, $0xb8;
	[tilespmem:$0x1A300] =	vst v63  }
.Ltmp1:
0x3e: {  	_ = 	snop;
	(pc) =	sbr.rel @!p2 .LBB2_4-.Ltmp1, $4  }
0x3f: {  	s11 =	simm.s32 @!p1 $0x9  }
0x40: {  	_ =	swait.ge @!p1 [sflag:s11], $0x2000  }
0x41: {  	[sflag:s11] =	ssyncset.done @!p1 $0x0  }
0x42: {  	[sflag:s11] =	ssyncadd.s32 @!p1 $0xFFFFE000  }
.LBB2_1:
0x43: {  	s11 =	rddreg [dreg:$0x4]  }
0x44: {  	[tilespmem:s3], [sflag:$0x1] =	stream.linear.gather [hbm4b:s11+s3], $0x80, $0x38;
	[tilespmem:$0x1A300] =	vst v63  }
0x45: {  	s22 =	rddreg [dreg:$0x5];
	s14 =	simm.s32 $0x80  }
0x46: {  	[tilespmem:s14], [sflag:$0x1] =	stream.linear.gather [hbm4b:s22+s3], $0x80, $0x38;
	[tilespmem:$0x1A300] =	vst v63  }
0x47: {  	s14 =	rddreg [dreg:$0x6];
	s22 =	simm.s32 $0x100  }
0x48: {  	[tilespmem:s22], [sflag:$0x1] =	stream.linear.gather [hbm4b:s14+s3], $0x80, $0x38;
	[tilespmem:$0x1A300] =	vst v63  }
0x49: {  	s14 =	rddreg [dreg:$0x7];
	s22 =	simm.s32 $0x180  }
0x4a: {  	[tilespmem:s22], [sflag:$0x1] =	stream.linear.gather [hbm4b:s14+s3], $0x80, $0x38;
	[tilespmem:$0x1A300] =	vst v63  }
0x4b: {  	_ =	swait.ge [sflag:s20], $0x80  }
0x4c: {  	[sflag:s20] =	ssyncset.done $0x0  }
0x4d: {  	[sflag:s20] =	ssyncadd.s32 $0xFFFFFF80  }
0x4e: {  	_ =	swait.ge [sflag:s20], $0x80  }
0x4f: {  	[sflag:s20] =	ssyncset.done $0x0  }
0x50: {  	[sflag:s20] =	ssyncadd.s32 $0xFFFFFF80  }
0x51: {  	_ =	swait.ge [sflag:s20], $0x80  }
0x52: {  	[sflag:s20] =	ssyncset.done $0x0  }
0x53: {  	[sflag:s20] =	ssyncadd.s32 $0xFFFFFF80  }
0x54: {  	_ =	swait.ge [sflag:s20], $0x80  }
0x55: {  	[sflag:s20] =	ssyncset.done $0x0  }
0x56: {  	s14 =	rddreg [dreg:$0x8];
	[sflag:s20] =	ssyncadd.s32 $0xFFFFFF80  }
0x57: {  	[tilespmem:s21], [sflag:$0x2] =	stream.linear.gather [hbm4b:s14+s3], $0x8000, $0x38;
	[tilespmem:$0x1A300] =	vst v63  }
0x58: {  	s22 =	rddreg [dreg:$0x9];
	s14 =	simm.s32 $0x8300  }
0x59: {  	[tilespmem:s14], [sflag:$0x3] =	stream.linear.gather [hbm4b:s22+s3], $0x8000, $0x38;
	[tilespmem:$0x1A300] =	vst v63  }
0x5a: {  	s22 =	rddreg [dreg:$0xa]  }
0x5b: {  	[tilespmem:s23], [sflag:$0x4] =	stream.linear.gather [hbm4b:s22+s3], $0x8000, $0x38;
	[tilespmem:$0x1A300] =	vst v63  }
0x5c: {  	_ =	swait.ge [sflag:s24], $0x8000  }
0x5d: {  	[sflag:s24] =	ssyncset.done $0x0  }
0x5e: {  	[sflag:s24] =	ssyncadd.s32 $0xFFFF8000  }
0x5f: {  	v3 =	vld [tilespmem:$0x0];
	_ =	sdelay $0x4  }
0x60: {  	v4 =	vshll.u32 v3, $0x1  }
0x61: {  	v3 =	vand.u32 $0x7, v3;
	v4 =	vand.u32 $0xFFFFFFF0, v4  }
0x62: {  	v3 =	vor.u32 v3, v4  }
0x63: {  	v4 =	vperm.xlane v3, v0;
	_ =	sdelay $0x1  }
0x64: {  	v3 =	vperm.xlane v3, v2;
	v4 =	vadd.s32 v1, v4;
	_ =	sdelay $0x1  }
0x65: {  	v3 =	vadd.s32 v1, v3;
	_ =	sdelay $0x2  }
0x66: {  	[hbm4b:s2+s3] =	stream.indirect_vreg.scatter [tilespmem:s21], [sflag:$0x5], $0x80, v4, vm0, $0xb8;
	[tilespmem:$0x1A300] =	vst v63  }
0x67: {  	_ = 	snop  }
0x68: {  	[hbm4b:s2+s3] =	stream.indirect_vreg.scatter [tilespmem:s25], [sflag:$0x5], $0x80, v3, vm0, $0xb8;
	[tilespmem:$0x1A300] =	vst v63  }
0x69: {  	v3 =	vld [tilespmem:$0x10];
	_ =	sdelay $0x4  }
0x6a: {  	v33 =	vshll.u32 v3, $0x1  }
0x6b: {  	v3 =	vand.u32 $0x7, v3;
	v4 =	vand.u32 $0xFFFFFFF0, v33  }
0x6c: {  	v3 =	vor.u32 v3, v4  }
0x6d: {  	v4 =	vperm.xlane v3, v0;
	_ =	sdelay $0x1  }
0x6e: {  	v3 =	vperm.xlane v3, v2;
	v4 =	vadd.s32 v1, v4;
	_ =	sdelay $0x1  }
0x6f: {  	v3 =	vadd.s32 v1, v3;
	_ =	sdelay $0x2  }
0x70: {  	[hbm4b:s2+s3] =	stream.indirect_vreg.scatter [tilespmem:s26], [sflag:$0x5], $0x80, v4, vm0, $0xb8;
	[tilespmem:$0x1A300] =	vst v63  }
0x71: {  	_ = 	snop  }
0x72: {  	[hbm4b:s2+s3] =	stream.indirect_vreg.scatter [tilespmem:s28], [sflag:$0x5], $0x80, v3, vm0, $0xb8;
	[tilespmem:$0x1A300] =	vst v63  }
0x73: {  	v3 =	vld [tilespmem:$0x20];
	_ =	sdelay $0x4  }
0x74: {  	v34 =	vshll.u32 v3, $0x1  }
0x75: {  	v3 =	vand.u32 $0x7, v3;
	v4 =	vand.u32 $0xFFFFFFF0, v34  }
0x76: {  	v3 =	vor.u32 v3, v4  }
0x77: {  	v4 =	vperm.xlane v3, v0;
	_ =	sdelay $0x1  }
0x78: {  	v3 =	vperm.xlane v3, v2;
	v4 =	vadd.s32 v1, v4;
	_ =	sdelay $0x1  }
0x79: {  	v3 =	vadd.s32 v1, v3;
	_ =	sdelay $0x2  }
0x7a: {  	[hbm4b:s2+s3] =	stream.indirect_vreg.scatter [tilespmem:s29], [sflag:$0x5], $0x80, v4, vm0, $0xb8;
	[tilespmem:$0x1A300] =	vst v63  }
0x7b: {  	_ = 	snop  }
0x7c: {  	[hbm4b:s2+s3] =	stream.indirect_vreg.scatter [tilespmem:s30], [sflag:$0x5], $0x80, v3, vm0, $0xb8;
	[tilespmem:$0x1A300] =	vst v63  }
0x7d: {  	v3 =	vld [tilespmem:$0x30];
	_ =	sdelay $0x4  }
0x7e: {  	v35 =	vshll.u32 v3, $0x1  }
0x7f: {  	v3 =	vand.u32 $0x7, v3;
	v4 =	vand.u32 $0xFFFFFFF0, v35  }
0x80: {  	v3 =	vor.u32 v3, v4  }
0x81: {  	v4 =	vperm.xlane v3, v0;
	_ =	sdelay $0x1  }
0x82: {  	v3 =	vperm.xlane v3, v2;
	v4 =	vadd.s32 v1, v4;
	_ =	sdelay $0x1  }
0x83: {  	v3 =	vadd.s32 v1, v3;
	_ =	sdelay $0x2  }
0x84: {  	[hbm4b:s2+s3] =	stream.indirect_vreg.scatter [tilespmem:s31], [sflag:$0x5], $0x80, v4, vm0, $0xb8;
	[tilespmem:$0x1A300] =	vst v63  }
0x85: {  	_ = 	snop  }
0x86: {  	[hbm4b:s2+s3] =	stream.indirect_vreg.scatter [tilespmem:s0], [sflag:$0x5], $0x80, v3, vm0, $0xb8;
	[tilespmem:$0x1A300] =	vst v63  }
0x87: {  	v3 =	vld [tilespmem:$0x40];
	_ =	sdelay $0x4  }
0x88: {  	v36 =	vshll.u32 v3, $0x1  }
0x89: {  	v3 =	vand.u32 $0x7, v3;
	v4 =	vand.u32 $0xFFFFFFF0, v36  }
0x8a: {  	v3 =	vor.u32 v3, v4  }
0x8b: {  	v4 =	vperm.xlane v3, v0;
	_ =	sdelay $0x1  }
0x8c: {  	v3 =	vperm.xlane v3, v2;
	v4 =	vadd.s32 v1, v4;
	_ =	sdelay $0x1  }
0x8d: {  	v3 =	vadd.s32 v1, v3;
	_ =	sdelay $0x2  }
0x8e: {  	[hbm4b:s2+s3] =	stream.indirect_vreg.scatter [tilespmem:s1], [sflag:$0x5], $0x80, v4, vm0, $0xb8;
	[tilespmem:$0x1A300] =	vst v63  }
0x8f: {  	_ = 	snop  }
0x90: {  	[hbm4b:s2+s3] =	stream.indirect_vreg.scatter [tilespmem:s17], [sflag:$0x5], $0x80, v3, vm0, $0xb8;
	[tilespmem:$0x1A300] =	vst v63  }
0x91: {  	v3 =	vld [tilespmem:$0x50];
	_ =	sdelay $0x4  }
0x92: {  	v37 =	vshll.u32 v3, $0x1  }
0x93: {  	v3 =	vand.u32 $0x7, v3;
	v4 =	vand.u32 $0xFFFFFFF0, v37  }
0x94: {  	v3 =	vor.u32 v3, v4  }
0x95: {  	v4 =	vperm.xlane v3, v0;
	_ =	sdelay $0x1  }
0x96: {  	v3 =	vperm.xlane v3, v2;
	v4 =	vadd.s32 v1, v4;
	_ =	sdelay $0x1  }
0x97: {  	v3 =	vadd.s32 v1, v3;
	_ =	sdelay $0x2  }
0x98: {  	[hbm4b:s2+s3] =	stream.indirect_vreg.scatter [tilespmem:s18], [sflag:$0x5], $0x80, v4, vm0, $0xb8;
	[tilespmem:$0x1A300] =	vst v63  }
0x99: {  	_ = 	snop  }
0x9a: {  	[hbm4b:s2+s3] =	stream.indirect_vreg.scatter [tilespmem:s19], [sflag:$0x5], $0x80, v3, vm0, $0xb8;
	[tilespmem:$0x1A300] =	vst v63  }
0x9b: {  	v3 =	vld [tilespmem:$0x60];
	_ =	sdelay $0x4  }
0x9c: {  	v38 =	vshll.u32 v3, $0x1  }
0x9d: {  	v3 =	vand.u32 $0x7, v3;
	v4 =	vand.u32 $0xFFFFFFF0, v38  }
0x9e: {  	v3 =	vor.u32 v3, v4  }
0x9f: {  	v4 =	vperm.xlane v3, v0;
	_ =	sdelay $0x1  }
0xa0: {  	v3 =	vperm.xlane v3, v2;
	v4 =	vadd.s32 v1, v4;
	_ =	sdelay $0x1  }
0xa1: {  	v3 =	vadd.s32 v1, v3;
	_ =	sdelay $0x2  }
0xa2: {  	[hbm4b:s2+s3] =	stream.indirect_vreg.scatter [tilespmem:s12], [sflag:$0x5], $0x80, v4, vm0, $0xb8;
	[tilespmem:$0x1A300] =	vst v63  }
0xa3: {  	_ = 	snop  }
0xa4: {  	[hbm4b:s2+s3] =	stream.indirect_vreg.scatter [tilespmem:s13], [sflag:$0x5], $0x80, v3, vm0, $0xb8;
	[tilespmem:$0x1A300] =	vst v63  }
0xa5: {  	v3 =	vld [tilespmem:$0x70];
	_ =	sdelay $0x4  }
0xa6: {  	v39 =	vshll.u32 v3, $0x1  }
0xa7: {  	v3 =	vand.u32 $0x7, v3;
	v4 =	vand.u32 $0xFFFFFFF0, v39  }
0xa8: {  	v3 =	vor.u32 v3, v4  }
0xa9: {  	v4 =	vperm.xlane v3, v0;
	_ =	sdelay $0x1  }
0xaa: {  	v3 =	vperm.xlane v3, v2;
	v4 =	vadd.s32 v1, v4;
	_ =	sdelay $0x1  }
0xab: {  	v3 =	vadd.s32 v1, v3;
	_ =	sdelay $0x2  }
0xac: {  	[hbm4b:s2+s3] =	stream.indirect_vreg.scatter [tilespmem:s4], [sflag:$0x5], $0x80, v4, vm0, $0xb8;
	[tilespmem:$0x1A300] =	vst v63  }
0xad: {  	_ = 	snop  }
0xae: {  	[hbm4b:s2+s3] =	stream.indirect_vreg.scatter [tilespmem:s5], [sflag:$0x5], $0x80, v3, vm0, $0xb8;
	[tilespmem:$0x1A300] =	vst v63  }
0xaf: {  	_ =	swait.ge [sflag:s6], $0x8000  }
0xb0: {  	[sflag:s6] =	ssyncset.done $0x0  }
0xb1: {  	s22 =	rddreg [dreg:$0xb];
	[sflag:s6] =	ssyncadd.s32 $0xFFFF8000  }
0xb2: {  	[tilespmem:s21], [sflag:$0x2] =	stream.linear.gather [hbm4b:s22+s3], $0x8000, $0x38;
	[tilespmem:$0x1A300] =	vst v63  }
0xb3: {  	_ =	swait.ge [sflag:s7], $0x8000  }
0xb4: {  	[sflag:s7] =	ssyncset.done $0x0  }
0xb5: {  	[sflag:s7] =	ssyncadd.s32 $0xFFFF8000  }
0xb6: {  	v3 =	vld [tilespmem:$0x80];
	_ =	sdelay $0x4  }
0xb7: {  	v40 =	vshll.u32 v3, $0x1  }
0xb8: {  	v3 =	vand.u32 $0x7, v3;
	v4 =	vand.u32 $0xFFFFFFF0, v40  }
0xb9: {  	v3 =	vor.u32 v3, v4  }
0xba: {  	v4 =	vperm.xlane v3, v0;
	_ =	sdelay $0x1  }
0xbb: {  	v3 =	vperm.xlane v3, v2;
	v4 =	vadd.s32 v1, v4;
	_ =	sdelay $0x1  }
0xbc: {  	v3 =	vadd.s32 v1, v3;
	_ =	sdelay $0x2  }
0xbd: {  	[hbm4b:s2+s3] =	stream.indirect_vreg.scatter [tilespmem:s14], [sflag:$0x6], $0x80, v4, vm0, $0xb8;
	[tilespmem:$0x1A300] =	vst v63  }
0xbe: {  	s14 =	simm.s32 $0x8B00  }
0xbf: {  	[hbm4b:s2+s3] =	stream.indirect_vreg.scatter [tilespmem:s14], [sflag:$0x6], $0x80, v3, vm0, $0xb8;
	[tilespmem:$0x1A300] =	vst v63  }
0xc0: {  	v3 =	vld [tilespmem:$0x90];
	_ =	sdelay $0x4  }
0xc1: {  	v41 =	vshll.u32 v3, $0x1  }
0xc2: {  	v3 =	vand.u32 $0x7, v3;
	v4 =	vand.u32 $0xFFFFFFF0, v41  }
0xc3: {  	v3 =	vor.u32 v3, v4  }
0xc4: {  	v4 =	vperm.xlane v3, v0;
	_ =	sdelay $0x1  }
0xc5: {  	v3 =	vperm.xlane v3, v2;
	v4 =	vadd.s32 v1, v4;
	_ =	sdelay $0x1  }
0xc6: {  	v3 =	vadd.s32 v1, v3;
	_ =	sdelay $0x1  }
0xc7: {  	s22 =	simm.s32 $0x9300  }
0xc8: {  	[hbm4b:s2+s3] =	stream.indirect_vreg.scatter [tilespmem:s22], [sflag:$0x6], $0x80, v4, vm0, $0xb8;
	[tilespmem:$0x1A300] =	vst v63  }
0xc9: {  	s14 =	simm.s32 $0x9B00  }
0xca: {  	[hbm4b:s2+s3] =	stream.indirect_vreg.scatter [tilespmem:s14], [sflag:$0x6], $0x80, v3, vm0, $0xb8;
	[tilespmem:$0x1A300] =	vst v63  }
0xcb: {  	v3 =	vld [tilespmem:$0xA0];
	_ =	sdelay $0x4  }
0xcc: {  	v42 =	vshll.u32 v3, $0x1  }
0xcd: {  	v3 =	vand.u32 $0x7, v3;
	v4 =	vand.u32 $0xFFFFFFF0, v42  }
0xce: {  	v3 =	vor.u32 v3, v4  }
0xcf: {  	v4 =	vperm.xlane v3, v0;
	_ =	sdelay $0x1  }
0xd0: {  	v3 =	vperm.xlane v3, v2;
	v4 =	vadd.s32 v1, v4;
	_ =	sdelay $0x1  }
0xd1: {  	v3 =	vadd.s32 v1, v3;
	_ =	sdelay $0x1  }
0xd2: {  	s22 =	simm.s32 $0xA300  }
0xd3: {  	[hbm4b:s2+s3] =	stream.indirect_vreg.scatter [tilespmem:s22], [sflag:$0x6], $0x80, v4, vm0, $0xb8;
	[tilespmem:$0x1A300] =	vst v63  }
0xd4: {  	s14 =	simm.s32 $0xAB00  }
0xd5: {  	[hbm4b:s2+s3] =	stream.indirect_vreg.scatter [tilespmem:s14], [sflag:$0x6], $0x80, v3, vm0, $0xb8;
	[tilespmem:$0x1A300] =	vst v63  }
0xd6: {  	v3 =	vld [tilespmem:$0xB0];
	_ =	sdelay $0x4  }
0xd7: {  	v43 =	vshll.u32 v3, $0x1  }
0xd8: {  	v3 =	vand.u32 $0x7, v3;
	v4 =	vand.u32 $0xFFFFFFF0, v43  }
0xd9: {  	v3 =	vor.u32 v3, v4  }
0xda: {  	v4 =	vperm.xlane v3, v0;
	_ =	sdelay $0x1  }
0xdb: {  	v3 =	vperm.xlane v3, v2;
	v4 =	vadd.s32 v1, v4;
	_ =	sdelay $0x1  }
0xdc: {  	v3 =	vadd.s32 v1, v3;
	_ =	sdelay $0x1  }
0xdd: {  	s22 =	simm.s32 $0xB300  }
0xde: {  	[hbm4b:s2+s3] =	stream.indirect_vreg.scatter [tilespmem:s22], [sflag:$0x6], $0x80, v4, vm0, $0xb8;
	[tilespmem:$0x1A300] =	vst v63  }
0xdf: {  	s14 =	simm.s32 $0xBB00  }
0xe0: {  	[hbm4b:s2+s3] =	stream.indirect_vreg.scatter [tilespmem:s14], [sflag:$0x6], $0x80, v3, vm0, $0xb8;
	[tilespmem:$0x1A300] =	vst v63  }
0xe1: {  	v3 =	vld [tilespmem:$0xC0];
	_ =	sdelay $0x4  }
0xe2: {  	v44 =	vshll.u32 v3, $0x1  }
0xe3: {  	v3 =	vand.u32 $0x7, v3;
	v4 =	vand.u32 $0xFFFFFFF0, v44  }
0xe4: {  	v3 =	vor.u32 v3, v4  }
0xe5: {  	v4 =	vperm.xlane v3, v0;
	_ =	sdelay $0x1  }
0xe6: {  	v3 =	vperm.xlane v3, v2;
	v4 =	vadd.s32 v1, v4;
	_ =	sdelay $0x1  }
0xe7: {  	v3 =	vadd.s32 v1, v3;
	_ =	sdelay $0x1  }
0xe8: {  	s22 =	simm.s32 $0xC300  }
0xe9: {  	[hbm4b:s2+s3] =	stream.indirect_vreg.scatter [tilespmem:s22], [sflag:$0x6], $0x80, v4, vm0, $0xb8;
	[tilespmem:$0x1A300] =	vst v63  }
0xea: {  	s14 =	simm.s32 $0xCB00  }
0xeb: {  	[hbm4b:s2+s3] =	stream.indirect_vreg.scatter [tilespmem:s14], [sflag:$0x6], $0x80, v3, vm0, $0xb8;
	[tilespmem:$0x1A300] =	vst v63  }
0xec: {  	v3 =	vld [tilespmem:$0xD0];
	_ =	sdelay $0x4  }
0xed: {  	v45 =	vshll.u32 v3, $0x1  }
0xee: {  	v3 =	vand.u32 $0x7, v3;
	v4 =	vand.u32 $0xFFFFFFF0, v45  }
0xef: {  	v3 =	vor.u32 v3, v4  }
0xf0: {  	v4 =	vperm.xlane v3, v0;
	_ =	sdelay $0x1  }
0xf1: {  	v3 =	vperm.xlane v3, v2;
	v4 =	vadd.s32 v1, v4;
	_ =	sdelay $0x1  }
0xf2: {  	v3 =	vadd.s32 v1, v3;
	_ =	sdelay $0x1  }
0xf3: {  	s22 =	simm.s32 $0xD300  }
0xf4: {  	[hbm4b:s2+s3] =	stream.indirect_vreg.scatter [tilespmem:s22], [sflag:$0x6], $0x80, v4, vm0, $0xb8;
	[tilespmem:$0x1A300] =	vst v63  }
0xf5: {  	s14 =	simm.s32 $0xDB00  }
0xf6: {  	[hbm4b:s2+s3] =	stream.indirect_vreg.scatter [tilespmem:s14], [sflag:$0x6], $0x80, v3, vm0, $0xb8;
	[tilespmem:$0x1A300] =	vst v63  }
0xf7: {  	v3 =	vld [tilespmem:$0xE0];
	_ =	sdelay $0x4  }
0xf8: {  	v46 =	vshll.u32 v3, $0x1  }
0xf9: {  	v3 =	vand.u32 $0x7, v3;
	v4 =	vand.u32 $0xFFFFFFF0, v46  }
0xfa: {  	v3 =	vor.u32 v3, v4  }
0xfb: {  	v4 =	vperm.xlane v3, v0;
	_ =	sdelay $0x1  }
0xfc: {  	v3 =	vperm.xlane v3, v2;
	v4 =	vadd.s32 v1, v4;
	_ =	sdelay $0x1  }
0xfd: {  	v3 =	vadd.s32 v1, v3;
	_ =	sdelay $0x1  }
0xfe: {  	s22 =	simm.s32 $0xE300  }
0xff: {  	[hbm4b:s2+s3] =	stream.indirect_vreg.scatter [tilespmem:s22], [sflag:$0x6], $0x80, v4, vm0, $0xb8;
	[tilespmem:$0x1A300] =	vst v63  }
0x100: {  	s14 =	simm.s32 $0xEB00  }
0x101: {  	[hbm4b:s2+s3] =	stream.indirect_vreg.scatter [tilespmem:s14], [sflag:$0x6], $0x80, v3, vm0, $0xb8;
	[tilespmem:$0x1A300] =	vst v63  }
0x102: {  	v3 =	vld [tilespmem:$0xF0];
	_ =	sdelay $0x4  }
0x103: {  	v47 =	vshll.u32 v3, $0x1  }
0x104: {  	v3 =	vand.u32 $0x7, v3;
	v4 =	vand.u32 $0xFFFFFFF0, v47  }
0x105: {  	v3 =	vor.u32 v3, v4  }
0x106: {  	v4 =	vperm.xlane v3, v0;
	_ =	sdelay $0x1  }
0x107: {  	v3 =	vperm.xlane v3, v2;
	v4 =	vadd.s32 v1, v4;
	_ =	sdelay $0x1  }
0x108: {  	v3 =	vadd.s32 v1, v3;
	_ =	sdelay $0x1  }
0x109: {  	s22 =	simm.s32 $0xF300  }
0x10a: {  	[hbm4b:s2+s3] =	stream.indirect_vreg.scatter [tilespmem:s22], [sflag:$0x6], $0x80, v4, vm0, $0xb8;
	[tilespmem:$0x1A300] =	vst v63  }
0x10b: {  	s14 =	simm.s32 $0xFB00  }
0x10c: {  	[hbm4b:s2+s3] =	stream.indirect_vreg.scatter [tilespmem:s14], [sflag:$0x6], $0x80, v3, vm0, $0xb8;
	[tilespmem:$0x1A300] =	vst v63  }
0x10d: {  	_ =	swait.ge [sflag:s8], $0x8000  }
0x10e: {  	[sflag:s8] =	ssyncset.done $0x0  }
0x10f: {  	[sflag:s8] =	ssyncadd.s32 $0xFFFF8000  }
0x110: {  	v3 =	vld [tilespmem:$0x100];
	_ =	sdelay $0x4  }
0x111: {  	v48 =	vshll.u32 v3, $0x1  }
0x112: {  	v3 =	vand.u32 $0x7, v3;
	v4 =	vand.u32 $0xFFFFFFF0, v48  }
0x113: {  	v3 =	vor.u32 v3, v4  }
0x114: {  	v4 =	vperm.xlane v3, v0;
	_ =	sdelay $0x1  }
0x115: {  	v3 =	vperm.xlane v3, v2;
	v4 =	vadd.s32 v1, v4;
	_ =	sdelay $0x1  }
0x116: {  	v3 =	vadd.s32 v1, v3;
	_ =	sdelay $0x2  }
0x117: {  	[hbm4b:s2+s3] =	stream.indirect_vreg.scatter [tilespmem:s23], [sflag:$0x7], $0x80, v4, vm0, $0xb8;
	[tilespmem:$0x1A300] =	vst v63  }
0x118: {  	s22 =	simm.s32 $0x10B00  }
0x119: {  	[hbm4b:s2+s3] =	stream.indirect_vreg.scatter [tilespmem:s22], [sflag:$0x7], $0x80, v3, vm0, $0xb8;
	[tilespmem:$0x1A300] =	vst v63  }
0x11a: {  	v3 =	vld [tilespmem:$0x110];
	_ =	sdelay $0x4  }
0x11b: {  	v49 =	vshll.u32 v3, $0x1  }
0x11c: {  	v3 =	vand.u32 $0x7, v3;
	v4 =	vand.u32 $0xFFFFFFF0, v49  }
0x11d: {  	v3 =	vor.u32 v3, v4  }
0x11e: {  	v4 =	vperm.xlane v3, v0;
	_ =	sdelay $0x1  }
0x11f: {  	v3 =	vperm.xlane v3, v2;
	v4 =	vadd.s32 v1, v4;
	_ =	sdelay $0x1  }
0x120: {  	v3 =	vadd.s32 v1, v3;
	_ =	sdelay $0x1  }
0x121: {  	s14 =	simm.s32 $0x11300  }
0x122: {  	[hbm4b:s2+s3] =	stream.indirect_vreg.scatter [tilespmem:s14], [sflag:$0x7], $0x80, v4, vm0, $0xb8;
	[tilespmem:$0x1A300] =	vst v63  }
0x123: {  	s22 =	simm.s32 $0x11B00  }
0x124: {  	[hbm4b:s2+s3] =	stream.indirect_vreg.scatter [tilespmem:s22], [sflag:$0x7], $0x80, v3, vm0, $0xb8;
	[tilespmem:$0x1A300] =	vst v63  }
0x125: {  	v3 =	vld [tilespmem:$0x120];
	_ =	sdelay $0x4  }
0x126: {  	v50 =	vshll.u32 v3, $0x1  }
0x127: {  	v3 =	vand.u32 $0x7, v3;
	v4 =	vand.u32 $0xFFFFFFF0, v50  }
0x128: {  	v3 =	vor.u32 v3, v4  }
0x129: {  	v4 =	vperm.xlane v3, v0;
	_ =	sdelay $0x1  }
0x12a: {  	v3 =	vperm.xlane v3, v2;
	v4 =	vadd.s32 v1, v4;
	_ =	sdelay $0x1  }
0x12b: {  	v3 =	vadd.s32 v1, v3;
	_ =	sdelay $0x1  }
0x12c: {  	s14 =	simm.s32 $0x12300  }
0x12d: {  	[hbm4b:s2+s3] =	stream.indirect_vreg.scatter [tilespmem:s14], [sflag:$0x7], $0x80, v4, vm0, $0xb8;
	[tilespmem:$0x1A300] =	vst v63  }
0x12e: {  	s22 =	simm.s32 $0x12B00  }
0x12f: {  	[hbm4b:s2+s3] =	stream.indirect_vreg.scatter [tilespmem:s22], [sflag:$0x7], $0x80, v3, vm0, $0xb8;
	[tilespmem:$0x1A300] =	vst v63  }
0x130: {  	v3 =	vld [tilespmem:$0x130];
	_ =	sdelay $0x4  }
0x131: {  	v51 =	vshll.u32 v3, $0x1  }
0x132: {  	v3 =	vand.u32 $0x7, v3;
	v4 =	vand.u32 $0xFFFFFFF0, v51  }
0x133: {  	v3 =	vor.u32 v3, v4  }
0x134: {  	v4 =	vperm.xlane v3, v0;
	_ =	sdelay $0x1  }
0x135: {  	v3 =	vperm.xlane v3, v2;
	v4 =	vadd.s32 v1, v4;
	_ =	sdelay $0x1  }
0x136: {  	v3 =	vadd.s32 v1, v3;
	_ =	sdelay $0x1  }
0x137: {  	s14 =	simm.s32 $0x13300  }
0x138: {  	[hbm4b:s2+s3] =	stream.indirect_vreg.scatter [tilespmem:s14], [sflag:$0x7], $0x80, v4, vm0, $0xb8;
	[tilespmem:$0x1A300] =	vst v63  }
0x139: {  	s22 =	simm.s32 $0x13B00  }
0x13a: {  	[hbm4b:s2+s3] =	stream.indirect_vreg.scatter [tilespmem:s22], [sflag:$0x7], $0x80, v3, vm0, $0xb8;
	[tilespmem:$0x1A300] =	vst v63  }
0x13b: {  	v3 =	vld [tilespmem:$0x140];
	_ =	sdelay $0x4  }
0x13c: {  	v52 =	vshll.u32 v3, $0x1  }
0x13d: {  	v3 =	vand.u32 $0x7, v3;
	v4 =	vand.u32 $0xFFFFFFF0, v52  }
0x13e: {  	v3 =	vor.u32 v3, v4  }
0x13f: {  	v4 =	vperm.xlane v3, v0;
	_ =	sdelay $0x1  }
0x140: {  	v3 =	vperm.xlane v3, v2;
	v4 =	vadd.s32 v1, v4;
	_ =	sdelay $0x1  }
0x141: {  	v3 =	vadd.s32 v1, v3;
	_ =	sdelay $0x1  }
0x142: {  	s14 =	simm.s32 $0x14300  }
0x143: {  	[hbm4b:s2+s3] =	stream.indirect_vreg.scatter [tilespmem:s14], [sflag:$0x7], $0x80, v4, vm0, $0xb8;
	[tilespmem:$0x1A300] =	vst v63  }
0x144: {  	s22 =	simm.s32 $0x14B00  }
0x145: {  	[hbm4b:s2+s3] =	stream.indirect_vreg.scatter [tilespmem:s22], [sflag:$0x7], $0x80, v3, vm0, $0xb8;
	[tilespmem:$0x1A300] =	vst v63  }
0x146: {  	v3 =	vld [tilespmem:$0x150];
	_ =	sdelay $0x4  }
0x147: {  	v53 =	vshll.u32 v3, $0x1  }
0x148: {  	v3 =	vand.u32 $0x7, v3;
	v4 =	vand.u32 $0xFFFFFFF0, v53  }
0x149: {  	v3 =	vor.u32 v3, v4  }
0x14a: {  	v4 =	vperm.xlane v3, v0;
	_ =	sdelay $0x1  }
0x14b: {  	v3 =	vperm.xlane v3, v2;
	v4 =	vadd.s32 v1, v4;
	_ =	sdelay $0x1  }
0x14c: {  	v3 =	vadd.s32 v1, v3;
	_ =	sdelay $0x1  }
0x14d: {  	s14 =	simm.s32 $0x15300  }
0x14e: {  	[hbm4b:s2+s3] =	stream.indirect_vreg.scatter [tilespmem:s14], [sflag:$0x7], $0x80, v4, vm0, $0xb8;
	[tilespmem:$0x1A300] =	vst v63  }
0x14f: {  	s22 =	simm.s32 $0x15B00  }
0x150: {  	[hbm4b:s2+s3] =	stream.indirect_vreg.scatter [tilespmem:s22], [sflag:$0x7], $0x80, v3, vm0, $0xb8;
	[tilespmem:$0x1A300] =	vst v63  }
0x151: {  	v3 =	vld [tilespmem:$0x160];
	_ =	sdelay $0x4  }
0x152: {  	v54 =	vshll.u32 v3, $0x1  }
0x153: {  	v3 =	vand.u32 $0x7, v3;
	v4 =	vand.u32 $0xFFFFFFF0, v54  }
0x154: {  	v3 =	vor.u32 v3, v4  }
0x155: {  	v4 =	vperm.xlane v3, v0;
	_ =	sdelay $0x1  }
0x156: {  	v3 =	vperm.xlane v3, v2;
	v4 =	vadd.s32 v1, v4;
	_ =	sdelay $0x1  }
0x157: {  	v3 =	vadd.s32 v1, v3;
	_ =	sdelay $0x1  }
0x158: {  	s14 =	simm.s32 $0x16300  }
0x159: {  	[hbm4b:s2+s3] =	stream.indirect_vreg.scatter [tilespmem:s14], [sflag:$0x7], $0x80, v4, vm0, $0xb8;
	[tilespmem:$0x1A300] =	vst v63  }
0x15a: {  	s22 =	simm.s32 $0x16B00  }
0x15b: {  	[hbm4b:s2+s3] =	stream.indirect_vreg.scatter [tilespmem:s22], [sflag:$0x7], $0x80, v3, vm0, $0xb8;
	[tilespmem:$0x1A300] =	vst v63  }
0x15c: {  	v3 =	vld [tilespmem:$0x170];
	_ =	sdelay $0x4  }
0x15d: {  	v55 =	vshll.u32 v3, $0x1  }
0x15e: {  	v3 =	vand.u32 $0x7, v3;
	v4 =	vand.u32 $0xFFFFFFF0, v55  }
0x15f: {  	v3 =	vor.u32 v3, v4  }
0x160: {  	v4 =	vperm.xlane v3, v0;
	_ =	sdelay $0x1  }
0x161: {  	v3 =	vperm.xlane v3, v2;
	v4 =	vadd.s32 v1, v4;
	_ =	sdelay $0x1  }
0x162: {  	v3 =	vadd.s32 v1, v3;
	_ =	sdelay $0x1  }
0x163: {  	s14 =	simm.s32 $0x17300  }
0x164: {  	[hbm4b:s2+s3] =	stream.indirect_vreg.scatter [tilespmem:s14], [sflag:$0x7], $0x80, v4, vm0, $0xb8;
	[tilespmem:$0x1A300] =	vst v63  }
0x165: {  	s22 =	simm.s32 $0x17B00  }
0x166: {  	[hbm4b:s2+s3] =	stream.indirect_vreg.scatter [tilespmem:s22], [sflag:$0x7], $0x80, v3, vm0, $0xb8;
	[tilespmem:$0x1A300] =	vst v63  }
0x167: {  	_ =	swait.ge [sflag:s24], $0x8000  }
0x168: {  	[sflag:s24] =	ssyncset.done $0x0  }
0x169: {  	[sflag:s24] =	ssyncadd.s32 $0xFFFF8000  }
0x16a: {  	v3 =	vld [tilespmem:$0x180];
	_ =	sdelay $0x4  }
0x16b: {  	v56 =	vshll.u32 v3, $0x1  }
0x16c: {  	v3 =	vand.u32 $0x7, v3;
	v4 =	vand.u32 $0xFFFFFFF0, v56  }
0x16d: {  	v3 =	vor.u32 v3, v4  }
0x16e: {  	v4 =	vperm.xlane v3, v0;
	_ =	sdelay $0x1  }
0x16f: {  	v3 =	vperm.xlane v3, v2;
	v4 =	vadd.s32 v1, v4;
	_ =	sdelay $0x1  }
0x170: {  	v3 =	vadd.s32 v1, v3;
	_ =	sdelay $0x2  }
0x171: {  	[hbm4b:s2+s3] =	stream.indirect_vreg.scatter [tilespmem:s21], [sflag:$0x5], $0x80, v4, vm0, $0xb8;
	[tilespmem:$0x1A300] =	vst v63  }
0x172: {  	_ = 	snop  }
0x173: {  	[hbm4b:s2+s3] =	stream.indirect_vreg.scatter [tilespmem:s25], [sflag:$0x5], $0x80, v3, vm0, $0xb8;
	[tilespmem:$0x1A300] =	vst v63  }
0x174: {  	v3 =	vld [tilespmem:$0x190];
	_ =	sdelay $0x4  }
0x175: {  	v57 =	vshll.u32 v3, $0x1  }
0x176: {  	v3 =	vand.u32 $0x7, v3;
	v4 =	vand.u32 $0xFFFFFFF0, v57  }
0x177: {  	v3 =	vor.u32 v3, v4  }
0x178: {  	v4 =	vperm.xlane v3, v0;
	_ =	sdelay $0x1  }
0x179: {  	v3 =	vperm.xlane v3, v2;
	v4 =	vadd.s32 v1, v4;
	_ =	sdelay $0x1  }
0x17a: {  	v3 =	vadd.s32 v1, v3;
	_ =	sdelay $0x2  }
0x17b: {  	[hbm4b:s2+s3] =	stream.indirect_vreg.scatter [tilespmem:s26], [sflag:$0x5], $0x80, v4, vm0, $0xb8;
	[tilespmem:$0x1A300] =	vst v63  }
0x17c: {  	_ = 	snop  }
0x17d: {  	[hbm4b:s2+s3] =	stream.indirect_vreg.scatter [tilespmem:s28], [sflag:$0x5], $0x80, v3, vm0, $0xb8;
	[tilespmem:$0x1A300] =	vst v63  }
0x17e: {  	v3 =	vld [tilespmem:$0x1A0];
	_ =	sdelay $0x4  }
0x17f: {  	v58 =	vshll.u32 v3, $0x1  }
0x180: {  	v3 =	vand.u32 $0x7, v3;
	v4 =	vand.u32 $0xFFFFFFF0, v58  }
0x181: {  	v3 =	vor.u32 v3, v4  }
0x182: {  	v4 =	vperm.xlane v3, v0;
	_ =	sdelay $0x1  }
0x183: {  	v3 =	vperm.xlane v3, v2;
	v4 =	vadd.s32 v1, v4;
	_ =	sdelay $0x1  }
0x184: {  	v3 =	vadd.s32 v1, v3;
	_ =	sdelay $0x2  }
0x185: {  	[hbm4b:s2+s3] =	stream.indirect_vreg.scatter [tilespmem:s29], [sflag:$0x5], $0x80, v4, vm0, $0xb8;
	[tilespmem:$0x1A300] =	vst v63  }
0x186: {  	_ = 	snop  }
0x187: {  	[hbm4b:s2+s3] =	stream.indirect_vreg.scatter [tilespmem:s30], [sflag:$0x5], $0x80, v3, vm0, $0xb8;
	[tilespmem:$0x1A300] =	vst v63  }
0x188: {  	v3 =	vld [tilespmem:$0x1B0];
	_ =	sdelay $0x4  }
0x189: {  	v59 =	vshll.u32 v3, $0x1  }
0x18a: {  	v3 =	vand.u32 $0x7, v3;
	v4 =	vand.u32 $0xFFFFFFF0, v59  }
0x18b: {  	v3 =	vor.u32 v3, v4  }
0x18c: {  	v4 =	vperm.xlane v3, v0;
	_ =	sdelay $0x1  }
0x18d: {  	v3 =	vperm.xlane v3, v2;
	v4 =	vadd.s32 v1, v4;
	_ =	sdelay $0x1  }
0x18e: {  	v3 =	vadd.s32 v1, v3;
	_ =	sdelay $0x2  }
0x18f: {  	[hbm4b:s2+s3] =	stream.indirect_vreg.scatter [tilespmem:s31], [sflag:$0x5], $0x80, v4, vm0, $0xb8;
	[tilespmem:$0x1A300] =	vst v63  }
0x190: {  	_ = 	snop  }
0x191: {  	[hbm4b:s2+s3] =	stream.indirect_vreg.scatter [tilespmem:s0], [sflag:$0x5], $0x80, v3, vm0, $0xb8;
	[tilespmem:$0x1A300] =	vst v63  }
0x192: {  	v3 =	vld [tilespmem:$0x1C0];
	_ =	sdelay $0x4  }
0x193: {  	v60 =	vshll.u32 v3, $0x1  }
0x194: {  	v3 =	vand.u32 $0x7, v3;
	v4 =	vand.u32 $0xFFFFFFF0, v60  }
0x195: {  	v3 =	vor.u32 v3, v4  }
0x196: {  	v4 =	vperm.xlane v3, v0;
	_ =	sdelay $0x1  }
0x197: {  	v3 =	vperm.xlane v3, v2;
	v4 =	vadd.s32 v1, v4;
	_ =	sdelay $0x1  }
0x198: {  	v3 =	vadd.s32 v1, v3;
	_ =	sdelay $0x2  }
0x199: {  	[hbm4b:s2+s3] =	stream.indirect_vreg.scatter [tilespmem:s1], [sflag:$0x5], $0x80, v4, vm0, $0xb8;
	[tilespmem:$0x1A300] =	vst v63  }
0x19a: {  	_ = 	snop  }
0x19b: {  	[hbm4b:s2+s3] =	stream.indirect_vreg.scatter [tilespmem:s17], [sflag:$0x5], $0x80, v3, vm0, $0xb8;
	[tilespmem:$0x1A300] =	vst v63  }
0x19c: {  	v3 =	vld [tilespmem:$0x1D0];
	_ =	sdelay $0x4  }
0x19d: {  	v61 =	vshll.u32 v3, $0x1  }
0x19e: {  	v3 =	vand.u32 $0x7, v3;
	v4 =	vand.u32 $0xFFFFFFF0, v61  }
0x19f: {  	v3 =	vor.u32 v3, v4  }
0x1a0: {  	v4 =	vperm.xlane v3, v0;
	_ =	sdelay $0x1  }
0x1a1: {  	v3 =	vperm.xlane v3, v2;
	v4 =	vadd.s32 v1, v4;
	_ =	sdelay $0x1  }
0x1a2: {  	v3 =	vadd.s32 v1, v3;
	_ =	sdelay $0x2  }
0x1a3: {  	[hbm4b:s2+s3] =	stream.indirect_vreg.scatter [tilespmem:s18], [sflag:$0x5], $0x80, v4, vm0, $0xb8;
	[tilespmem:$0x1A300] =	vst v63  }
0x1a4: {  	_ = 	snop  }
0x1a5: {  	[hbm4b:s2+s3] =	stream.indirect_vreg.scatter [tilespmem:s19], [sflag:$0x5], $0x80, v3, vm0, $0xb8;
	[tilespmem:$0x1A300] =	vst v63  }
0x1a6: {  	v3 =	vld [tilespmem:$0x1E0];
	_ =	sdelay $0x4  }
0x1a7: {  	v62 =	vshll.u32 v3, $0x1  }
0x1a8: {  	v3 =	vand.u32 $0x7, v3;
	v4 =	vand.u32 $0xFFFFFFF0, v62  }
0x1a9: {  	v3 =	vor.u32 v3, v4  }
0x1aa: {  	v4 =	vperm.xlane v3, v0;
	_ =	sdelay $0x1  }
0x1ab: {  	v3 =	vperm.xlane v3, v2;
	v4 =	vadd.s32 v1, v4;
	_ =	sdelay $0x1  }
0x1ac: {  	v3 =	vadd.s32 v1, v3;
	_ =	sdelay $0x2  }
0x1ad: {  	[hbm4b:s2+s3] =	stream.indirect_vreg.scatter [tilespmem:s12], [sflag:$0x5], $0x80, v4, vm0, $0xb8;
	[tilespmem:$0x1A300] =	vst v63  }
0x1ae: {  	_ = 	snop  }
0x1af: {  	[hbm4b:s2+s3] =	stream.indirect_vreg.scatter [tilespmem:s13], [sflag:$0x5], $0x80, v3, vm0, $0xb8;
	[tilespmem:$0x1A300] =	vst v63  }
0x1b0: {  	v3 =	vld [tilespmem:$0x1F0];
	_ =	sdelay $0x4  }
0x1b1: {  	v63 =	vshll.u32 v3, $0x1  }
0x1b2: {  	v3 =	vand.u32 $0x7, v3;
	v4 =	vand.u32 $0xFFFFFFF0, v63  }
0x1b3: {  	v3 =	vor.u32 v3, v4  }
0x1b4: {  	v4 =	vperm.xlane v3, v0;
	_ =	sdelay $0x1  }
0x1b5: {  	v3 =	vperm.xlane v3, v2;
	v4 =	vadd.s32 v1, v4;
	_ =	sdelay $0x1  }
0x1b6: {  	v3 =	vadd.s32 v1, v3;
	_ =	sdelay $0x2  }
0x1b7: {  	[hbm4b:s2+s3] =	stream.indirect_vreg.scatter [tilespmem:s4], [sflag:$0x5], $0x80, v4, vm0, $0xb8;
	[tilespmem:$0x1A300] =	vst v63  }
0x1b8: {  	_ = 	snop  }
0x1b9: {  	[hbm4b:s2+s3] =	stream.indirect_vreg.scatter [tilespmem:s5], [sflag:$0x5], $0x80, v3, vm0, $0xb8;
	[tilespmem:$0x1A300] =	vst v63  }
0x1ba: {  	_ =	swait.ge [sflag:s9], $0x8000  }
0x1bb: {  	[sflag:s9] =	ssyncset.done $0x0  }
0x1bc: {  	[sflag:s9] =	ssyncadd.s32 $0xFFFF8000  }
0x1bd: {  	_ =	swait.ge [sflag:s10], $0x8000  }
.Ltmp2:
0x1be: {  	[sflag:s10] =	ssyncset.done $0x0;
	(pc) =	sbr.rel @p0 .LBB2_3-.Ltmp2, $4  }
0x1bf: {  	[sflag:s10] =	ssyncadd.s32 $0xFFFF8000  }
0x1c0: {  	_ =	swait.ge [sflag:s6], $0x8000  }
0x1c1: {  	[sflag:s6] =	ssyncset.done $0x0  }
0x1c2: {  	[sflag:s6] =	ssyncadd.s32 $0xFFFF8000  }
0x1c3: {  	s11 =	rddreg [dreg:$0xc];
	s14 =	simm.s32 $0x200  }
0x1c4: {  	[tilespmem:s14], [sflag:$0xA] =	stream.linear.gather [hbm4b:s11+s3], $0x80, $0x38;
	[tilespmem:$0x1A300] =	vst v63  }
0x1c5: {  	s14 =	simm.s32 $0xA  }
0x1c6: {  	_ =	swait.ge [sflag:s14], $0x80  }
0x1c7: {  	[sflag:s14] =	ssyncset.done $0x0  }
0x1c8: {  	s22 =	rddreg [dreg:$0xd];
	[sflag:s14] =	ssyncadd.s32 $0xFFFFFF80  }
0x1c9: {  	[tilespmem:s21], [sflag:$0x2] =	stream.linear.gather [hbm4b:s22+s3], $0x8000, $0x38;
	[tilespmem:$0x1A300] =	vst v63  }
0x1ca: {  	_ =	swait.ge [sflag:s24], $0x8000  }
0x1cb: {  	[sflag:s24] =	ssyncset.done $0x0  }
0x1cc: {  	[sflag:s24] =	ssyncadd.s32 $0xFFFF8000  }
0x1cd: {  	v3 =	vld [tilespmem:$0x200];
	_ =	sdelay $0x4  }
0x1ce: {  	v4 =	vshll.u32 v3, $0x1  }
0x1cf: {  	v3 =	vand.u32 $0x7, v3;
	v4 =	vand.u32 $0xFFFFFFF0, v4  }
0x1d0: {  	v3 =	vor.u32 v3, v4  }
0x1d1: {  	v4 =	vperm.xlane v3, v0;
	_ =	sdelay $0x1  }
0x1d2: {  	v3 =	vperm.xlane v3, v2;
	v4 =	vadd.s32 v1, v4;
	_ =	sdelay $0x1  }
0x1d3: {  	v3 =	vadd.s32 v1, v3;
	_ =	sdelay $0x2  }
0x1d4: {  	[hbm4b:s2+s3] =	stream.indirect_vreg.scatter [tilespmem:s21], [sflag:$0x5], $0x80, v4, vm0, $0xb8;
	[tilespmem:$0x1A300] =	vst v63  }
0x1d5: {  	_ = 	snop  }
0x1d6: {  	[hbm4b:s2+s3] =	stream.indirect_vreg.scatter [tilespmem:s25], [sflag:$0x5], $0x80, v3, vm0, $0xb8;
	[tilespmem:$0x1A300] =	vst v63  }
0x1d7: {  	v3 =	vld [tilespmem:$0x210];
	_ =	sdelay $0x4  }
0x1d8: {  	v57 =	vshll.u32 v3, $0x1  }
0x1d9: {  	v3 =	vand.u32 $0x7, v3;
	v4 =	vand.u32 $0xFFFFFFF0, v57  }
0x1da: {  	v3 =	vor.u32 v3, v4  }
0x1db: {  	v4 =	vperm.xlane v3, v0;
	_ =	sdelay $0x1  }
0x1dc: {  	v3 =	vperm.xlane v3, v2;
	v4 =	vadd.s32 v1, v4;
	_ =	sdelay $0x1  }
0x1dd: {  	v3 =	vadd.s32 v1, v3;
	_ =	sdelay $0x2  }
0x1de: {  	[hbm4b:s2+s3] =	stream.indirect_vreg.scatter [tilespmem:s26], [sflag:$0x5], $0x80, v4, vm0, $0xb8;
	[tilespmem:$0x1A300] =	vst v63  }
0x1df: {  	_ = 	snop  }
0x1e0: {  	[hbm4b:s2+s3] =	stream.indirect_vreg.scatter [tilespmem:s28], [sflag:$0x5], $0x80, v3, vm0, $0xb8;
	[tilespmem:$0x1A300] =	vst v63  }
0x1e1: {  	v3 =	vld [tilespmem:$0x220];
	_ =	sdelay $0x4  }
0x1e2: {  	v58 =	vshll.u32 v3, $0x1  }
0x1e3: {  	v3 =	vand.u32 $0x7, v3;
	v4 =	vand.u32 $0xFFFFFFF0, v58  }
0x1e4: {  	v3 =	vor.u32 v3, v4  }
0x1e5: {  	v4 =	vperm.xlane v3, v0;
	_ =	sdelay $0x1  }
0x1e6: {  	v3 =	vperm.xlane v3, v2;
	v4 =	vadd.s32 v1, v4;
	_ =	sdelay $0x1  }
0x1e7: {  	v3 =	vadd.s32 v1, v3;
	_ =	sdelay $0x2  }
0x1e8: {  	[hbm4b:s2+s3] =	stream.indirect_vreg.scatter [tilespmem:s29], [sflag:$0x5], $0x80, v4, vm0, $0xb8;
	[tilespmem:$0x1A300] =	vst v63  }
0x1e9: {  	_ = 	snop  }
0x1ea: {  	[hbm4b:s2+s3] =	stream.indirect_vreg.scatter [tilespmem:s30], [sflag:$0x5], $0x80, v3, vm0, $0xb8;
	[tilespmem:$0x1A300] =	vst v63  }
0x1eb: {  	v3 =	vld [tilespmem:$0x230];
	_ =	sdelay $0x4  }
0x1ec: {  	v59 =	vshll.u32 v3, $0x1  }
0x1ed: {  	v3 =	vand.u32 $0x7, v3;
	v4 =	vand.u32 $0xFFFFFFF0, v59  }
0x1ee: {  	v3 =	vor.u32 v3, v4  }
0x1ef: {  	v4 =	vperm.xlane v3, v0;
	_ =	sdelay $0x1  }
0x1f0: {  	v3 =	vperm.xlane v3, v2;
	v4 =	vadd.s32 v1, v4;
	_ =	sdelay $0x1  }
0x1f1: {  	v3 =	vadd.s32 v1, v3;
	_ =	sdelay $0x2  }
0x1f2: {  	[hbm4b:s2+s3] =	stream.indirect_vreg.scatter [tilespmem:s31], [sflag:$0x5], $0x80, v4, vm0, $0xb8;
	[tilespmem:$0x1A300] =	vst v63  }
0x1f3: {  	_ = 	snop  }
0x1f4: {  	[hbm4b:s2+s3] =	stream.indirect_vreg.scatter [tilespmem:s0], [sflag:$0x5], $0x80, v3, vm0, $0xb8;
	[tilespmem:$0x1A300] =	vst v63  }
0x1f5: {  	v3 =	vld [tilespmem:$0x240];
	_ =	sdelay $0x4  }
0x1f6: {  	v60 =	vshll.u32 v3, $0x1  }
0x1f7: {  	v3 =	vand.u32 $0x7, v3;
	v4 =	vand.u32 $0xFFFFFFF0, v60  }
0x1f8: {  	v3 =	vor.u32 v3, v4  }
0x1f9: {  	v4 =	vperm.xlane v3, v0;
	_ =	sdelay $0x1  }
0x1fa: {  	v3 =	vperm.xlane v3, v2;
	v4 =	vadd.s32 v1, v4;
	_ =	sdelay $0x1  }
0x1fb: {  	v3 =	vadd.s32 v1, v3;
	_ =	sdelay $0x2  }
0x1fc: {  	[hbm4b:s2+s3] =	stream.indirect_vreg.scatter [tilespmem:s1], [sflag:$0x5], $0x80, v4, vm0, $0xb8;
	[tilespmem:$0x1A300] =	vst v63  }
0x1fd: {  	_ = 	snop  }
0x1fe: {  	[hbm4b:s2+s3] =	stream.indirect_vreg.scatter [tilespmem:s17], [sflag:$0x5], $0x80, v3, vm0, $0xb8;
	[tilespmem:$0x1A300] =	vst v63  }
0x1ff: {  	v3 =	vld [tilespmem:$0x250];
	_ =	sdelay $0x4  }
0x200: {  	v61 =	vshll.u32 v3, $0x1  }
0x201: {  	v3 =	vand.u32 $0x7, v3;
	v4 =	vand.u32 $0xFFFFFFF0, v61  }
0x202: {  	v3 =	vor.u32 v3, v4  }
0x203: {  	v4 =	vperm.xlane v3, v0;
	_ =	sdelay $0x1  }
0x204: {  	v3 =	vperm.xlane v3, v2;
	v4 =	vadd.s32 v1, v4;
	_ =	sdelay $0x1  }
0x205: {  	v3 =	vadd.s32 v1, v3;
	_ =	sdelay $0x2  }
0x206: {  	[hbm4b:s2+s3] =	stream.indirect_vreg.scatter [tilespmem:s18], [sflag:$0x5], $0x80, v4, vm0, $0xb8;
	[tilespmem:$0x1A300] =	vst v63  }
0x207: {  	_ = 	snop  }
0x208: {  	[hbm4b:s2+s3] =	stream.indirect_vreg.scatter [tilespmem:s19], [sflag:$0x5], $0x80, v3, vm0, $0xb8;
	[tilespmem:$0x1A300] =	vst v63  }
0x209: {  	v3 =	vld [tilespmem:$0x260];
	_ =	sdelay $0x4  }
0x20a: {  	v62 =	vshll.u32 v3, $0x1  }
0x20b: {  	v3 =	vand.u32 $0x7, v3;
	v4 =	vand.u32 $0xFFFFFFF0, v62  }
0x20c: {  	v3 =	vor.u32 v3, v4  }
0x20d: {  	v4 =	vperm.xlane v3, v0;
	_ =	sdelay $0x1  }
0x20e: {  	v3 =	vperm.xlane v3, v2;
	v4 =	vadd.s32 v1, v4;
	_ =	sdelay $0x1  }
0x20f: {  	v3 =	vadd.s32 v1, v3;
	_ =	sdelay $0x2  }
0x210: {  	[hbm4b:s2+s3] =	stream.indirect_vreg.scatter [tilespmem:s12], [sflag:$0x5], $0x80, v4, vm0, $0xb8;
	[tilespmem:$0x1A300] =	vst v63  }
0x211: {  	_ = 	snop  }
0x212: {  	[hbm4b:s2+s3] =	stream.indirect_vreg.scatter [tilespmem:s13], [sflag:$0x5], $0x80, v3, vm0, $0xb8;
	[tilespmem:$0x1A300] =	vst v63  }
0x213: {  	v3 =	vld [tilespmem:$0x270];
	_ =	sdelay $0x4  }
0x214: {  	v63 =	vshll.u32 v3, $0x1  }
0x215: {  	v3 =	vand.u32 $0x7, v3;
	v4 =	vand.u32 $0xFFFFFFF0, v63  }
0x216: {  	v3 =	vor.u32 v3, v4  }
0x217: {  	v4 =	vperm.xlane v3, v0;
	_ =	sdelay $0x1  }
0x218: {  	v3 =	vperm.xlane v3, v2;
	v4 =	vadd.s32 v1, v4;
	_ =	sdelay $0x1  }
0x219: {  	v3 =	vadd.s32 v1, v3;
	_ =	sdelay $0x2  }
0x21a: {  	[hbm4b:s2+s3] =	stream.indirect_vreg.scatter [tilespmem:s4], [sflag:$0x5], $0x80, v4, vm0, $0xb8;
	[tilespmem:$0x1A300] =	vst v63  }
.Ltmp3:
0x21b: {  	_ = 	snop;
	(pc) =	sbr.rel .LBB2_3-.Ltmp3, $4  }
0x21c: {  	[hbm4b:s2+s3] =	stream.indirect_vreg.scatter [tilespmem:s5], [sflag:$0x5], $0x80, v3, vm0, $0xb8;
	[tilespmem:$0x1A300] =	vst v63  }
0x21d: {  	_ =	swait.ge [sflag:s6], $0x8000  }
0x21e: {  	[sflag:s6] =	ssyncset.done $0x0  }
0x21f: {  	[sflag:s6] =	ssyncadd.s32 $0xFFFF8000  }
.LBB2_4:
0x220: {  	_ =	sfence.sel $0x180000  }
0x221: {  	[bflag:$0x0] =	sbarrier.arrive $0xFFFF  }
0x222: {  	_ =	strace $0x90000047  }
0x223: {  	s0 =	stileid.u32;
	[bflag:$0x2] =	sbarrier.arrive $0xFFFF  }
0x224: {  	p0 =	sne.s32 s0, $0x0;
	s0 =	rddreg [dreg:$0x3]  }
0x225: {  	s0 =	sadd.s32 @!p0 $0x100000, s0  }
0x226: {  	[sflag:s0] =	ssyncadd.tile.s32 @!p0 $0x1;
	_ =	shalt  }
.Lfunc_end2:
_tile_overlayer_lowered:
.L_overlay_start_2:
0x227: {  	(tag) =	ssettag $0x2  }
0x228: {  	s0 =	rddreg [dreg:$0x0];
	s2 =	stileid.u32  }
0x229: {  	s1 =	rddreg [dreg:$0x1];
	p0 =	sne.s32 s2, $0x0  }
0x22a: {  	s3 =	rddreg [dreg:$0x2];
	[bflag:$0x3] =	sbarrier.arrive $0xFFFF;
	s2 =	simm.s32 @!p0 $0x1C0A  }
0x22b: {  	[timem:s3], [sflag:s2] =	dma.local @!p0 [hbm:s0], s1  }
0x22c: {  	s0 =	simm.s32 @!p0 $0xA  }
0x22d: {  	_ =	swait.ge @!p0 [sflag:s0], s1  }
0x22e: {  	s1 =	ssub.s32 @!p0 $0x0, s1;
	[sflag:s0] =	ssyncset.done @!p0 $0x0  }
0x22f: {  	[sflag:s0] =	ssyncadd.s32 @!p0 s1  }
0x230: {  	[bflag:$0x3] =	sbarrier.arrive $0xFFFF  }
0x231: {  	_ =	shalt  }

// kernel: kernel.8.cloned.1.call-start
scs
__scs_entry_jumppad:
0x0: {  	(pc) =	sbr.rel $0x88, $3  }
0x1: {  	(tag) =	ssettag $0x0;
	lr =	simm.s32 $0x1  }
0x2: {  	[smem:$0x3F9E] =	sst lr;
	_ =	strace $0xD0000000  }
0x3: {  	_ = 	snop  }
0x4: {  	_ = 	snop  }
0x5: {  	_ = 	snop  }
0x6: {  	_ = 	snop  }
0x7: {  	_ = 	snop  }
__scs_overlays_trampoline_lowered:
0x8: {  	[smem:$0x3FAD] =	sst s0  }
0x9: {  	[smem:$0x3FAE] =	sst s1  }
0xa: {  	[smem:$0x3FAF] =	sst s2  }
0xb: {  	[smem:$0x3FB0] =	sst s3  }
0xc: {  	[smem:$0x3FB1] =	sst s4  }
0xd: {  	[smem:$0x3FB2] =	sst s5  }
0xe: {  	[smem:$0x3FB3] =	sst s6  }
0xf: {  	[smem:$0x3FB4] =	sst s7  }
0x10: {  	[smem:$0x3FB5] =	sst s8  }
0x11: {  	[smem:$0x3FB6] =	sst s9;
	s0 =	simm.s32 @!p0 $0x0  }
0x12: {  	s1 =	sld [smem:$0x3F9C];
	s0 =	simm.s32 @p0 $0x1  }
0x13: {  	[smem:$0x3FB7] =	sst s0;
	s0 =	simm.s32 @!p1 $0x0  }
0x14: {  	s2 =	sld [smem:$0x3F9B];
	s0 =	simm.s32 @p1 $0x1  }
0x15: {  	[smem:$0x3FB8] =	sst s0;
	s0 =	simm.s32 @!p2 $0x0  }
0x16: {  	s3 =	sld [smem:$0x3FDB];
	s0 =	simm.s32 @p2 $0x1  }
0x17: {  	s4 =	simm.s32 $0x1BF5;
	[smem:$0x3FBA] =	sst s0  }
0x18: {  	s0 =	sld [smem:$0x3F9D];
	_ =	swait.ge [sflag:s4], $0x0  }
0x19: {  	s7 =	sld [smem:$0x3F9E]  }
0x1a: {  	s8 =	sadd.s32 $0xFFFFE003, lr  }
0x1b: {  	s9 =	sadd.s32 $0xFFFFFEF7, lr;
	s5 =	simm.s32 $0xFFFFFFFF;
	p2 =	slt.u32 s8, $0xFFFFF086  }
0x1c: {  	p1 =	slt.u32 s9, $0xF7A;
	s5 =	simm.s32 @!p2 $0x0  }
0x1d: {  	s5 =	simm.s32 @p1 $0x1;
	p0 =	seq.s32 s7, s2  }
0x1e: {  	s7 =	smul.u32 @!p0 $0xF7A, s2;
	p2 =	seq.s32 @!p0 s5, $0x0  }
0x1f: {  	s9 =	smul.u32 $0xF7A, s1;
	s8 =	simm.s32 @!p0 $0x1BF5;
	p2 =	por !p2, p0  }
0x20: {  	[sflag:s8] =	ssyncset.s32 @!p0 $0xFFFFF086;
	s6 =	sadd.s32 @!p0 s3, s7;
	s7 =	simm.s32 @!p0 $0x108  }
0x21: {  	s3 =	sadd.s32 s3, s9;
	s6 =	sadd.s32 @!p0 $0x88, s6;
	s7 =	simm.s32 @p2 $0x1082  }
0x22: {  	[simem:s7], [sflag:s8] =	dma.local @!p0 [hbm:s6], $0xF7A  }
0x23: {  	s9 =	sor.u32 $0xD0000000, s2;
	s6 =	simm.s32 $0x108;
	_ =	swait.ge @!p0 [sflag:s8], $0x0  }
0x24: {  	s3 =	sadd.s32 $0x88, s3;
	s6 =	simm.s32 @!p1 $0x1082;
	[sflag:s4] =	ssyncset.s32 $0xFFFFF086  }
0x25: {  	[simem:s6], [sflag:s4] =	dma.local [hbm:s3], $0xF7A  }
0x26: {  	[smem:$0x3F9E] =	sst s1;
	(tag) =	ssettag s2;
	_ =	strace s9  }
0x27: {  	s1 =	sld [smem:$0x3FAE]  }
0x28: {  	s2 =	sld [smem:$0x3FAF]  }
0x29: {  	s4 =	sld [smem:$0x3FB1]  }
0x2a: {  	p0 =	seq.s32 s5, $0x0;
	s5 =	sld [smem:$0x3FB2]  }
0x2b: {  	s6 =	sld [smem:$0x3FB3]  }
0x2c: {  	s7 =	sld [smem:$0x3FB4]  }
0x2d: {  	s3 =	simm.s32 $0x108;
	s8 =	sld [smem:$0x3FB5]  }
0x2e: {  	s3 =	simm.s32 @!p0 $0x1082;
	s9 =	sld [smem:$0x3FB6]  }
0x2f: {  	lr =	sadd.s32 s0, s3;
	s0 =	sld [smem:$0x3FAD]  }
0x30: {  	s3 =	sld [smem:$0x3FB0]  }
0x31: {  	[smem:$0x3FB9] =	sst s10  }
0x32: {  	s10 =	sld [smem:$0x3FB7];
	_ =	sdelay $0x3  }
0x33: {  	p0 =	seq.s32 s10, $0x1;
	s10 =	sld [smem:$0x3FB9];
	_ =	sdelay $0x3  }
0x34: {  	[smem:$0x3FB9] =	sst s10  }
0x35: {  	s10 =	sld [smem:$0x3FB8];
	_ =	sdelay $0x3  }
0x36: {  	p1 =	seq.s32 s10, $0x1;
	s10 =	sld [smem:$0x3FB9];
	_ =	sdelay $0x3  }
0x37: {  	[smem:$0x3FB9] =	sst s10  }
0x38: {  	s10 =	sld [smem:$0x3FBA]  }
0x39: {  	_ = 	snop;
	(pc) =	sbr.ind lr, $3  }
0x3a: {  	_ = 	snop  }
0x3b: {  	_ = 	snop  }
0x3c: {  	p2 =	seq.s32 s10, $0x1;
	s10 =	sld [smem:$0x3FB9]  }
0x3d: {  	_ =	shalt  }
0x3e: {  	_ =	shalt  }
0x3f: {  	_ =	shalt  }
0x40: {  	_ =	shalt  }
0x41: {  	_ =	shalt  }
0x42: {  	_ =	shalt  }
0x43: {  	_ =	shalt  }
0x44: {  	_ =	shalt  }
0x45: {  	_ =	shalt  }
0x46: {  	_ =	shalt  }
0x47: {  	_ =	shalt  }
0x48: {  	_ =	shalt  }
0x49: {  	_ =	shalt  }
0x4a: {  	_ =	shalt  }
0x4b: {  	_ =	shalt  }
0x4c: {  	_ =	shalt  }
0x4d: {  	_ =	shalt  }
0x4e: {  	_ =	shalt  }
0x4f: {  	_ =	shalt  }
0x50: {  	_ =	shalt  }
0x51: {  	_ =	shalt  }
0x52: {  	_ =	shalt  }
0x53: {  	_ =	shalt  }
0x54: {  	_ =	shalt  }
0x55: {  	_ =	shalt  }
0x56: {  	_ =	shalt  }
0x57: {  	_ =	shalt  }
0x58: {  	_ =	shalt  }
0x59: {  	_ =	shalt  }
0x5a: {  	_ =	shalt  }
0x5b: {  	_ =	shalt  }
0x5c: {  	_ =	shalt  }
0x5d: {  	_ =	shalt  }
0x5e: {  	_ =	shalt  }
0x5f: {  	_ =	shalt  }
0x60: {  	_ =	shalt  }
0x61: {  	_ =	shalt  }
0x62: {  	_ =	shalt  }
0x63: {  	_ =	shalt  }
0x64: {  	_ =	shalt  }
0x65: {  	_ =	shalt  }
0x66: {  	_ =	shalt  }
0x67: {  	_ =	shalt  }
0x68: {  	_ =	shalt  }
0x69: {  	_ =	shalt  }
0x6a: {  	_ =	shalt  }
0x6b: {  	_ =	shalt  }
0x6c: {  	_ =	shalt  }
0x6d: {  	_ =	shalt  }
0x6e: {  	_ =	shalt  }
0x6f: {  	_ =	shalt  }
0x70: {  	_ =	shalt  }
0x71: {  	_ =	shalt  }
0x72: {  	_ =	shalt  }
0x73: {  	_ =	shalt  }
0x74: {  	_ =	shalt  }
0x75: {  	_ =	shalt  }
0x76: {  	_ =	shalt  }
0x77: {  	_ =	shalt  }
0x78: {  	_ =	shalt  }
0x79: {  	_ =	shalt  }
0x7a: {  	_ =	shalt  }
0x7b: {  	_ =	shalt  }
0x7c: {  	_ =	shalt  }
0x7d: {  	_ =	shalt  }
0x7e: {  	_ =	shalt  }
0x7f: {  	_ =	shalt  }
0x80: {  	_ =	shalt  }
0x81: {  	_ =	shalt  }
0x82: {  	_ =	shalt  }
0x83: {  	_ =	shalt  }
0x84: {  	_ =	shalt  }
0x85: {  	_ =	shalt  }
0x86: {  	_ =	shalt  }
0x87: {  	_ =	shalt  }
.Lfunc_end0:
.L_simem_size_0:
called_computation.2_lowered:
.L_overlay_start_0:
0x88: {  	s2 =	sld [smem:$0x3FD9]  }
0x89: {  	s3 =	sld [smem:$0x3FFE];
	_ =	sdelay $0x1  }
0x8a: {  	s1 =	srdreg.scid  }
0x8b: {  	s0 =	sand.u32 $0x1, s1  }
0x8c: {  	s15 =	sshll.u32 s0, $0xA;
	s2 =	sadd.s32 s3, s2  }
0x8d: {  	s2 =	sadd.s32 s2, s15  }
0x8e: {  	[smem:$0x3FC5] =	sst s2  }
0x8f: {  	_ = 	snop  }
0x90: {  	s2 =	sld [smem:$0x3FD0];
	_ =	sdelay $0x2  }
0x91: {  	s4 =	simm.s32 $0xA;
	s5 =	simm.s32 $0x10;
	s16 =	sld [smem:$0x3FC7]  }
0x92: {  	[smem:s5], [sflag:s4] =	dma.local [hbm:s2], $0x1  }
0x93: {  	_ =	swait.eq [sflag:s4], $0x1  }
0x94: {  	[sflag:s4] =	ssyncset.done $0x0  }
0x95: {  	s17 =	sld [smem:$0x12];
	[sflag:s4] =	ssyncadd.s32 $0xFFFFFFFF  }
0x96: {  	s18 =	sld [smem:$0x13];
	(tm) =	ssettm $0x1  }
0x97: {  	s19 =	sld [smem:$0x3FFB];
	_ =	sdelay $0x3  }
0x98: {  	_ =	strace s19  }
0x99: {  	s5 =	sld [smem:$0x3FFC];
	_ =	sdelay $0x3  }
0x9a: {  	_ =	strace s5  }
0x9b: {  	s5 =	sld [smem:$0x3FFD];
	_ =	sdelay $0x3  }
0x9c: {  	_ =	strace s5  }
0x9d: {  	_ =	strace $0x8FFFFFFF  }
0x9e: {  	s20 =	sld [smem:$0x3FDB];
	_ =	sdelay $0x1  }
0x9f: {  	s6 =	simm.s32 $_scs_section_size  }
0xa0: {  	s7 =	simm.s32 $_size__tile_overlayer_lowered;
	s8 =	simm.s32 $_tile_overlayer_lowered  }
0xa1: {  	s23 =	simm.s32 $0x1BFF;
	s22 =	sshll.u32 s8, $0x1;
	s5 =	sadd.s32 s6, s20  }
0xa2: {  	s9 =	simm.s32 $0x0;
	s21 =	sshll.u32 s7, $0x1;
	s7 =	sadd.s32 s22, s5  }
0xa3: {  	[timem:s9], [sflag:s23] =	dma.local [hbm:s7], s21  }
0xa4: {  	_ =	swait.ge [sflag:s23], s21  }
0xa5: {  	s6 =	ssub.s32 $0x0, s21;
	[sflag:s23] =	ssyncset.done $0x0  }
0xa6: {  	[sflag:s23] =	ssyncadd.s32 s6;
	_ =	sdelay $0x1  }
0xa7: {  	s24 =	simm.s32 $0x1B8B  }
0xa8: {  	_ =	swait.ge [sflag:s24], $0x1  }
0xa9: {  	[sflag:s24] =	ssyncset.done $0x0  }
0xaa: {  	s25 =	simm.s32 $0x1B8E;
	[sflag:s24] =	ssyncadd.s32 $0xFFFFFFFF  }
0xab: {  	s26 =	simm.s32 $execute0_lowered;
	[smem:$0x3FD2] =	sst s25  }
0xac: {  	s6 =	sshll.u32 s26, $0x1;
	_ =	strace $0x8000004C;
	[dreg:$0x1] =	wrdreg $0xFFFFFFFF  }
0xad: {  	s28 =	simm.s32 $_size_execute0_lowered;
	s5 =	sadd.s32 s5, s6;
	[dreg:$0x0] =	wrdreg $0x0  }
0xae: {  	s6 =	sshll.u32 s28, $0x1;
	[dreg:$0x2] =	wrdreg s5  }
0xaf: {  	[dreg:$0x3] =	wrdreg s6  }
0xb0: {  	[dreg:$0x4] =	wrdreg $0xC0  }
0xb1: {  	_ =	task [dreg:s9], $0x5FFFF  }
0xb2: {  	[dreg:$0x1] =	wrdreg $0xFFFFFFFF  }
0xb3: {  	[dreg:$0x0] =	wrdreg $0x60  }
0xb4: {  	[dreg:$0x2] =	wrdreg s16  }
0xb5: {  	[dreg:$0x3] =	wrdreg s17  }
0xb6: {  	[dreg:$0x4] =	wrdreg s18  }
0xb7: {  	[dreg:$0x5] =	wrdreg $0x9  }
0xb8: {  	_ =	task.clear_ibuf [dreg:s9], $0x6FFFF;
	_ =	strace $0x9000004C  }
0xb9: {  	s29 =	simm.s32 $0x9;
	_ =	strace $0x8000004E  }
0xba: {  	_ =	swait.ge [sflag:s29], $0x1  }
0xbb: {  	[sflag:s29] =	ssyncadd.s32 $0xFFFFFFFF  }
0xbc: {  	_ =	strace $0x9000004E  }
0xbd: {  	_ =	sfence  }
0xbe: {  	s30 =	sld [smem:$0x0];
	_ =	sdelay $0x2  }
0xbf: {  	s31 =	sshll.u32 s1, $0xD;
	s1 =	sshrl.u32 s1, $0x2  }
0xc0: {  	s3 =	sand.u32 $0x4000, s31;
	s1 =	sadd.s32 s1, s30  }
0xc1: {  	s0 =	sor.u32 s3, s0;
	s1 =	sshll.u32 s1, $0x11  }
0xc2: {  	s0 =	sor.u32 s1, s0  }
0xc3: {  	s0 =	sadd.s32 $0x8F2B, s0  }
0xc4: {  	[sflag:s0] =	ssyncadd.remote.s32 $0x1  }
0xc5: {  	_ =	sfence.sel $0xFFFF  }
0xc6: {  	[dreg:$0x0] =	wrdreg $0xFFFFFFFF;
	(pc) =	sbr.abs _section_cstart, $3  }
0xc7: {  	[dreg:$0x1] =	wrdreg $0xFFFFFFFF  }
0xc8: {  	_ =	task.clear_ibuf [dreg:s9], $0x2FFFF;
	_ =	strace $0x9FFFFFFF  }
0xc9: {  	(tm) =	ssettm $0x7FFFFFFF  }
tec
execute0_lowered:
.L_overlay_start_1:
0x0: {  	(tag) =	ssettag $0x1  }
0x1: {  	s1 =	rddreg [dreg:$0x0]  }
0x2: {  	s0 =	rddreg [dreg:$0x1]  }
0x3: {  	s2 =	rddreg [dreg:$0x2];
	s4 =	srdreg.scid  }
0x4: {  	s12 =	stileid.u32;
	s3 =	simm.s32 $0x0;
	s28 =	simm.s32 $0x3300  }
0x5: {  	s29 =	simm.s32 $0x3B00;
	s30 =	simm.s32 $0x4300;
	s31 =	simm.s32 $0x4B00  }
0x6: {  	s13 =	simm.s32 $0x8300;
	s4 =	sand.u32 $0x1, s4;
	s5 =	sshll.u32 s12, $0x1  }
0x7: {  	[smem:$0x7FF] =	sst s3;
	s26 =	sadd.s32 $0x9C000, s2;
	p0 =	sgt.u32 s12, $0xD  }
0x8: {  	s12 =	simm.s32 $0x7B00;
	s6 =	ssub.s32 $0x2, s4;
	s4 =	sor.u32 s4, s5  }
0x9: {  	_ =	strace $0x8000004D;
	[dreg:$0xf] =	wrdreg s26;
	s26 =	simm.s32 $0x2B00  }
0xa: {  	s14 =	sshrl.u32 s6, $0x1;
	s7 =	sshll.u32 s4, $0x7;
	s15 =	sshll.u32 s4, $0x4  }
0xb: {  	s11 =	sshll.u32 s4, $0xC;
	p1 =	sne.s32 s4, $0x1F;
	s4 =	simm.s32 $0x10300  }
0xc: {  	s5 =	ssub.s32 s6, s14;
	s8 =	sor.u32 $0x1000, s7;
	s6 =	sadd.s32 s0, s15  }
0xd: {  	s9 =	sor.u32 $0x2000, s7;
	s10 =	sor.u32 $0x3000, s7;
	s19 =	sadd.s32 s2, s11  }
0xe: {  	s7 =	sor.u32 $0x4000, s7;
	[dreg:$0x4] =	wrdreg s6;
	s16 =	sshrl.u32 s8, $0x3  }
0xf: {  	s17 =	sshrl.u32 s9, $0x3;
	s18 =	sshrl.u32 s10, $0x3;
	[dreg:$0x8] =	wrdreg s19  }
0x10: {  	s20 =	sshll.u32 s8, $0x5;
	s21 =	sshll.u32 s9, $0x5;
	s22 =	sshll.u32 s10, $0x5  }
0x11: {  	s23 =	sshrl.u32 s7, $0x3;
	s25 =	sshll.u32 s7, $0x5;
	s19 =	simm.s32 $0x7300  }
0x12: {  	s7 =	simm.s32 $0x3;
	s8 =	simm.s32 $0x4;
	s9 =	simm.s32 $0x6  }
0x13: {  	s10 =	simm.s32 $0x7;
	s6 =	sadd.s32 s0, s16;
	s24 =	sadd.s32 s0, s23  }
0x14: {  	s16 =	smax.u32 s5, $0x1;
	s23 =	simm.s32 $0x1300;
	[dreg:$0x5] =	wrdreg s6  }
0x15: {  	s5 =	simm.s32 $0x2;
	s6 =	sadd.s32 s0, s17;
	[dreg:$0xc] =	wrdreg s24  }
0x16: {  	s24 =	simm.s32 $0x1B00;
	[dreg:$0x6] =	wrdreg s6;
	s6 =	sadd.s32 s0, s18  }
0x17: {  	s17 =	simm.s32 $0x6300;
	s0 =	sadd.s32 $0x9C0, s0;
	[dreg:$0x7] =	wrdreg s6  }
0x18: {  	s18 =	simm.s32 $0x6B00;
	s6 =	sadd.s32 s2, s20;
	[dreg:$0xe] =	wrdreg s0  }
.Ltmp0:
0x19: {  	s20 =	simm.s32 $0x1;
	s0 =	simm.s32 $0x5300;
	(pc) =	sbr.rel .LBB2_1-.Ltmp0, $4  }
0x1a: {  	[dreg:$0x9] =	wrdreg s6;
	s6 =	sadd.s32 s2, s21;
	s21 =	simm.s32 $0x300  }
0x1b: {  	v2 =	vlaneseq.u32;
	[dreg:$0xa] =	wrdreg s6;
	s6 =	sadd.s32 s2, s22;
	s22 =	simm.s32 $0xB00  }
0x1c: {  	vm0 =	vmmov $0xffff;
	v1 =	vshrl.u32 v2, $0x3;
	v0 =	vand.u32 $0x7, v2;
	[dreg:$0xb] =	wrdreg s6;
	s6 =	sadd.s32 s2, s25;
	s25 =	simm.s32 $0x2300  }
0x1d: {  	v2 =	vor.u32 $0x8, v2;
	v1 =	vmul.u32 $0x8, v1;
	vm1 =	vmmov @!p1 $0xffff;
	s2 =	simm.s32 $0x5B00;
	[dreg:$0xd] =	wrdreg s6;
	s6 =	simm.s32 $0x5  }
.LBB2_3:
0x1e: {  	s11 =	simm.s32 @!p1 $0x0;
	s14 =	simm.s32 @!p1 $0x280;
	s15 =	rddreg [dreg:$0xe]  }
0x1f: {  	[tilespmem:s14], [sflag:$0xA] =	stream.linear.gather @!p1 [hbm4b:s15+s11], $0x20, $0x38;
	[tilespmem:$0x1A300] =	vst v63  }
0x20: {  	s14 =	simm.s32 @!p1 $0xA  }
0x21: {  	_ =	swait.ge @!p1 [sflag:s14], $0x20  }
0x22: {  	[sflag:s14] =	ssyncset.done @!p1 $0x0  }
0x23: {  	[sflag:s14] =	ssyncadd.s32 @!p1 $0xFFFFFFE0  }
0x24: {  	v3 =	vld @!p1 [tilespmem:$0x280];
	_ =	sdelay $0x4  }
0x25: {  	v4 =	vshll.u32 @!p1 v3, $0x1  }
0x26: {  	v5 =	vlaneseq.u32 @!p1;
	v3 =	vand.u32 @!p1 $0x7, v3;
	v4 =	vand.u32 @!p1 $0xFFFFFFF0, v4  }
0x27: {  	v6 =	vshrl.u32 @!p1 v5, $0x3;
	v3 =	vor.u32 @!p1 v3, v4;
	v4 =	vand.u32 @!p1 $0x7, v5  }
0x28: {  	v6 =	vmul.u32 @!p1 $0x8, v6;
	v7 =	vperm.xlane @!p1 v3, v4  }
0x29: {  	v5 =	vor.u32 @!p1 $0x8, v5  }
0x2a: {  	v3 =	vperm.xlane @!p1 v3, v5;
	v7 =	vadd.s32 @!p1 v6, v7;
	_ =	sdelay $0x1  }
0x2b: {  	v3 =	vadd.s32 @!p1 v6, v3;
	_ =	sdelay $0x1  }
0x2c: {  	s14 =	simm.s32 @!p1 $0x18300  }
0x2d: {  	[tilespmem:s14], [sflag:$0x8] =	stream.indirect_vreg.gather @!p1 [hbm4b:s1+s11], $0x80, v7, vm1, $0xb8;
	[tilespmem:$0x1A300] =	vst v63  }
0x2e: {  	s15 =	simm.s32 @!p1 $0x18B00  }
0x2f: {  	[tilespmem:s15], [sflag:$0x8] =	stream.indirect_vreg.gather @!p1 [hbm4b:s1+s11], $0x80, v3, vm1, $0xb8;
	[tilespmem:$0x1A300] =	vst v63  }
0x30: {  	v3 =	vld @!p1 [tilespmem:$0x290];
	_ =	sdelay $0x4  }
0x31: {  	v7 =	vshll.u32 @!p1 v3, $0x1  }
0x32: {  	v3 =	vand.u32 @!p1 $0x7, v3;
	v7 =	vand.u32 @!p1 $0xFFFFFFF0, v7  }
0x33: {  	v3 =	vor.u32 @!p1 v3, v7  }
0x34: {  	v4 =	vperm.xlane @!p1 v3, v4;
	_ =	sdelay $0x1  }
0x35: {  	v3 =	vperm.xlane @!p1 v3, v5;
	v4 =	vadd.s32 @!p1 v6, v4;
	_ =	sdelay $0x1  }
0x36: {  	v3 =	vadd.s32 @!p1 v6, v3;
	_ =	sdelay $0x1  }
0x37: {  	s15 =	simm.s32 @!p1 $0x19300  }
0x38: {  	[tilespmem:s15], [sflag:$0x8] =	stream.indirect_vreg.gather @!p1 [hbm4b:s1+s11], $0x80, v4, vm1, $0xb8;
	[tilespmem:$0x1A300] =	vst v63  }
0x39: {  	s15 =	simm.s32 @!p1 $0x19B00  }
0x3a: {  	[tilespmem:s15], [sflag:$0x8] =	stream.indirect_vreg.gather @!p1 [hbm4b:s1+s11], $0x80, v3, vm1, $0xb8;
	[tilespmem:$0x1A300] =	vst v63  }
0x3b: {  	s15 =	simm.s32 @!p1 $0x8  }
0x3c: {  	_ =	swait.ge @!p1 [sflag:s15], $0x2000  }
0x3d: {  	s16 =	sadd.s32 $0xFFFFFFFF, s16;
	[sflag:s15] =	ssyncset.done @!p1 $0x0  }
0x3e: {  	p2 =	sne.s32 s16, $0x0;
	[sflag:s15] =	ssyncadd.s32 @!p1 $0xFFFFE000;
	s15 =	rddreg [dreg:$0xf]  }
0x3f: {  	[hbm4b:s15+s11] =	stream.linear.scatter @!p1 [tilespmem:s14], [sflag:$0x9], $0x2000, $0x38;
	[tilespmem:$0x1A300] =	vst v63  }
.Ltmp1:
0x40: {  	_ = 	snop;
	(pc) =	sbr.rel @!p2 .LBB2_4-.Ltmp1, $4  }
0x41: {  	s11 =	simm.s32 @!p1 $0x9  }
0x42: {  	_ =	swait.ge @!p1 [sflag:s11], $0x2000  }
0x43: {  	[sflag:s11] =	ssyncset.done @!p1 $0x0  }
0x44: {  	[sflag:s11] =	ssyncadd.s32 @!p1 $0xFFFFE000  }
.LBB2_1:
0x45: {  	s11 =	rddreg [dreg:$0x4]  }
0x46: {  	[tilespmem:s3], [sflag:$0x1] =	stream.linear.gather [hbm4b:s11+s3], $0x80, $0x38;
	[tilespmem:$0x1A300] =	vst v63  }
0x47: {  	s15 =	rddreg [dreg:$0x5];
	s14 =	simm.s32 $0x80  }
0x48: {  	[tilespmem:s14], [sflag:$0x1] =	stream.linear.gather [hbm4b:s15+s3], $0x80, $0x38;
	[tilespmem:$0x1A300] =	vst v63  }
0x49: {  	s14 =	rddreg [dreg:$0x6];
	s15 =	simm.s32 $0x100  }
0x4a: {  	[tilespmem:s15], [sflag:$0x1] =	stream.linear.gather [hbm4b:s14+s3], $0x80, $0x38;
	[tilespmem:$0x1A300] =	vst v63  }
0x4b: {  	s14 =	rddreg [dreg:$0x7];
	s15 =	simm.s32 $0x180  }
0x4c: {  	[tilespmem:s15], [sflag:$0x1] =	stream.linear.gather [hbm4b:s14+s3], $0x80, $0x38;
	[tilespmem:$0x1A300] =	vst v63  }
0x4d: {  	_ =	swait.ge [sflag:s20], $0x80  }
0x4e: {  	[sflag:s20] =	ssyncset.done $0x0  }
0x4f: {  	[sflag:s20] =	ssyncadd.s32 $0xFFFFFF80  }
0x50: {  	_ =	swait.ge [sflag:s20], $0x80  }
0x51: {  	[sflag:s20] =	ssyncset.done $0x0  }
0x52: {  	[sflag:s20] =	ssyncadd.s32 $0xFFFFFF80  }
0x53: {  	_ =	swait.ge [sflag:s20], $0x80  }
0x54: {  	[sflag:s20] =	ssyncset.done $0x0  }
0x55: {  	[sflag:s20] =	ssyncadd.s32 $0xFFFFFF80  }
0x56: {  	_ =	swait.ge [sflag:s20], $0x80  }
0x57: {  	[sflag:s20] =	ssyncset.done $0x0  }
0x58: {  	[sflag:s20] =	ssyncadd.s32 $0xFFFFFF80  }
0x59: {  	v3 =	vld [tilespmem:$0x0];
	_ =	sdelay $0x4  }
0x5a: {  	v4 =	vshll.u32 v3, $0x1  }
0x5b: {  	v3 =	vand.u32 $0x7, v3;
	v4 =	vand.u32 $0xFFFFFFF0, v4  }
0x5c: {  	v3 =	vor.u32 v3, v4  }
0x5d: {  	v4 =	vperm.xlane v3, v0;
	_ =	sdelay $0x1  }
0x5e: {  	v3 =	vperm.xlane v3, v2;
	v4 =	vadd.s32 v1, v4;
	_ =	sdelay $0x1  }
0x5f: {  	v3 =	vadd.s32 v1, v3;
	_ =	sdelay $0x2  }
0x60: {  	[tilespmem:s21], [sflag:$0x2] =	stream.indirect_vreg.gather [hbm4b:s1+s3], $0x80, v4, vm0, $0xb8;
	[tilespmem:$0x1A300] =	vst v63  }
0x61: {  	_ = 	snop  }
0x62: {  	[tilespmem:s22], [sflag:$0x2] =	stream.indirect_vreg.gather [hbm4b:s1+s3], $0x80, v3, vm0, $0xb8;
	[tilespmem:$0x1A300] =	vst v63  }
0x63: {  	v3 =	vld [tilespmem:$0x10];
	_ =	sdelay $0x4  }
0x64: {  	v33 =	vshll.u32 v3, $0x1  }
0x65: {  	v3 =	vand.u32 $0x7, v3;
	v4 =	vand.u32 $0xFFFFFFF0, v33  }
0x66: {  	v3 =	vor.u32 v3, v4  }
0x67: {  	v4 =	vperm.xlane v3, v0;
	_ =	sdelay $0x1  }
0x68: {  	v3 =	vperm.xlane v3, v2;
	v4 =	vadd.s32 v1, v4;
	_ =	sdelay $0x1  }
0x69: {  	v3 =	vadd.s32 v1, v3;
	_ =	sdelay $0x2  }
0x6a: {  	[tilespmem:s23], [sflag:$0x2] =	stream.indirect_vreg.gather [hbm4b:s1+s3], $0x80, v4, vm0, $0xb8;
	[tilespmem:$0x1A300] =	vst v63  }
0x6b: {  	_ = 	snop  }
0x6c: {  	[tilespmem:s24], [sflag:$0x2] =	stream.indirect_vreg.gather [hbm4b:s1+s3], $0x80, v3, vm0, $0xb8;
	[tilespmem:$0x1A300] =	vst v63  }
0x6d: {  	v3 =	vld [tilespmem:$0x20];
	_ =	sdelay $0x4  }
0x6e: {  	v34 =	vshll.u32 v3, $0x1  }
0x6f: {  	v3 =	vand.u32 $0x7, v3;
	v4 =	vand.u32 $0xFFFFFFF0, v34  }
0x70: {  	v3 =	vor.u32 v3, v4  }
0x71: {  	v4 =	vperm.xlane v3, v0;
	_ =	sdelay $0x1  }
0x72: {  	v3 =	vperm.xlane v3, v2;
	v4 =	vadd.s32 v1, v4;
	_ =	sdelay $0x1  }
0x73: {  	v3 =	vadd.s32 v1, v3;
	_ =	sdelay $0x2  }
0x74: {  	[tilespmem:s25], [sflag:$0x2] =	stream.indirect_vreg.gather [hbm4b:s1+s3], $0x80, v4, vm0, $0xb8;
	[tilespmem:$0x1A300] =	vst v63  }
0x75: {  	_ = 	snop  }
0x76: {  	[tilespmem:s26], [sflag:$0x2] =	stream.indirect_vreg.gather [hbm4b:s1+s3], $0x80, v3, vm0, $0xb8;
	[tilespmem:$0x1A300] =	vst v63  }
0x77: {  	v3 =	vld [tilespmem:$0x30];
	_ =	sdelay $0x4  }
0x78: {  	v35 =	vshll.u32 v3, $0x1  }
0x79: {  	v3 =	vand.u32 $0x7, v3;
	v4 =	vand.u32 $0xFFFFFFF0, v35  }
0x7a: {  	v3 =	vor.u32 v3, v4  }
0x7b: {  	v4 =	vperm.xlane v3, v0;
	_ =	sdelay $0x1  }
0x7c: {  	v3 =	vperm.xlane v3, v2;
	v4 =	vadd.s32 v1, v4;
	_ =	sdelay $0x1  }
0x7d: {  	v3 =	vadd.s32 v1, v3;
	_ =	sdelay $0x2  }
0x7e: {  	[tilespmem:s28], [sflag:$0x2] =	stream.indirect_vreg.gather [hbm4b:s1+s3], $0x80, v4, vm0, $0xb8;
	[tilespmem:$0x1A300] =	vst v63  }
0x7f: {  	_ = 	snop  }
0x80: {  	[tilespmem:s29], [sflag:$0x2] =	stream.indirect_vreg.gather [hbm4b:s1+s3], $0x80, v3, vm0, $0xb8;
	[tilespmem:$0x1A300] =	vst v63  }
0x81: {  	v3 =	vld [tilespmem:$0x40];
	_ =	sdelay $0x4  }
0x82: {  	v36 =	vshll.u32 v3, $0x1  }
0x83: {  	v3 =	vand.u32 $0x7, v3;
	v4 =	vand.u32 $0xFFFFFFF0, v36  }
0x84: {  	v3 =	vor.u32 v3, v4  }
0x85: {  	v4 =	vperm.xlane v3, v0;
	_ =	sdelay $0x1  }
0x86: {  	v3 =	vperm.xlane v3, v2;
	v4 =	vadd.s32 v1, v4;
	_ =	sdelay $0x1  }
0x87: {  	v3 =	vadd.s32 v1, v3;
	_ =	sdelay $0x2  }
0x88: {  	[tilespmem:s30], [sflag:$0x2] =	stream.indirect_vreg.gather [hbm4b:s1+s3], $0x80, v4, vm0, $0xb8;
	[tilespmem:$0x1A300] =	vst v63  }
0x89: {  	_ = 	snop  }
0x8a: {  	[tilespmem:s31], [sflag:$0x2] =	stream.indirect_vreg.gather [hbm4b:s1+s3], $0x80, v3, vm0, $0xb8;
	[tilespmem:$0x1A300] =	vst v63  }
0x8b: {  	v3 =	vld [tilespmem:$0x50];
	_ =	sdelay $0x4  }
0x8c: {  	v37 =	vshll.u32 v3, $0x1  }
0x8d: {  	v3 =	vand.u32 $0x7, v3;
	v4 =	vand.u32 $0xFFFFFFF0, v37  }
0x8e: {  	v3 =	vor.u32 v3, v4  }
0x8f: {  	v4 =	vperm.xlane v3, v0;
	_ =	sdelay $0x1  }
0x90: {  	v3 =	vperm.xlane v3, v2;
	v4 =	vadd.s32 v1, v4;
	_ =	sdelay $0x1  }
0x91: {  	v3 =	vadd.s32 v1, v3;
	_ =	sdelay $0x2  }
0x92: {  	[tilespmem:s0], [sflag:$0x2] =	stream.indirect_vreg.gather [hbm4b:s1+s3], $0x80, v4, vm0, $0xb8;
	[tilespmem:$0x1A300] =	vst v63  }
0x93: {  	_ = 	snop  }
0x94: {  	[tilespmem:s2], [sflag:$0x2] =	stream.indirect_vreg.gather [hbm4b:s1+s3], $0x80, v3, vm0, $0xb8;
	[tilespmem:$0x1A300] =	vst v63  }
0x95: {  	v3 =	vld [tilespmem:$0x60];
	_ =	sdelay $0x4  }
0x96: {  	v38 =	vshll.u32 v3, $0x1  }
0x97: {  	v3 =	vand.u32 $0x7, v3;
	v4 =	vand.u32 $0xFFFFFFF0, v38  }
0x98: {  	v3 =	vor.u32 v3, v4  }
0x99: {  	v4 =	vperm.xlane v3, v0;
	_ =	sdelay $0x1  }
0x9a: {  	v3 =	vperm.xlane v3, v2;
	v4 =	vadd.s32 v1, v4;
	_ =	sdelay $0x1  }
0x9b: {  	v3 =	vadd.s32 v1, v3;
	_ =	sdelay $0x2  }
0x9c: {  	[tilespmem:s17], [sflag:$0x2] =	stream.indirect_vreg.gather [hbm4b:s1+s3], $0x80, v4, vm0, $0xb8;
	[tilespmem:$0x1A300] =	vst v63  }
0x9d: {  	_ = 	snop  }
0x9e: {  	[tilespmem:s18], [sflag:$0x2] =	stream.indirect_vreg.gather [hbm4b:s1+s3], $0x80, v3, vm0, $0xb8;
	[tilespmem:$0x1A300] =	vst v63  }
0x9f: {  	v3 =	vld [tilespmem:$0x70];
	_ =	sdelay $0x4  }
0xa0: {  	v39 =	vshll.u32 v3, $0x1  }
0xa1: {  	v3 =	vand.u32 $0x7, v3;
	v4 =	vand.u32 $0xFFFFFFF0, v39  }
0xa2: {  	v3 =	vor.u32 v3, v4  }
0xa3: {  	v4 =	vperm.xlane v3, v0;
	_ =	sdelay $0x1  }
0xa4: {  	v3 =	vperm.xlane v3, v2;
	v4 =	vadd.s32 v1, v4;
	_ =	sdelay $0x1  }
0xa5: {  	v3 =	vadd.s32 v1, v3;
	_ =	sdelay $0x2  }
0xa6: {  	[tilespmem:s19], [sflag:$0x2] =	stream.indirect_vreg.gather [hbm4b:s1+s3], $0x80, v4, vm0, $0xb8;
	[tilespmem:$0x1A300] =	vst v63  }
0xa7: {  	_ = 	snop  }
0xa8: {  	[tilespmem:s12], [sflag:$0x2] =	stream.indirect_vreg.gather [hbm4b:s1+s3], $0x80, v3, vm0, $0xb8;
	[tilespmem:$0x1A300] =	vst v63  }
0xa9: {  	v3 =	vld [tilespmem:$0x80];
	_ =	sdelay $0x4  }
0xaa: {  	v40 =	vshll.u32 v3, $0x1  }
0xab: {  	v3 =	vand.u32 $0x7, v3;
	v4 =	vand.u32 $0xFFFFFFF0, v40  }
0xac: {  	v3 =	vor.u32 v3, v4  }
0xad: {  	v4 =	vperm.xlane v3, v0;
	_ =	sdelay $0x1  }
0xae: {  	v3 =	vperm.xlane v3, v2;
	v4 =	vadd.s32 v1, v4;
	_ =	sdelay $0x1  }
0xaf: {  	v3 =	vadd.s32 v1, v3;
	_ =	sdelay $0x2  }
0xb0: {  	[tilespmem:s13], [sflag:$0x3] =	stream.indirect_vreg.gather [hbm4b:s1+s3], $0x80, v4, vm0, $0xb8;
	[tilespmem:$0x1A300] =	vst v63  }
0xb1: {  	s14 =	simm.s32 $0x8B00  }
0xb2: {  	[tilespmem:s14], [sflag:$0x3] =	stream.indirect_vreg.gather [hbm4b:s1+s3], $0x80, v3, vm0, $0xb8;
	[tilespmem:$0x1A300] =	vst v63  }
0xb3: {  	v3 =	vld [tilespmem:$0x90];
	_ =	sdelay $0x4  }
0xb4: {  	v41 =	vshll.u32 v3, $0x1  }
0xb5: {  	v3 =	vand.u32 $0x7, v3;
	v4 =	vand.u32 $0xFFFFFFF0, v41  }
0xb6: {  	v3 =	vor.u32 v3, v4  }
0xb7: {  	v4 =	vperm.xlane v3, v0;
	_ =	sdelay $0x1  }
0xb8: {  	v3 =	vperm.xlane v3, v2;
	v4 =	vadd.s32 v1, v4;
	_ =	sdelay $0x1  }
0xb9: {  	v3 =	vadd.s32 v1, v3;
	_ =	sdelay $0x1  }
0xba: {  	s15 =	simm.s32 $0x9300  }
0xbb: {  	[tilespmem:s15], [sflag:$0x3] =	stream.indirect_vreg.gather [hbm4b:s1+s3], $0x80, v4, vm0, $0xb8;
	[tilespmem:$0x1A300] =	vst v63  }
0xbc: {  	s14 =	simm.s32 $0x9B00  }
0xbd: {  	[tilespmem:s14], [sflag:$0x3] =	stream.indirect_vreg.gather [hbm4b:s1+s3], $0x80, v3, vm0, $0xb8;
	[tilespmem:$0x1A300] =	vst v63  }
0xbe: {  	v3 =	vld [tilespmem:$0xA0];
	_ =	sdelay $0x4  }
0xbf: {  	v42 =	vshll.u32 v3, $0x1  }
0xc0: {  	v3 =	vand.u32 $0x7, v3;
	v4 =	vand.u32 $0xFFFFFFF0, v42  }
0xc1: {  	v3 =	vor.u32 v3, v4  }
0xc2: {  	v4 =	vperm.xlane v3, v0;
	_ =	sdelay $0x1  }
0xc3: {  	v3 =	vperm.xlane v3, v2;
	v4 =	vadd.s32 v1, v4;
	_ =	sdelay $0x1  }
0xc4: {  	v3 =	vadd.s32 v1, v3;
	_ =	sdelay $0x1  }
0xc5: {  	s15 =	simm.s32 $0xA300  }
0xc6: {  	[tilespmem:s15], [sflag:$0x3] =	stream.indirect_vreg.gather [hbm4b:s1+s3], $0x80, v4, vm0, $0xb8;
	[tilespmem:$0x1A300] =	vst v63  }
0xc7: {  	s14 =	simm.s32 $0xAB00  }
0xc8: {  	[tilespmem:s14], [sflag:$0x3] =	stream.indirect_vreg.gather [hbm4b:s1+s3], $0x80, v3, vm0, $0xb8;
	[tilespmem:$0x1A300] =	vst v63  }
0xc9: {  	v3 =	vld [tilespmem:$0xB0];
	_ =	sdelay $0x4  }
0xca: {  	v43 =	vshll.u32 v3, $0x1  }
0xcb: {  	v3 =	vand.u32 $0x7, v3;
	v4 =	vand.u32 $0xFFFFFFF0, v43  }
0xcc: {  	v3 =	vor.u32 v3, v4  }
0xcd: {  	v4 =	vperm.xlane v3, v0;
	_ =	sdelay $0x1  }
0xce: {  	v3 =	vperm.xlane v3, v2;
	v4 =	vadd.s32 v1, v4;
	_ =	sdelay $0x1  }
0xcf: {  	v3 =	vadd.s32 v1, v3;
	_ =	sdelay $0x1  }
0xd0: {  	s15 =	simm.s32 $0xB300  }
0xd1: {  	[tilespmem:s15], [sflag:$0x3] =	stream.indirect_vreg.gather [hbm4b:s1+s3], $0x80, v4, vm0, $0xb8;
	[tilespmem:$0x1A300] =	vst v63  }
0xd2: {  	s14 =	simm.s32 $0xBB00  }
0xd3: {  	[tilespmem:s14], [sflag:$0x3] =	stream.indirect_vreg.gather [hbm4b:s1+s3], $0x80, v3, vm0, $0xb8;
	[tilespmem:$0x1A300] =	vst v63  }
0xd4: {  	v3 =	vld [tilespmem:$0xC0];
	_ =	sdelay $0x4  }
0xd5: {  	v44 =	vshll.u32 v3, $0x1  }
0xd6: {  	v3 =	vand.u32 $0x7, v3;
	v4 =	vand.u32 $0xFFFFFFF0, v44  }
0xd7: {  	v3 =	vor.u32 v3, v4  }
0xd8: {  	v4 =	vperm.xlane v3, v0;
	_ =	sdelay $0x1  }
0xd9: {  	v3 =	vperm.xlane v3, v2;
	v4 =	vadd.s32 v1, v4;
	_ =	sdelay $0x1  }
0xda: {  	v3 =	vadd.s32 v1, v3;
	_ =	sdelay $0x1  }
0xdb: {  	s15 =	simm.s32 $0xC300  }
0xdc: {  	[tilespmem:s15], [sflag:$0x3] =	stream.indirect_vreg.gather [hbm4b:s1+s3], $0x80, v4, vm0, $0xb8;
	[tilespmem:$0x1A300] =	vst v63  }
0xdd: {  	s14 =	simm.s32 $0xCB00  }
0xde: {  	[tilespmem:s14], [sflag:$0x3] =	stream.indirect_vreg.gather [hbm4b:s1+s3], $0x80, v3, vm0, $0xb8;
	[tilespmem:$0x1A300] =	vst v63  }
0xdf: {  	v3 =	vld [tilespmem:$0xD0];
	_ =	sdelay $0x4  }
0xe0: {  	v45 =	vshll.u32 v3, $0x1  }
0xe1: {  	v3 =	vand.u32 $0x7, v3;
	v4 =	vand.u32 $0xFFFFFFF0, v45  }
0xe2: {  	v3 =	vor.u32 v3, v4  }
0xe3: {  	v4 =	vperm.xlane v3, v0;
	_ =	sdelay $0x1  }
0xe4: {  	v3 =	vperm.xlane v3, v2;
	v4 =	vadd.s32 v1, v4;
	_ =	sdelay $0x1  }
0xe5: {  	v3 =	vadd.s32 v1, v3;
	_ =	sdelay $0x1  }
0xe6: {  	s15 =	simm.s32 $0xD300  }
0xe7: {  	[tilespmem:s15], [sflag:$0x3] =	stream.indirect_vreg.gather [hbm4b:s1+s3], $0x80, v4, vm0, $0xb8;
	[tilespmem:$0x1A300] =	vst v63  }
0xe8: {  	s14 =	simm.s32 $0xDB00  }
0xe9: {  	[tilespmem:s14], [sflag:$0x3] =	stream.indirect_vreg.gather [hbm4b:s1+s3], $0x80, v3, vm0, $0xb8;
	[tilespmem:$0x1A300] =	vst v63  }
0xea: {  	v3 =	vld [tilespmem:$0xE0];
	_ =	sdelay $0x4  }
0xeb: {  	v46 =	vshll.u32 v3, $0x1  }
0xec: {  	v3 =	vand.u32 $0x7, v3;
	v4 =	vand.u32 $0xFFFFFFF0, v46  }
0xed: {  	v3 =	vor.u32 v3, v4  }
0xee: {  	v4 =	vperm.xlane v3, v0;
	_ =	sdelay $0x1  }
0xef: {  	v3 =	vperm.xlane v3, v2;
	v4 =	vadd.s32 v1, v4;
	_ =	sdelay $0x1  }
0xf0: {  	v3 =	vadd.s32 v1, v3;
	_ =	sdelay $0x1  }
0xf1: {  	s15 =	simm.s32 $0xE300  }
0xf2: {  	[tilespmem:s15], [sflag:$0x3] =	stream.indirect_vreg.gather [hbm4b:s1+s3], $0x80, v4, vm0, $0xb8;
	[tilespmem:$0x1A300] =	vst v63  }
0xf3: {  	s14 =	simm.s32 $0xEB00  }
0xf4: {  	[tilespmem:s14], [sflag:$0x3] =	stream.indirect_vreg.gather [hbm4b:s1+s3], $0x80, v3, vm0, $0xb8;
	[tilespmem:$0x1A300] =	vst v63  }
0xf5: {  	v3 =	vld [tilespmem:$0xF0];
	_ =	sdelay $0x4  }
0xf6: {  	v47 =	vshll.u32 v3, $0x1  }
0xf7: {  	v3 =	vand.u32 $0x7, v3;
	v4 =	vand.u32 $0xFFFFFFF0, v47  }
0xf8: {  	v3 =	vor.u32 v3, v4  }
0xf9: {  	v4 =	vperm.xlane v3, v0;
	_ =	sdelay $0x1  }
0xfa: {  	v3 =	vperm.xlane v3, v2;
	v4 =	vadd.s32 v1, v4;
	_ =	sdelay $0x1  }
0xfb: {  	v3 =	vadd.s32 v1, v3;
	_ =	sdelay $0x1  }
0xfc: {  	s15 =	simm.s32 $0xF300  }
0xfd: {  	[tilespmem:s15], [sflag:$0x3] =	stream.indirect_vreg.gather [hbm4b:s1+s3], $0x80, v4, vm0, $0xb8;
	[tilespmem:$0x1A300] =	vst v63  }
0xfe: {  	s14 =	simm.s32 $0xFB00  }
0xff: {  	[tilespmem:s14], [sflag:$0x3] =	stream.indirect_vreg.gather [hbm4b:s1+s3], $0x80, v3, vm0, $0xb8;
	[tilespmem:$0x1A300] =	vst v63  }
0x100: {  	v3 =	vld [tilespmem:$0x100];
	_ =	sdelay $0x4  }
0x101: {  	v48 =	vshll.u32 v3, $0x1  }
0x102: {  	v3 =	vand.u32 $0x7, v3;
	v4 =	vand.u32 $0xFFFFFFF0, v48  }
0x103: {  	v3 =	vor.u32 v3, v4  }
0x104: {  	v4 =	vperm.xlane v3, v0;
	_ =	sdelay $0x1  }
0x105: {  	v3 =	vperm.xlane v3, v2;
	v4 =	vadd.s32 v1, v4;
	_ =	sdelay $0x1  }
0x106: {  	v3 =	vadd.s32 v1, v3;
	_ =	sdelay $0x2  }
0x107: {  	[tilespmem:s4], [sflag:$0x4] =	stream.indirect_vreg.gather [hbm4b:s1+s3], $0x80, v4, vm0, $0xb8;
	[tilespmem:$0x1A300] =	vst v63  }
0x108: {  	s15 =	simm.s32 $0x10B00  }
0x109: {  	[tilespmem:s15], [sflag:$0x4] =	stream.indirect_vreg.gather [hbm4b:s1+s3], $0x80, v3, vm0, $0xb8;
	[tilespmem:$0x1A300] =	vst v63  }
0x10a: {  	v3 =	vld [tilespmem:$0x110];
	_ =	sdelay $0x4  }
0x10b: {  	v49 =	vshll.u32 v3, $0x1  }
0x10c: {  	v3 =	vand.u32 $0x7, v3;
	v4 =	vand.u32 $0xFFFFFFF0, v49  }
0x10d: {  	v3 =	vor.u32 v3, v4  }
0x10e: {  	v4 =	vperm.xlane v3, v0;
	_ =	sdelay $0x1  }
0x10f: {  	v3 =	vperm.xlane v3, v2;
	v4 =	vadd.s32 v1, v4;
	_ =	sdelay $0x1  }
0x110: {  	v3 =	vadd.s32 v1, v3;
	_ =	sdelay $0x1  }
0x111: {  	s14 =	simm.s32 $0x11300  }
0x112: {  	[tilespmem:s14], [sflag:$0x4] =	stream.indirect_vreg.gather [hbm4b:s1+s3], $0x80, v4, vm0, $0xb8;
	[tilespmem:$0x1A300] =	vst v63  }
0x113: {  	s15 =	simm.s32 $0x11B00  }
0x114: {  	[tilespmem:s15], [sflag:$0x4] =	stream.indirect_vreg.gather [hbm4b:s1+s3], $0x80, v3, vm0, $0xb8;
	[tilespmem:$0x1A300] =	vst v63  }
0x115: {  	v3 =	vld [tilespmem:$0x120];
	_ =	sdelay $0x4  }
0x116: {  	v50 =	vshll.u32 v3, $0x1  }
0x117: {  	v3 =	vand.u32 $0x7, v3;
	v4 =	vand.u32 $0xFFFFFFF0, v50  }
0x118: {  	v3 =	vor.u32 v3, v4  }
0x119: {  	v4 =	vperm.xlane v3, v0;
	_ =	sdelay $0x1  }
0x11a: {  	v3 =	vperm.xlane v3, v2;
	v4 =	vadd.s32 v1, v4;
	_ =	sdelay $0x1  }
0x11b: {  	v3 =	vadd.s32 v1, v3;
	_ =	sdelay $0x1  }
0x11c: {  	s14 =	simm.s32 $0x12300  }
0x11d: {  	[tilespmem:s14], [sflag:$0x4] =	stream.indirect_vreg.gather [hbm4b:s1+s3], $0x80, v4, vm0, $0xb8;
	[tilespmem:$0x1A300] =	vst v63  }
0x11e: {  	s15 =	simm.s32 $0x12B00  }
0x11f: {  	[tilespmem:s15], [sflag:$0x4] =	stream.indirect_vreg.gather [hbm4b:s1+s3], $0x80, v3, vm0, $0xb8;
	[tilespmem:$0x1A300] =	vst v63  }
0x120: {  	v3 =	vld [tilespmem:$0x130];
	_ =	sdelay $0x4  }
0x121: {  	v51 =	vshll.u32 v3, $0x1  }
0x122: {  	v3 =	vand.u32 $0x7, v3;
	v4 =	vand.u32 $0xFFFFFFF0, v51  }
0x123: {  	v3 =	vor.u32 v3, v4  }
0x124: {  	v4 =	vperm.xlane v3, v0;
	_ =	sdelay $0x1  }
0x125: {  	v3 =	vperm.xlane v3, v2;
	v4 =	vadd.s32 v1, v4;
	_ =	sdelay $0x1  }
0x126: {  	v3 =	vadd.s32 v1, v3;
	_ =	sdelay $0x1  }
0x127: {  	s14 =	simm.s32 $0x13300  }
0x128: {  	[tilespmem:s14], [sflag:$0x4] =	stream.indirect_vreg.gather [hbm4b:s1+s3], $0x80, v4, vm0, $0xb8;
	[tilespmem:$0x1A300] =	vst v63  }
0x129: {  	s15 =	simm.s32 $0x13B00  }
0x12a: {  	[tilespmem:s15], [sflag:$0x4] =	stream.indirect_vreg.gather [hbm4b:s1+s3], $0x80, v3, vm0, $0xb8;
	[tilespmem:$0x1A300] =	vst v63  }
0x12b: {  	v3 =	vld [tilespmem:$0x140];
	_ =	sdelay $0x4  }
0x12c: {  	v52 =	vshll.u32 v3, $0x1  }
0x12d: {  	v3 =	vand.u32 $0x7, v3;
	v4 =	vand.u32 $0xFFFFFFF0, v52  }
0x12e: {  	v3 =	vor.u32 v3, v4  }
0x12f: {  	v4 =	vperm.xlane v3, v0;
	_ =	sdelay $0x1  }
0x130: {  	v3 =	vperm.xlane v3, v2;
	v4 =	vadd.s32 v1, v4;
	_ =	sdelay $0x1  }
0x131: {  	v3 =	vadd.s32 v1, v3;
	_ =	sdelay $0x1  }
0x132: {  	s14 =	simm.s32 $0x14300  }
0x133: {  	[tilespmem:s14], [sflag:$0x4] =	stream.indirect_vreg.gather [hbm4b:s1+s3], $0x80, v4, vm0, $0xb8;
	[tilespmem:$0x1A300] =	vst v63  }
0x134: {  	s15 =	simm.s32 $0x14B00  }
0x135: {  	[tilespmem:s15], [sflag:$0x4] =	stream.indirect_vreg.gather [hbm4b:s1+s3], $0x80, v3, vm0, $0xb8;
	[tilespmem:$0x1A300] =	vst v63  }
0x136: {  	v3 =	vld [tilespmem:$0x150];
	_ =	sdelay $0x4  }
0x137: {  	v53 =	vshll.u32 v3, $0x1  }
0x138: {  	v3 =	vand.u32 $0x7, v3;
	v4 =	vand.u32 $0xFFFFFFF0, v53  }
0x139: {  	v3 =	vor.u32 v3, v4  }
0x13a: {  	v4 =	vperm.xlane v3, v0;
	_ =	sdelay $0x1  }
0x13b: {  	v3 =	vperm.xlane v3, v2;
	v4 =	vadd.s32 v1, v4;
	_ =	sdelay $0x1  }
0x13c: {  	v3 =	vadd.s32 v1, v3;
	_ =	sdelay $0x1  }
0x13d: {  	s14 =	simm.s32 $0x15300  }
0x13e: {  	[tilespmem:s14], [sflag:$0x4] =	stream.indirect_vreg.gather [hbm4b:s1+s3], $0x80, v4, vm0, $0xb8;
	[tilespmem:$0x1A300] =	vst v63  }
0x13f: {  	s15 =	simm.s32 $0x15B00  }
0x140: {  	[tilespmem:s15], [sflag:$0x4] =	stream.indirect_vreg.gather [hbm4b:s1+s3], $0x80, v3, vm0, $0xb8;
	[tilespmem:$0x1A300] =	vst v63  }
0x141: {  	v3 =	vld [tilespmem:$0x160];
	_ =	sdelay $0x4  }
0x142: {  	v54 =	vshll.u32 v3, $0x1  }
0x143: {  	v3 =	vand.u32 $0x7, v3;
	v4 =	vand.u32 $0xFFFFFFF0, v54  }
0x144: {  	v3 =	vor.u32 v3, v4  }
0x145: {  	v4 =	vperm.xlane v3, v0;
	_ =	sdelay $0x1  }
0x146: {  	v3 =	vperm.xlane v3, v2;
	v4 =	vadd.s32 v1, v4;
	_ =	sdelay $0x1  }
0x147: {  	v3 =	vadd.s32 v1, v3;
	_ =	sdelay $0x1  }
0x148: {  	s14 =	simm.s32 $0x16300  }
0x149: {  	[tilespmem:s14], [sflag:$0x4] =	stream.indirect_vreg.gather [hbm4b:s1+s3], $0x80, v4, vm0, $0xb8;
	[tilespmem:$0x1A300] =	vst v63  }
0x14a: {  	s15 =	simm.s32 $0x16B00  }
0x14b: {  	[tilespmem:s15], [sflag:$0x4] =	stream.indirect_vreg.gather [hbm4b:s1+s3], $0x80, v3, vm0, $0xb8;
	[tilespmem:$0x1A300] =	vst v63  }
0x14c: {  	v3 =	vld [tilespmem:$0x170];
	_ =	sdelay $0x4  }
0x14d: {  	v55 =	vshll.u32 v3, $0x1  }
0x14e: {  	v3 =	vand.u32 $0x7, v3;
	v4 =	vand.u32 $0xFFFFFFF0, v55  }
0x14f: {  	v3 =	vor.u32 v3, v4  }
0x150: {  	v4 =	vperm.xlane v3, v0;
	_ =	sdelay $0x1  }
0x151: {  	v3 =	vperm.xlane v3, v2;
	v4 =	vadd.s32 v1, v4;
	_ =	sdelay $0x1  }
0x152: {  	v3 =	vadd.s32 v1, v3;
	_ =	sdelay $0x1  }
0x153: {  	s14 =	simm.s32 $0x17300  }
0x154: {  	[tilespmem:s14], [sflag:$0x4] =	stream.indirect_vreg.gather [hbm4b:s1+s3], $0x80, v4, vm0, $0xb8;
	[tilespmem:$0x1A300] =	vst v63  }
0x155: {  	s15 =	simm.s32 $0x17B00  }
0x156: {  	[tilespmem:s15], [sflag:$0x4] =	stream.indirect_vreg.gather [hbm4b:s1+s3], $0x80, v3, vm0, $0xb8;
	[tilespmem:$0x1A300] =	vst v63  }
0x157: {  	_ =	swait.ge [sflag:s5], $0x8000  }
0x158: {  	[sflag:s5] =	ssyncset.done $0x0  }
0x159: {  	s14 =	rddreg [dreg:$0x8];
	[sflag:s5] =	ssyncadd.s32 $0xFFFF8000  }
0x15a: {  	[hbm4b:s14+s3] =	stream.linear.scatter [tilespmem:s21], [sflag:$0x5], $0x8000, $0x38;
	[tilespmem:$0x1A300] =	vst v63  }
0x15b: {  	_ =	swait.ge [sflag:s6], $0x8000  }
0x15c: {  	[sflag:s6] =	ssyncset.done $0x0  }
0x15d: {  	[sflag:s6] =	ssyncadd.s32 $0xFFFF8000  }
0x15e: {  	v3 =	vld [tilespmem:$0x180];
	_ =	sdelay $0x4  }
0x15f: {  	v56 =	vshll.u32 v3, $0x1  }
0x160: {  	v3 =	vand.u32 $0x7, v3;
	v4 =	vand.u32 $0xFFFFFFF0, v56  }
0x161: {  	v3 =	vor.u32 v3, v4  }
0x162: {  	v4 =	vperm.xlane v3, v0;
	_ =	sdelay $0x1  }
0x163: {  	v3 =	vperm.xlane v3, v2;
	v4 =	vadd.s32 v1, v4;
	_ =	sdelay $0x1  }
0x164: {  	v3 =	vadd.s32 v1, v3;
	_ =	sdelay $0x2  }
0x165: {  	[tilespmem:s21], [sflag:$0x2] =	stream.indirect_vreg.gather [hbm4b:s1+s3], $0x80, v4, vm0, $0xb8;
	[tilespmem:$0x1A300] =	vst v63  }
0x166: {  	_ = 	snop  }
0x167: {  	[tilespmem:s22], [sflag:$0x2] =	stream.indirect_vreg.gather [hbm4b:s1+s3], $0x80, v3, vm0, $0xb8;
	[tilespmem:$0x1A300] =	vst v63  }
0x168: {  	v3 =	vld [tilespmem:$0x190];
	_ =	sdelay $0x4  }
0x169: {  	v57 =	vshll.u32 v3, $0x1  }
0x16a: {  	v3 =	vand.u32 $0x7, v3;
	v4 =	vand.u32 $0xFFFFFFF0, v57  }
0x16b: {  	v3 =	vor.u32 v3, v4  }
0x16c: {  	v4 =	vperm.xlane v3, v0;
	_ =	sdelay $0x1  }
0x16d: {  	v3 =	vperm.xlane v3, v2;
	v4 =	vadd.s32 v1, v4;
	_ =	sdelay $0x1  }
0x16e: {  	v3 =	vadd.s32 v1, v3;
	_ =	sdelay $0x2  }
0x16f: {  	[tilespmem:s23], [sflag:$0x2] =	stream.indirect_vreg.gather [hbm4b:s1+s3], $0x80, v4, vm0, $0xb8;
	[tilespmem:$0x1A300] =	vst v63  }
0x170: {  	_ = 	snop  }
0x171: {  	[tilespmem:s24], [sflag:$0x2] =	stream.indirect_vreg.gather [hbm4b:s1+s3], $0x80, v3, vm0, $0xb8;
	[tilespmem:$0x1A300] =	vst v63  }
0x172: {  	v3 =	vld [tilespmem:$0x1A0];
	_ =	sdelay $0x4  }
0x173: {  	v58 =	vshll.u32 v3, $0x1  }
0x174: {  	v3 =	vand.u32 $0x7, v3;
	v4 =	vand.u32 $0xFFFFFFF0, v58  }
0x175: {  	v3 =	vor.u32 v3, v4  }
0x176: {  	v4 =	vperm.xlane v3, v0;
	_ =	sdelay $0x1  }
0x177: {  	v3 =	vperm.xlane v3, v2;
	v4 =	vadd.s32 v1, v4;
	_ =	sdelay $0x1  }
0x178: {  	v3 =	vadd.s32 v1, v3;
	_ =	sdelay $0x2  }
0x179: {  	[tilespmem:s25], [sflag:$0x2] =	stream.indirect_vreg.gather [hbm4b:s1+s3], $0x80, v4, vm0, $0xb8;
	[tilespmem:$0x1A300] =	vst v63  }
0x17a: {  	_ = 	snop  }
0x17b: {  	[tilespmem:s26], [sflag:$0x2] =	stream.indirect_vreg.gather [hbm4b:s1+s3], $0x80, v3, vm0, $0xb8;
	[tilespmem:$0x1A300] =	vst v63  }
0x17c: {  	v3 =	vld [tilespmem:$0x1B0];
	_ =	sdelay $0x4  }
0x17d: {  	v59 =	vshll.u32 v3, $0x1  }
0x17e: {  	v3 =	vand.u32 $0x7, v3;
	v4 =	vand.u32 $0xFFFFFFF0, v59  }
0x17f: {  	v3 =	vor.u32 v3, v4  }
0x180: {  	v4 =	vperm.xlane v3, v0;
	_ =	sdelay $0x1  }
0x181: {  	v3 =	vperm.xlane v3, v2;
	v4 =	vadd.s32 v1, v4;
	_ =	sdelay $0x1  }
0x182: {  	v3 =	vadd.s32 v1, v3;
	_ =	sdelay $0x2  }
0x183: {  	[tilespmem:s28], [sflag:$0x2] =	stream.indirect_vreg.gather [hbm4b:s1+s3], $0x80, v4, vm0, $0xb8;
	[tilespmem:$0x1A300] =	vst v63  }
0x184: {  	_ = 	snop  }
0x185: {  	[tilespmem:s29], [sflag:$0x2] =	stream.indirect_vreg.gather [hbm4b:s1+s3], $0x80, v3, vm0, $0xb8;
	[tilespmem:$0x1A300] =	vst v63  }
0x186: {  	v3 =	vld [tilespmem:$0x1C0];
	_ =	sdelay $0x4  }
0x187: {  	v60 =	vshll.u32 v3, $0x1  }
0x188: {  	v3 =	vand.u32 $0x7, v3;
	v4 =	vand.u32 $0xFFFFFFF0, v60  }
0x189: {  	v3 =	vor.u32 v3, v4  }
0x18a: {  	v4 =	vperm.xlane v3, v0;
	_ =	sdelay $0x1  }
0x18b: {  	v3 =	vperm.xlane v3, v2;
	v4 =	vadd.s32 v1, v4;
	_ =	sdelay $0x1  }
0x18c: {  	v3 =	vadd.s32 v1, v3;
	_ =	sdelay $0x2  }
0x18d: {  	[tilespmem:s30], [sflag:$0x2] =	stream.indirect_vreg.gather [hbm4b:s1+s3], $0x80, v4, vm0, $0xb8;
	[tilespmem:$0x1A300] =	vst v63  }
0x18e: {  	_ = 	snop  }
0x18f: {  	[tilespmem:s31], [sflag:$0x2] =	stream.indirect_vreg.gather [hbm4b:s1+s3], $0x80, v3, vm0, $0xb8;
	[tilespmem:$0x1A300] =	vst v63  }
0x190: {  	v3 =	vld [tilespmem:$0x1D0];
	_ =	sdelay $0x4  }
0x191: {  	v61 =	vshll.u32 v3, $0x1  }
0x192: {  	v3 =	vand.u32 $0x7, v3;
	v4 =	vand.u32 $0xFFFFFFF0, v61  }
0x193: {  	v3 =	vor.u32 v3, v4  }
0x194: {  	v4 =	vperm.xlane v3, v0;
	_ =	sdelay $0x1  }
0x195: {  	v3 =	vperm.xlane v3, v2;
	v4 =	vadd.s32 v1, v4;
	_ =	sdelay $0x1  }
0x196: {  	v3 =	vadd.s32 v1, v3;
	_ =	sdelay $0x2  }
0x197: {  	[tilespmem:s0], [sflag:$0x2] =	stream.indirect_vreg.gather [hbm4b:s1+s3], $0x80, v4, vm0, $0xb8;
	[tilespmem:$0x1A300] =	vst v63  }
0x198: {  	_ = 	snop  }
0x199: {  	[tilespmem:s2], [sflag:$0x2] =	stream.indirect_vreg.gather [hbm4b:s1+s3], $0x80, v3, vm0, $0xb8;
	[tilespmem:$0x1A300] =	vst v63  }
0x19a: {  	v3 =	vld [tilespmem:$0x1E0];
	_ =	sdelay $0x4  }
0x19b: {  	v62 =	vshll.u32 v3, $0x1  }
0x19c: {  	v3 =	vand.u32 $0x7, v3;
	v4 =	vand.u32 $0xFFFFFFF0, v62  }
0x19d: {  	v3 =	vor.u32 v3, v4  }
0x19e: {  	v4 =	vperm.xlane v3, v0;
	_ =	sdelay $0x1  }
0x19f: {  	v3 =	vperm.xlane v3, v2;
	v4 =	vadd.s32 v1, v4;
	_ =	sdelay $0x1  }
0x1a0: {  	v3 =	vadd.s32 v1, v3;
	_ =	sdelay $0x2  }
0x1a1: {  	[tilespmem:s17], [sflag:$0x2] =	stream.indirect_vreg.gather [hbm4b:s1+s3], $0x80, v4, vm0, $0xb8;
	[tilespmem:$0x1A300] =	vst v63  }
0x1a2: {  	_ = 	snop  }
0x1a3: {  	[tilespmem:s18], [sflag:$0x2] =	stream.indirect_vreg.gather [hbm4b:s1+s3], $0x80, v3, vm0, $0xb8;
	[tilespmem:$0x1A300] =	vst v63  }
0x1a4: {  	v3 =	vld [tilespmem:$0x1F0];
	_ =	sdelay $0x4  }
0x1a5: {  	v63 =	vshll.u32 v3, $0x1  }
0x1a6: {  	v3 =	vand.u32 $0x7, v3;
	v4 =	vand.u32 $0xFFFFFFF0, v63  }
0x1a7: {  	v3 =	vor.u32 v3, v4  }
0x1a8: {  	v4 =	vperm.xlane v3, v0;
	_ =	sdelay $0x1  }
0x1a9: {  	v3 =	vperm.xlane v3, v2;
	v4 =	vadd.s32 v1, v4;
	_ =	sdelay $0x1  }
0x1aa: {  	v3 =	vadd.s32 v1, v3;
	_ =	sdelay $0x2  }
0x1ab: {  	[tilespmem:s19], [sflag:$0x2] =	stream.indirect_vreg.gather [hbm4b:s1+s3], $0x80, v4, vm0, $0xb8;
	[tilespmem:$0x1A300] =	vst v63  }
0x1ac: {  	_ = 	snop  }
0x1ad: {  	[tilespmem:s12], [sflag:$0x2] =	stream.indirect_vreg.gather [hbm4b:s1+s3], $0x80, v3, vm0, $0xb8;
	[tilespmem:$0x1A300] =	vst v63  }
0x1ae: {  	_ =	swait.ge [sflag:s7], $0x8000  }
0x1af: {  	[sflag:s7] =	ssyncset.done $0x0  }
0x1b0: {  	s15 =	rddreg [dreg:$0x9];
	[sflag:s7] =	ssyncadd.s32 $0xFFFF8000  }
0x1b1: {  	[hbm4b:s15+s3] =	stream.linear.scatter [tilespmem:s13], [sflag:$0x6], $0x8000, $0x38;
	[tilespmem:$0x1A300] =	vst v63  }
0x1b2: {  	_ =	swait.ge [sflag:s8], $0x8000  }
0x1b3: {  	[sflag:s8] =	ssyncset.done $0x0  }
0x1b4: {  	s14 =	rddreg [dreg:$0xa];
	[sflag:s8] =	ssyncadd.s32 $0xFFFF8000  }
0x1b5: {  	[hbm4b:s14+s3] =	stream.linear.scatter [tilespmem:s4], [sflag:$0x7], $0x8000, $0x38;
	[tilespmem:$0x1A300] =	vst v63  }
0x1b6: {  	_ =	swait.ge [sflag:s5], $0x8000  }
0x1b7: {  	[sflag:s5] =	ssyncset.done $0x0  }
0x1b8: {  	s15 =	rddreg [dreg:$0xb];
	[sflag:s5] =	ssyncadd.s32 $0xFFFF8000  }
0x1b9: {  	[hbm4b:s15+s3] =	stream.linear.scatter [tilespmem:s21], [sflag:$0x5], $0x8000, $0x38;
	[tilespmem:$0x1A300] =	vst v63  }
0x1ba: {  	_ =	swait.ge [sflag:s9], $0x8000  }
0x1bb: {  	[sflag:s9] =	ssyncset.done $0x0  }
0x1bc: {  	[sflag:s9] =	ssyncadd.s32 $0xFFFF8000  }
0x1bd: {  	_ =	swait.ge [sflag:s10], $0x8000  }
.Ltmp2:
0x1be: {  	[sflag:s10] =	ssyncset.done $0x0;
	(pc) =	sbr.rel @p0 .LBB2_3-.Ltmp2, $4  }
0x1bf: {  	[sflag:s10] =	ssyncadd.s32 $0xFFFF8000  }
0x1c0: {  	_ =	swait.ge [sflag:s6], $0x8000  }
0x1c1: {  	[sflag:s6] =	ssyncset.done $0x0  }
0x1c2: {  	[sflag:s6] =	ssyncadd.s32 $0xFFFF8000  }
0x1c3: {  	s11 =	rddreg [dreg:$0xc];
	s14 =	simm.s32 $0x200  }
0x1c4: {  	[tilespmem:s14], [sflag:$0xA] =	stream.linear.gather [hbm4b:s11+s3], $0x80, $0x38;
	[tilespmem:$0x1A300] =	vst v63  }
0x1c5: {  	s14 =	simm.s32 $0xA  }
0x1c6: {  	_ =	swait.ge [sflag:s14], $0x80  }
0x1c7: {  	[sflag:s14] =	ssyncset.done $0x0  }
0x1c8: {  	[sflag:s14] =	ssyncadd.s32 $0xFFFFFF80  }
0x1c9: {  	v3 =	vld [tilespmem:$0x200];
	_ =	sdelay $0x4  }
0x1ca: {  	v4 =	vshll.u32 v3, $0x1  }
0x1cb: {  	v3 =	vand.u32 $0x7, v3;
	v4 =	vand.u32 $0xFFFFFFF0, v4  }
0x1cc: {  	v3 =	vor.u32 v3, v4  }
0x1cd: {  	v4 =	vperm.xlane v3, v0;
	_ =	sdelay $0x1  }
0x1ce: {  	v3 =	vperm.xlane v3, v2;
	v4 =	vadd.s32 v1, v4;
	_ =	sdelay $0x1  }
0x1cf: {  	v3 =	vadd.s32 v1, v3;
	_ =	sdelay $0x2  }
0x1d0: {  	[tilespmem:s21], [sflag:$0x2] =	stream.indirect_vreg.gather [hbm4b:s1+s3], $0x80, v4, vm0, $0xb8;
	[tilespmem:$0x1A300] =	vst v63  }
0x1d1: {  	_ = 	snop  }
0x1d2: {  	[tilespmem:s22], [sflag:$0x2] =	stream.indirect_vreg.gather [hbm4b:s1+s3], $0x80, v3, vm0, $0xb8;
	[tilespmem:$0x1A300] =	vst v63  }
0x1d3: {  	v3 =	vld [tilespmem:$0x210];
	_ =	sdelay $0x4  }
0x1d4: {  	v57 =	vshll.u32 v3, $0x1  }
0x1d5: {  	v3 =	vand.u32 $0x7, v3;
	v4 =	vand.u32 $0xFFFFFFF0, v57  }
0x1d6: {  	v3 =	vor.u32 v3, v4  }
0x1d7: {  	v4 =	vperm.xlane v3, v0;
	_ =	sdelay $0x1  }
0x1d8: {  	v3 =	vperm.xlane v3, v2;
	v4 =	vadd.s32 v1, v4;
	_ =	sdelay $0x1  }
0x1d9: {  	v3 =	vadd.s32 v1, v3;
	_ =	sdelay $0x2  }
0x1da: {  	[tilespmem:s23], [sflag:$0x2] =	stream.indirect_vreg.gather [hbm4b:s1+s3], $0x80, v4, vm0, $0xb8;
	[tilespmem:$0x1A300] =	vst v63  }
0x1db: {  	_ = 	snop  }
0x1dc: {  	[tilespmem:s24], [sflag:$0x2] =	stream.indirect_vreg.gather [hbm4b:s1+s3], $0x80, v3, vm0, $0xb8;
	[tilespmem:$0x1A300] =	vst v63  }
0x1dd: {  	v3 =	vld [tilespmem:$0x220];
	_ =	sdelay $0x4  }
0x1de: {  	v58 =	vshll.u32 v3, $0x1  }
0x1df: {  	v3 =	vand.u32 $0x7, v3;
	v4 =	vand.u32 $0xFFFFFFF0, v58  }
0x1e0: {  	v3 =	vor.u32 v3, v4  }
0x1e1: {  	v4 =	vperm.xlane v3, v0;
	_ =	sdelay $0x1  }
0x1e2: {  	v3 =	vperm.xlane v3, v2;
	v4 =	vadd.s32 v1, v4;
	_ =	sdelay $0x1  }
0x1e3: {  	v3 =	vadd.s32 v1, v3;
	_ =	sdelay $0x2  }
0x1e4: {  	[tilespmem:s25], [sflag:$0x2] =	stream.indirect_vreg.gather [hbm4b:s1+s3], $0x80, v4, vm0, $0xb8;
	[tilespmem:$0x1A300] =	vst v63  }
0x1e5: {  	_ = 	snop  }
0x1e6: {  	[tilespmem:s26], [sflag:$0x2] =	stream.indirect_vreg.gather [hbm4b:s1+s3], $0x80, v3, vm0, $0xb8;
	[tilespmem:$0x1A300] =	vst v63  }
0x1e7: {  	v3 =	vld [tilespmem:$0x230];
	_ =	sdelay $0x4  }
0x1e8: {  	v59 =	vshll.u32 v3, $0x1  }
0x1e9: {  	v3 =	vand.u32 $0x7, v3;
	v4 =	vand.u32 $0xFFFFFFF0, v59  }
0x1ea: {  	v3 =	vor.u32 v3, v4  }
0x1eb: {  	v4 =	vperm.xlane v3, v0;
	_ =	sdelay $0x1  }
0x1ec: {  	v3 =	vperm.xlane v3, v2;
	v4 =	vadd.s32 v1, v4;
	_ =	sdelay $0x1  }
0x1ed: {  	v3 =	vadd.s32 v1, v3;
	_ =	sdelay $0x2  }
0x1ee: {  	[tilespmem:s28], [sflag:$0x2] =	stream.indirect_vreg.gather [hbm4b:s1+s3], $0x80, v4, vm0, $0xb8;
	[tilespmem:$0x1A300] =	vst v63  }
0x1ef: {  	_ = 	snop  }
0x1f0: {  	[tilespmem:s29], [sflag:$0x2] =	stream.indirect_vreg.gather [hbm4b:s1+s3], $0x80, v3, vm0, $0xb8;
	[tilespmem:$0x1A300] =	vst v63  }
0x1f1: {  	v3 =	vld [tilespmem:$0x240];
	_ =	sdelay $0x4  }
0x1f2: {  	v60 =	vshll.u32 v3, $0x1  }
0x1f3: {  	v3 =	vand.u32 $0x7, v3;
	v4 =	vand.u32 $0xFFFFFFF0, v60  }
0x1f4: {  	v3 =	vor.u32 v3, v4  }
0x1f5: {  	v4 =	vperm.xlane v3, v0;
	_ =	sdelay $0x1  }
0x1f6: {  	v3 =	vperm.xlane v3, v2;
	v4 =	vadd.s32 v1, v4;
	_ =	sdelay $0x1  }
0x1f7: {  	v3 =	vadd.s32 v1, v3;
	_ =	sdelay $0x2  }
0x1f8: {  	[tilespmem:s30], [sflag:$0x2] =	stream.indirect_vreg.gather [hbm4b:s1+s3], $0x80, v4, vm0, $0xb8;
	[tilespmem:$0x1A300] =	vst v63  }
0x1f9: {  	_ = 	snop  }
0x1fa: {  	[tilespmem:s31], [sflag:$0x2] =	stream.indirect_vreg.gather [hbm4b:s1+s3], $0x80, v3, vm0, $0xb8;
	[tilespmem:$0x1A300] =	vst v63  }
0x1fb: {  	v3 =	vld [tilespmem:$0x250];
	_ =	sdelay $0x4  }
0x1fc: {  	v61 =	vshll.u32 v3, $0x1  }
0x1fd: {  	v3 =	vand.u32 $0x7, v3;
	v4 =	vand.u32 $0xFFFFFFF0, v61  }
0x1fe: {  	v3 =	vor.u32 v3, v4  }
0x1ff: {  	v4 =	vperm.xlane v3, v0;
	_ =	sdelay $0x1  }
0x200: {  	v3 =	vperm.xlane v3, v2;
	v4 =	vadd.s32 v1, v4;
	_ =	sdelay $0x1  }
0x201: {  	v3 =	vadd.s32 v1, v3;
	_ =	sdelay $0x2  }
0x202: {  	[tilespmem:s0], [sflag:$0x2] =	stream.indirect_vreg.gather [hbm4b:s1+s3], $0x80, v4, vm0, $0xb8;
	[tilespmem:$0x1A300] =	vst v63  }
0x203: {  	_ = 	snop  }
0x204: {  	[tilespmem:s2], [sflag:$0x2] =	stream.indirect_vreg.gather [hbm4b:s1+s3], $0x80, v3, vm0, $0xb8;
	[tilespmem:$0x1A300] =	vst v63  }
0x205: {  	v3 =	vld [tilespmem:$0x260];
	_ =	sdelay $0x4  }
0x206: {  	v62 =	vshll.u32 v3, $0x1  }
0x207: {  	v3 =	vand.u32 $0x7, v3;
	v4 =	vand.u32 $0xFFFFFFF0, v62  }
0x208: {  	v3 =	vor.u32 v3, v4  }
0x209: {  	v4 =	vperm.xlane v3, v0;
	_ =	sdelay $0x1  }
0x20a: {  	v3 =	vperm.xlane v3, v2;
	v4 =	vadd.s32 v1, v4;
	_ =	sdelay $0x1  }
0x20b: {  	v3 =	vadd.s32 v1, v3;
	_ =	sdelay $0x2  }
0x20c: {  	[tilespmem:s17], [sflag:$0x2] =	stream.indirect_vreg.gather [hbm4b:s1+s3], $0x80, v4, vm0, $0xb8;
	[tilespmem:$0x1A300] =	vst v63  }
0x20d: {  	_ = 	snop  }
0x20e: {  	[tilespmem:s18], [sflag:$0x2] =	stream.indirect_vreg.gather [hbm4b:s1+s3], $0x80, v3, vm0, $0xb8;
	[tilespmem:$0x1A300] =	vst v63  }
0x20f: {  	v3 =	vld [tilespmem:$0x270];
	_ =	sdelay $0x4  }
0x210: {  	v63 =	vshll.u32 v3, $0x1  }
0x211: {  	v3 =	vand.u32 $0x7, v3;
	v4 =	vand.u32 $0xFFFFFFF0, v63  }
0x212: {  	v3 =	vor.u32 v3, v4  }
0x213: {  	v4 =	vperm.xlane v3, v0;
	_ =	sdelay $0x1  }
0x214: {  	v3 =	vperm.xlane v3, v2;
	v4 =	vadd.s32 v1, v4;
	_ =	sdelay $0x1  }
0x215: {  	v3 =	vadd.s32 v1, v3;
	_ =	sdelay $0x2  }
0x216: {  	[tilespmem:s19], [sflag:$0x2] =	stream.indirect_vreg.gather [hbm4b:s1+s3], $0x80, v4, vm0, $0xb8;
	[tilespmem:$0x1A300] =	vst v63  }
0x217: {  	_ = 	snop  }
0x218: {  	[tilespmem:s12], [sflag:$0x2] =	stream.indirect_vreg.gather [hbm4b:s1+s3], $0x80, v3, vm0, $0xb8;
	[tilespmem:$0x1A300] =	vst v63  }
0x219: {  	_ =	swait.ge [sflag:s5], $0x8000  }
0x21a: {  	[sflag:s5] =	ssyncset.done $0x0  }
.Ltmp3:
0x21b: {  	s15 =	rddreg [dreg:$0xd];
	[sflag:s5] =	ssyncadd.s32 $0xFFFF8000;
	(pc) =	sbr.rel .LBB2_3-.Ltmp3, $4  }
0x21c: {  	[hbm4b:s15+s3] =	stream.linear.scatter [tilespmem:s21], [sflag:$0x5], $0x8000, $0x38;
	[tilespmem:$0x1A300] =	vst v63  }
0x21d: {  	_ =	swait.ge [sflag:s6], $0x8000  }
0x21e: {  	[sflag:s6] =	ssyncset.done $0x0  }
0x21f: {  	[sflag:s6] =	ssyncadd.s32 $0xFFFF8000  }
.LBB2_4:
0x220: {  	_ =	sfence.sel $0x180000  }
0x221: {  	[bflag:$0x0] =	sbarrier.arrive $0xFFFF  }
0x222: {  	_ =	strace $0x9000004D  }
0x223: {  	s0 =	stileid.u32;
	[bflag:$0x2] =	sbarrier.arrive $0xFFFF  }
0x224: {  	p0 =	sne.s32 s0, $0x0;
	s0 =	rddreg [dreg:$0x3]  }
0x225: {  	s0 =	sadd.s32 @!p0 $0x100000, s0  }
0x226: {  	[sflag:s0] =	ssyncadd.tile.s32 @!p0 $0x1;
	_ =	shalt  }
.Lfunc_end2:
_tile_overlayer_lowered:
.L_overlay_start_2:
0x227: {  	(tag) =	ssettag $0x2  }
0x228: {  	s0 =	rddreg [dreg:$0x0];
	s2 =	stileid.u32  }
0x229: {  	s1 =	rddreg [dreg:$0x1];
	p0 =	sne.s32 s2, $0x0  }
0x22a: {  	s3 =	rddreg [dreg:$0x2];
	[bflag:$0x3] =	sbarrier.arrive $0xFFFF;
	s2 =	simm.s32 @!p0 $0x1C0A  }
0x22b: {  	[timem:s3], [sflag:s2] =	dma.local @!p0 [hbm:s0], s1  }
0x22c: {  	s0 =	simm.s32 @!p0 $0xA  }
0x22d: {  	_ =	swait.ge @!p0 [sflag:s0], s1  }
0x22e: {  	s1 =	ssub.s32 @!p0 $0x0, s1;
	[sflag:s0] =	ssyncset.done @!p0 $0x0  }
0x22f: {  	[sflag:s0] =	ssyncadd.s32 @!p0 s1  }
0x230: {  	[bflag:$0x3] =	sbarrier.arrive $0xFFFF  }
0x231: {  	_ =	shalt  }

</sc_bundles>
